<compile_context>
chip_gen: v7x
topology: tpu7x:2x2x1
jax: 0.10.2.dev20260603
libtpu: 0.0.44.dev20260713+nightly
codegen_flags: <defaults>
</compile_context>

<pallas_src>
import functools
import jax
import jax.numpy as jnp
from jax import lax
from jax.experimental import pallas as pl
from jax.experimental.pallas import tpu as pltpu
from jax.experimental.pallas import tpu_sc as plsc

_N = 10000
_E = 320000
_FIN = 128
_H = 64
_C = 10
_G = 64

_NC = 2
_NS = 16
_NW = _NC * _NS
_B = 128
_EPT = 10240
_NCH = _EPT // _B
_EPTR = _E // _NW
_PAD = _EPT - _EPTR
_NPAD = _N + _PAD
_RPT = _N // _NS
_GRT = _NPAD // _NS
_DEGW = 16

_mesh = plsc.VectorSubcoreMesh(core_axis_name="c", subcore_axis_name="s")
_sc_params = pltpu.CompilerParams(use_tc_tiling_on_sc=False)



@functools.partial(
    pl.kernel,
    out_type=jax.ShapeDtypeStruct((_NC, _NS, _RPT, _DEGW), jnp.float32),
    mesh=_mesh,
    scratch_types=[
        pltpu.VMEM((_NCH, _B), jnp.int32),
        pltpu.VMEM((_B, _DEGW), jnp.float32),
        pltpu.VMEM_SHARED((_NPAD, _DEGW), jnp.float32),
        pltpu.SemaphoreType.DMA,
        pltpu.SemaphoreType.DMA,
        pltpu.SemaphoreType.DMA,
    ],
    compiler_params=_sc_params,
)
def _deg_kernel(dst_hbm, zeros_hbm, ones_hbm, out_hbm, dst_v, ones_v, acc_sh,
                sem, sem1, sem2):
    c = lax.axis_index("c")
    s = lax.axis_index("s")
    st0 = pltpu.async_copy(zeros_hbm, acc_sh.at[pl.ds(s * _RPT, _RPT)], sem)
    st1 = pltpu.async_copy(ones_hbm, ones_v, sem1)
    st2 = pltpu.async_copy(dst_hbm.at[c, s], dst_v, sem2)
    st0.wait()
    st1.wait()
    st2.wait()
    plsc.subcore_barrier()

    def body(j, carry):
        pltpu.async_copy(ones_v, acc_sh.at[dst_v.at[j]], sem, add=True)
        return carry

    lax.fori_loop(0, _NCH, body, 0)

    def drain(j, carry):
        pltpu.make_async_copy(ones_v, acc_sh.at[dst_v.at[0]], sem).wait()
        return carry

    lax.fori_loop(0, _NCH, drain, 0)
    plsc.subcore_barrier()
    pltpu.sync_copy(acc_sh.at[pl.ds(s * _RPT, _RPT)], out_hbm.at[c, s])


@functools.partial(
    pl.kernel,
    out_type=jax.ShapeDtypeStruct((_NC, _NS, _RPT, _H), jnp.float32),
    mesh=_mesh,
    scratch_types=[
        pltpu.VMEM((_NCH, _B), jnp.int32),
        pltpu.VMEM((_NCH, _B), jnp.int32),
        pltpu.VMEM((_B, _H), jnp.float32),
        pltpu.VMEM((_B, _H), jnp.float32),
        pltpu.VMEM((_B, _H), jnp.float32),
        pltpu.VMEM_SHARED((_NPAD, _H), jnp.float32),
        pltpu.VMEM_SHARED((_NPAD, _H), jnp.float32),
        pltpu.SemaphoreType.DMA,
        pltpu.SemaphoreType.DMA,
        pltpu.SemaphoreType.DMA,
        pltpu.SemaphoreType.DMA,
        pltpu.SemaphoreType.DMA,
        pltpu.SemaphoreType.DMA,
    ],
    compiler_params=_sc_params,
)
def _scatter_kernel(g_hbm, src_hbm, dst_hbm, zeros_hbm, out_hbm,
                    src_v, dst_v, rows0, rows1, rows2, acc_sh, g_sh,
                    sem0, sem1, sem2, sem3, sem4, sem5):
    c = lax.axis_index("c")
    s = lax.axis_index("s")
    st0 = pltpu.async_copy(g_hbm.at[pl.ds(s * _GRT, _GRT)],
                           g_sh.at[pl.ds(s * _GRT, _GRT)], sem0)
    st1 = pltpu.async_copy(zeros_hbm, acc_sh.at[pl.ds(s * _RPT, _RPT)], sem1)
    st2 = pltpu.async_copy(src_hbm.at[c, s], src_v, sem2)
    st3 = pltpu.async_copy(dst_hbm.at[c, s], dst_v, sem3)
    st0.wait()
    st1.wait()
    st2.wait()
    st3.wait()
    plsc.subcore_barrier()

    bufs = (rows0, rows1, rows2)
    sgs = (sem0, sem1, sem2)
    sss = (sem3, sem4, sem5)

    def fire_gather(t, b):
        pltpu.async_copy(g_sh.at[src_v.at[t]], bufs[b], sgs[b])

    def wait_gather(t, b):
        pltpu.make_async_copy(g_sh.at[src_v.at[t]], bufs[b], sgs[b]).wait()

    def fire_scatter(j, b):
        pltpu.async_copy(bufs[b], acc_sh.at[dst_v.at[j]], sss[b], add=True)

    def wait_scatter(b):
        pltpu.make_async_copy(bufs[b], acc_sh.at[dst_v.at[0]], sss[b]).wait()

    fire_gather(0, 0)
    fire_gather(1, 1)
    wait_gather(0, 0)
    fire_scatter(0, 0)
    fire_gather(2, 2)
    wait_gather(1, 1)
    fire_scatter(1, 1)
    wait_scatter(0)
    fire_gather(3, 0)

    def body(i, carry):
        j0 = 3 * i + 2
        for b_off in range(3):
            j = j0 + b_off
            b = (2 + b_off) % 3
            nb = (1 + b_off) % 3
            wait_gather(j, b)
            fire_scatter(j, b)
            wait_scatter(nb)
            fire_gather(j + 2, nb)
        return carry

    lax.fori_loop(0, (_NCH - 5) // 3, body, 0)
    wait_gather(_NCH - 3, (_NCH - 3) % 3)
    fire_scatter(_NCH - 3, (_NCH - 3) % 3)
    wait_scatter((_NCH - 1) % 3)
    fire_gather(_NCH - 1, (_NCH - 1) % 3)
    wait_gather(_NCH - 2, (_NCH - 2) % 3)
    fire_scatter(_NCH - 2, (_NCH - 2) % 3)
    wait_gather(_NCH - 1, (_NCH - 1) % 3)
    fire_scatter(_NCH - 1, (_NCH - 1) % 3)
    wait_scatter((_NCH - 3) % 3)
    wait_scatter((_NCH - 2) % 3)
    wait_scatter((_NCH - 1) % 3)
    plsc.subcore_barrier()
    pltpu.sync_copy(acc_sh.at[pl.ds(s * _RPT, _RPT)], out_hbm.at[c, s])



def _prep_body(x_ref, w1_ref, degp_ref, g_ref, dinv_ref):
    deg = degp_ref[0, :, 0:1] + degp_ref[1, :, 0:1] + 1.0
    dinv = lax.rsqrt(deg)
    g = jnp.dot(x_ref[...], w1_ref[...],
                preferred_element_type=jnp.float32) * dinv
    g_ref[pl.ds(0, _N), :] = g
    g_ref[pl.ds(_N, _PAD), :] = jnp.zeros((_PAD, _H), jnp.float32)
    dinv_ref[...] = dinv


def _mid_body(accp_ref, g_ref, dinv_ref, b_ref, w_ref, gout_ref):
    dinv = dinv_ref[...]
    acc = accp_ref[0] + accp_ref[1] + g_ref[pl.ds(0, _N), :]
    h = jnp.maximum(acc * dinv + b_ref[...], 0.0)
    gout_ref[pl.ds(0, _N), :] = jnp.dot(
        h, w_ref[...], preferred_element_type=jnp.float32) * dinv
    gout_ref[pl.ds(_N, _PAD), :] = jnp.zeros((_PAD, _H), jnp.float32)


def _final_body(accp_ref, g_ref, dinv_ref, b_ref, batch_ref,
                wc1_ref, bc1_ref, wc2_ref, bc2_ref, out_ref):
    dinv = dinv_ref[...]
    acc = accp_ref[0] + accp_ref[1] + g_ref[pl.ds(0, _N), :]
    h = jnp.maximum(acc * dinv + b_ref[...], 0.0)
    seg = batch_ref[...]
    gids = lax.broadcasted_iota(jnp.int32, (_G, _N), 0)
    mask = (jnp.broadcast_to(seg, (_G, _N)) == gids).astype(jnp.float32)
    sums = jnp.dot(mask, h, preferred_element_type=jnp.float32)
    cnt = jnp.sum(mask, axis=1, keepdims=True)
    pooled = sums / jnp.maximum(cnt, 1.0)
    z = jnp.maximum(jnp.dot(pooled, wc1_ref[...],
                            preferred_element_type=jnp.float32) + bc1_ref[...],
                    0.0)
    out_ref[...] = jnp.dot(z, wc2_ref[...],
                           preferred_element_type=jnp.float32) + bc2_ref[...]


_prep_call = pl.pallas_call(
    _prep_body,
    out_shape=(jax.ShapeDtypeStruct((_NPAD, _H), jnp.float32),
               jax.ShapeDtypeStruct((_N, 1), jnp.float32)),
)

_mid_call = pl.pallas_call(
    _mid_body,
    out_shape=jax.ShapeDtypeStruct((_NPAD, _H), jnp.float32),
)

_final_call = pl.pallas_call(
    _final_body,
    out_shape=jax.ShapeDtypeStruct((_G, _C), jnp.float32),
)


@jax.jit
def kernel(x, edge_index, batch, W1, b1, W2, b2, W3, b3, Wc1, bc1, Wc2, bc2):
    pad_s = jnp.full((_NW, _PAD), _N, jnp.int32)
    pad_d = jnp.broadcast_to(_N + jnp.arange(_PAD, dtype=jnp.int32),
                             (_NW, _PAD))
    src = jnp.concatenate([edge_index[0].reshape(_NW, _EPTR), pad_s],
                          axis=1).reshape(_NC, _NS, _NCH, _B)
    dst = jnp.concatenate([edge_index[1].reshape(_NW, _EPTR), pad_d],
                          axis=1).reshape(_NC, _NS, _NCH, _B)

    zeros_deg = jnp.zeros((_RPT, _DEGW), jnp.float32)
    ones_deg = jnp.ones((_B, _DEGW), jnp.float32)
    zeros_h = jnp.zeros((_RPT, _H), jnp.float32)

    degp = _deg_kernel(dst, zeros_deg, ones_deg).reshape(_NC, _N, _DEGW)
    g1, dinv = _prep_call(x, W1, degp)

    def scatter(g):
        return _scatter_kernel(g, src, dst, zeros_h).reshape(_NC, _N, _H)

    acc1 = scatter(g1)
    g2 = _mid_call(acc1, g1, dinv, b1.reshape(1, _H), W2)
    acc2 = scatter(g2)
    g3 = _mid_call(acc2, g2, dinv, b2.reshape(1, _H), W3)
    acc3 = scatter(g3)

    out = _final_call(acc3, g3, dinv, b3.reshape(1, _H),
                      batch.reshape(1, _N), Wc1, bc1.reshape(1, _H // 2),
                      Wc2, bc2.reshape(1, _C))
    return out

# --- scband reference (transcript-rebuilt; emitter-appended) ---
"""Pipeline reference for scband-gnnmodel-1795296329975 (READ-ONLY COPY).

The authoritative reference and input builder live on the scoring server;
editing this copy changes nothing except your own understanding.
"""

import jax, jax.numpy as jnp
import numpy as np

N = 10000
E = 320000
F_IN = 128
H = 64
C = 10
G = 64


def gcn_conv(x, edge_index, W, b, num_nodes):
    src = edge_index[0]
    dst = edge_index[1]
    loop = jnp.arange(num_nodes, dtype=src.dtype)
    src = jnp.concatenate([src, loop])
    dst = jnp.concatenate([dst, loop])
    deg = jnp.zeros((num_nodes,), x.dtype).at[dst].add(1.0)
    dinv = jnp.where(deg > 0, 1.0 / jnp.sqrt(deg), 0.0)
    norm = dinv[src] * dinv[dst]
    h = x @ W
    msg = h[src] * norm[:, None]
    out = jnp.zeros((num_nodes, W.shape[1]), x.dtype).at[dst].add(msg)
    return out + b


def setup_inputs(seed: int = 0):
    key = jax.random.key(seed)
    ks = jax.random.split(key, 13)
    x = jax.random.normal(ks[0], (N, F_IN), dtype=jnp.float32)
    edge_index = jax.random.randint(ks[1], (2, E), 0, N, dtype=jnp.int32)
    batch = jnp.sort(jax.random.randint(ks[2], (N,), 0, G, dtype=jnp.int32))
    W1 = jax.random.normal(ks[3], (F_IN, H), dtype=jnp.float32) * 0.05
    b1 = jnp.zeros((H,), jnp.float32)
    W2 = jax.random.normal(ks[4], (H, H), dtype=jnp.float32) * 0.05
    b2 = jnp.zeros((H,), jnp.float32)
    W3 = jax.random.normal(ks[5], (H, H), dtype=jnp.float32) * 0.05
    b3 = jnp.zeros((H,), jnp.float32)
    Wc1 = jax.random.normal(ks[6], (H, H // 2), dtype=jnp.float32) * 0.05
    bc1 = jnp.zeros((H // 2,), jnp.float32)
    Wc2 = jax.random.normal(ks[7], (H // 2, C), dtype=jnp.float32) * 0.05
    bc2 = jnp.zeros((C,), jnp.float32)
    return {"x": x, "edge_index": edge_index, "batch": batch,
            "W1": W1, "b1": b1, "W2": W2, "b2": b2, "W3": W3, "b3": b3,
            "Wc1": Wc1, "bc1": bc1, "Wc2": Wc2, "bc2": bc2}


def reference(x, edge_index, batch, W1, b1, W2, b2, W3, b3, Wc1, bc1, Wc2, bc2):
    # GCNConv stack (eval mode: dropouts are identity)
    h = jax.nn.relu(gcn_conv(x, edge_index, W1, b1, N))
    h = jax.nn.relu(gcn_conv(h, edge_index, W2, b2, N))
    h = jax.nn.relu(gcn_conv(h, edge_index, W3, b3, N))
    # global_mean_pool
    sums = jax.ops.segment_sum(h, batch, num_segments=G)
    cnt = jax.ops.segment_sum(jnp.ones((N, 1), h.dtype), batch, num_segments=G)
    pooled = sums / jnp.maximum(cnt, 1.0)
    # classifier MLP
    z = jax.nn.relu(pooled @ Wc1 + bc1)
    return z @ Wc2 + bc2

if __name__ == "__main__":
    import jax
    _d = setup_inputs()
    print(jax.jit(kernel)(*tuple(_d.values())))

</pallas_src>

<mosaic_0001>
#map = affine_map<(d0, d1) -> (0, 0)>
#map1 = affine_map<(d0, d1) -> (0, 0, 0, 0)>
module attributes {stable_mosaic.version = 14 : i64} {
  func.func @_scatter_kernel(%arg0: i32, %arg1: i32, %arg2: memref<10240x64xf32, #tpu.memory_space<hbm>>, %arg3: memref<2x16x80x128xi32, #tpu.memory_space<hbm>>, %arg4: memref<2x16x80x128xi32, #tpu.memory_space<hbm>>, %arg5: memref<625x64xf32, #tpu.memory_space<hbm>>, %arg6: memref<2x16x625x64xf32, #tpu.memory_space<hbm>>, %arg7: memref<80x128xi32, #tpu.memory_space<vmem>>, %arg8: memref<80x128xi32, #tpu.memory_space<vmem>>, %arg9: memref<128x64xf32, #tpu.memory_space<vmem>>, %arg10: memref<128x64xf32, #tpu.memory_space<vmem>>, %arg11: memref<128x64xf32, #tpu.memory_space<vmem>>, %arg12: memref<10240x64xf32, #tpu.memory_space<vmem_shared>>, %arg13: memref<10240x64xf32, #tpu.memory_space<vmem_shared>>, %arg14: memref<!tpu.dma_semaphore, #tpu.memory_space<semaphore_mem>>, %arg15: memref<!tpu.dma_semaphore, #tpu.memory_space<semaphore_mem>>, %arg16: memref<!tpu.dma_semaphore, #tpu.memory_space<semaphore_mem>>, %arg17: memref<!tpu.dma_semaphore, #tpu.memory_space<semaphore_mem>>, %arg18: memref<!tpu.dma_semaphore, #tpu.memory_space<semaphore_mem>>, %arg19: memref<!tpu.dma_semaphore, #tpu.memory_space<semaphore_mem>>) attributes {dimension_semantics = [#tpu.dimension_semantics<core_parallel>, #tpu.dimension_semantics<subcore_parallel>], iteration_bounds = array<i64: 2, 16>, scalar_prefetch = 0 : i64, scratch_operands = 13 : i64, tpu.core_type = #tpu.core_type<sc_vector_subcore>, window_params = [{transform_indices = #map}, {transform_indices = #map1}, {transform_indices = #map1}, {transform_indices = #map}, {transform_indices = #map1}]} {
    %mul3A = arith.constant 640 : i32
    %mul3A_0 = arith.muli %arg1, %mul3A : i32
    %mul3A_1 = arith.constant 640 : i32
    %mul3A_2 = arith.muli %arg1, %mul3A_1 : i32
    %dma_start3A = arith.constant 0 : i32
    %dma_start3A_3 = tpu.memref_slice %arg13[%mul3A_2, %dma_start3A] : memref<10240x64xf32, #tpu.memory_space<vmem_shared>> -> memref<640x64xf32, #tpu.memory_space<vmem_shared>>
    %dma_start3A_4 = arith.constant 0 : i32
    %dma_start3A_5 = tpu.memref_slice %arg2[%mul3A_0, %dma_start3A_4] : memref<10240x64xf32, #tpu.memory_space<hbm>> -> memref<640x64xf32, #tpu.memory_space<hbm>>
    tpu.enqueue_dma source(%dma_start3A_5 : memref<640x64xf32, #tpu.memory_space<hbm>>) target(%dma_start3A_3 : memref<640x64xf32, #tpu.memory_space<vmem_shared>>) target_semaphore(%arg14 : memref<!tpu.dma_semaphore, #tpu.memory_space<semaphore_mem>>)
    %mul3A_6 = arith.constant 625 : i32
    %mul3A_7 = arith.muli %arg1, %mul3A_6 : i32
    %dma_start3A_8 = arith.constant 0 : i32
    %dma_start3A_9 = tpu.memref_slice %arg12[%mul3A_7, %dma_start3A_8] : memref<10240x64xf32, #tpu.memory_space<vmem_shared>> -> memref<625x64xf32, #tpu.memory_space<vmem_shared>>
    tpu.enqueue_dma source(%arg5 : memref<625x64xf32, #tpu.memory_space<hbm>>) target(%dma_start3A_9 : memref<625x64xf32, #tpu.memory_space<vmem_shared>>) target_semaphore(%arg15 : memref<!tpu.dma_semaphore, #tpu.memory_space<semaphore_mem>>)
    %dma_start3A_10 = arith.constant 0 : i32
    %dma_start3A_11 = arith.constant 0 : i32
    %dma_start3A_12 = tpu.memref_slice %arg3[%arg0, %arg1, %dma_start3A_10, %dma_start3A_11] : memref<2x16x80x128xi32, #tpu.memory_space<hbm>> -> memref<1x1x80x128xi32, #tpu.memory_space<hbm>>
    %dma_start3A_13 = tpu.memref_squeeze %dma_start3A_12 : memref<1x1x80x128xi32, #tpu.memory_space<hbm>> -> memref<80x128xi32, #tpu.memory_space<hbm>>
    %dma_start3A_14 = arith.constant 0 : i32
    %dma_start3A_15 = arith.constant 0 : i32
    %dma_start3A_16 = tpu.memref_slice %arg3[%arg0, %arg1, %dma_start3A_14, %dma_start3A_15] : memref<2x16x80x128xi32, #tpu.memory_space<hbm>> -> memref<1x1x80x128xi32, #tpu.memory_space<hbm>>
    %dma_start3A_17 = tpu.memref_squeeze %dma_start3A_16 : memref<1x1x80x128xi32, #tpu.memory_space<hbm>> -> memref<80x128xi32, #tpu.memory_space<hbm>>
    tpu.enqueue_dma source(%dma_start3A_17 : memref<80x128xi32, #tpu.memory_space<hbm>>) target(%arg7 : memref<80x128xi32, #tpu.memory_space<vmem>>) target_semaphore(%arg16 : memref<!tpu.dma_semaphore, #tpu.memory_space<semaphore_mem>>)
    %dma_start3A_18 = arith.constant 0 : i32
    %dma_start3A_19 = arith.constant 0 : i32
    %dma_start3A_20 = tpu.memref_slice %arg4[%arg0, %arg1, %dma_start3A_18, %dma_start3A_19] : memref<2x16x80x128xi32, #tpu.memory_space<hbm>> -> memref<1x1x80x128xi32, #tpu.memory_space<hbm>>
    %dma_start3A_21 = tpu.memref_squeeze %dma_start3A_20 : memref<1x1x80x128xi32, #tpu.memory_space<hbm>> -> memref<80x128xi32, #tpu.memory_space<hbm>>
    %dma_start3A_22 = arith.constant 0 : i32
    %dma_start3A_23 = arith.constant 0 : i32
    %dma_start3A_24 = tpu.memref_slice %arg4[%arg0, %arg1, %dma_start3A_22, %dma_start3A_23] : memref<2x16x80x128xi32, #tpu.memory_space<hbm>> -> memref<1x1x80x128xi32, #tpu.memory_space<hbm>>
    %dma_start3A_25 = tpu.memref_squeeze %dma_start3A_24 : memref<1x1x80x128xi32, #tpu.memory_space<hbm>> -> memref<80x128xi32, #tpu.memory_space<hbm>>
    tpu.enqueue_dma source(%dma_start3A_25 : memref<80x128xi32, #tpu.memory_space<hbm>>) target(%arg8 : memref<80x128xi32, #tpu.memory_space<vmem>>) target_semaphore(%arg17 : memref<!tpu.dma_semaphore, #tpu.memory_space<semaphore_mem>>)
    %dma_wait3A = arith.constant 0 : i32
    %dma_wait3A_26 = tpu.memref_slice %arg13[%mul3A_2, %dma_wait3A] : memref<10240x64xf32, #tpu.memory_space<vmem_shared>> -> memref<640x64xf32, #tpu.memory_space<vmem_shared>>
    %dma_wait3A_27 = arith.constant 0 : i32
    %dma_wait3A_28 = tpu.memref_slice %arg2[%mul3A_0, %dma_wait3A_27] : memref<10240x64xf32, #tpu.memory_space<hbm>> -> memref<640x64xf32, #tpu.memory_space<hbm>>
    tpu.wait_dma2 semaphore(%arg14 : memref<!tpu.dma_semaphore, #tpu.memory_space<semaphore_mem>>) src(%dma_wait3A_28 : memref<640x64xf32, #tpu.memory_space<hbm>>) dst(%dma_wait3A_26 : memref<640x64xf32, #tpu.memory_space<vmem_shared>>)
    %dma_wait3A_29 = arith.constant 0 : i32
    %dma_wait3A_30 = tpu.memref_slice %arg12[%mul3A_7, %dma_wait3A_29] : memref<10240x64xf32, #tpu.memory_space<vmem_shared>> -> memref<625x64xf32, #tpu.memory_space<vmem_shared>>
    tpu.wait_dma2 semaphore(%arg15 : memref<!tpu.dma_semaphore, #tpu.memory_space<semaphore_mem>>) src(%arg5 : memref<625x64xf32, #tpu.memory_space<hbm>>) dst(%dma_wait3A_30 : memref<625x64xf32, #tpu.memory_space<vmem_shared>>)
    %dma_wait3A_31 = arith.constant 0 : i32
    %dma_wait3A_32 = arith.constant 0 : i32
    %dma_wait3A_33 = tpu.memref_slice %arg3[%arg0, %arg1, %dma_wait3A_31, %dma_wait3A_32] : memref<2x16x80x128xi32, #tpu.memory_space<hbm>> -> memref<1x1x80x128xi32, #tpu.memory_space<hbm>>
    %dma_wait3A_34 = tpu.memref_squeeze %dma_wait3A_33 : memref<1x1x80x128xi32, #tpu.memory_space<hbm>> -> memref<80x128xi32, #tpu.memory_space<hbm>>
    %dma_wait3A_35 = arith.constant 0 : i32
    %dma_wait3A_36 = arith.constant 0 : i32
    %dma_wait3A_37 = tpu.memref_slice %arg3[%arg0, %arg1, %dma_wait3A_35, %dma_wait3A_36] : memref<2x16x80x128xi32, #tpu.memory_space<hbm>> -> memref<1x1x80x128xi32, #tpu.memory_space<hbm>>
    %dma_wait3A_38 = tpu.memref_squeeze %dma_wait3A_37 : memref<1x1x80x128xi32, #tpu.memory_space<hbm>> -> memref<80x128xi32, #tpu.memory_space<hbm>>
    tpu.wait_dma2 semaphore(%arg16 : memref<!tpu.dma_semaphore, #tpu.memory_space<semaphore_mem>>) src(%dma_wait3A_38 : memref<80x128xi32, #tpu.memory_space<hbm>>) dst(%arg7 : memref<80x128xi32, #tpu.memory_space<vmem>>)
    %dma_wait3A_39 = arith.constant 0 : i32
    %dma_wait3A_40 = arith.constant 0 : i32
    %dma_wait3A_41 = tpu.memref_slice %arg4[%arg0, %arg1, %dma_wait3A_39, %dma_wait3A_40] : memref<2x16x80x128xi32, #tpu.memory_space<hbm>> -> memref<1x1x80x128xi32, #tpu.memory_space<hbm>>
    %dma_wait3A_42 = tpu.memref_squeeze %dma_wait3A_41 : memref<1x1x80x128xi32, #tpu.memory_space<hbm>> -> memref<80x128xi32, #tpu.memory_space<hbm>>
    %dma_wait3A_43 = arith.constant 0 : i32
    %dma_wait3A_44 = arith.constant 0 : i32
    %dma_wait3A_45 = tpu.memref_slice %arg4[%arg0, %arg1, %dma_wait3A_43, %dma_wait3A_44] : memref<2x16x80x128xi32, #tpu.memory_space<hbm>> -> memref<1x1x80x128xi32, #tpu.memory_space<hbm>>
    %dma_wait3A_46 = tpu.memref_squeeze %dma_wait3A_45 : memref<1x1x80x128xi32, #tpu.memory_space<hbm>> -> memref<80x128xi32, #tpu.memory_space<hbm>>
    tpu.wait_dma2 semaphore(%arg17 : memref<!tpu.dma_semaphore, #tpu.memory_space<semaphore_mem>>) src(%dma_wait3A_46 : memref<80x128xi32, #tpu.memory_space<hbm>>) dst(%arg8 : memref<80x128xi32, #tpu.memory_space<vmem>>)
    %barrier3A = arith.constant 0 : index
    tpu.barrier barrier_id(%barrier3A)
    %dma_start3A_47 = arith.constant 0 : i32
    %dma_start3A_48 = arith.constant 0 : i32
    %dma_start3A_49 = tpu.memref_slice %arg7[%dma_start3A_47, %dma_start3A_48] : memref<80x128xi32, #tpu.memory_space<vmem>> -> memref<1x128xi32, #tpu.memory_space<vmem>>
    %dma_start3A_50 = tpu.memref_squeeze %dma_start3A_49 : memref<1x128xi32, #tpu.memory_space<vmem>> -> memref<128xi32, #tpu.memory_space<vmem>>
    %dma_start3A_51 = arith.constant 0 : i32
    %dma_start3A_52 = arith.constant 0 : i32
    %dma_start3A_53 = tpu.memref_slice %arg13[%dma_start3A_51, %dma_start3A_52] : memref<10240x64xf32, #tpu.memory_space<vmem_shared>> -> memref<10240x64xf32, #tpu.memory_space<vmem_shared>>
    tpu.enqueue_indirect_dma source(%dma_start3A_53 : memref<10240x64xf32, #tpu.memory_space<vmem_shared>>) target(%arg9 : memref<128x64xf32, #tpu.memory_space<vmem>>) offsets(%dma_start3A_50 : memref<128xi32, #tpu.memory_space<vmem>>) semaphore(%arg14 : memref<!tpu.dma_semaphore, #tpu.memory_space<semaphore_mem>>)
    %dma_start3A_54 = arith.constant 1 : i32
    %dma_start3A_55 = arith.constant 0 : i32
    %dma_start3A_56 = tpu.memref_slice %arg7[%dma_start3A_54, %dma_start3A_55] : memref<80x128xi32, #tpu.memory_space<vmem>> -> memref<1x128xi32, #tpu.memory_space<vmem>>
    %dma_start3A_57 = tpu.memref_squeeze %dma_start3A_56 : memref<1x128xi32, #tpu.memory_space<vmem>> -> memref<128xi32, #tpu.memory_space<vmem>>
    %dma_start3A_58 = arith.constant 0 : i32
    %dma_start3A_59 = arith.constant 0 : i32
    %dma_start3A_60 = tpu.memref_slice %arg13[%dma_start3A_58, %dma_start3A_59] : memref<10240x64xf32, #tpu.memory_space<vmem_shared>> -> memref<10240x64xf32, #tpu.memory_space<vmem_shared>>
    tpu.enqueue_indirect_dma source(%dma_start3A_60 : memref<10240x64xf32, #tpu.memory_space<vmem_shared>>) target(%arg10 : memref<128x64xf32, #tpu.memory_space<vmem>>) offsets(%dma_start3A_57 : memref<128xi32, #tpu.memory_space<vmem>>) semaphore(%arg15 : memref<!tpu.dma_semaphore, #tpu.memory_space<semaphore_mem>>)
    %dma_wait3A_61 = arith.constant 0 : i32
    %dma_wait3A_62 = arith.constant 0 : i32
    %dma_wait3A_63 = tpu.memref_slice %arg7[%dma_wait3A_61, %dma_wait3A_62] : memref<80x128xi32, #tpu.memory_space<vmem>> -> memref<1x128xi32, #tpu.memory_space<vmem>>
    %dma_wait3A_64 = tpu.memref_squeeze %dma_wait3A_63 : memref<1x128xi32, #tpu.memory_space<vmem>> -> memref<128xi32, #tpu.memory_space<vmem>>
    %dma_wait3A_65 = arith.constant 0 : i32
    %dma_wait3A_66 = arith.constant 0 : i32
    %dma_wait3A_67 = tpu.memref_slice %arg13[%dma_wait3A_65, %dma_wait3A_66] : memref<10240x64xf32, #tpu.memory_space<vmem_shared>> -> memref<10240x64xf32, #tpu.memory_space<vmem_shared>>
    tpu.wait_indirect_dma semaphore(%arg14 : memref<!tpu.dma_semaphore, #tpu.memory_space<semaphore_mem>>) src(%dma_wait3A_67 : memref<10240x64xf32, #tpu.memory_space<vmem_shared>>) dst(%arg9 : memref<128x64xf32, #tpu.memory_space<vmem>>)
    %dma_start3A_68 = arith.constant 0 : i32
    %dma_start3A_69 = arith.constant 0 : i32
    %dma_start3A_70 = tpu.memref_slice %arg8[%dma_start3A_68, %dma_start3A_69] : memref<80x128xi32, #tpu.memory_space<vmem>> -> memref<1x128xi32, #tpu.memory_space<vmem>>
    %dma_start3A_71 = tpu.memref_squeeze %dma_start3A_70 : memref<1x128xi32, #tpu.memory_space<vmem>> -> memref<128xi32, #tpu.memory_space<vmem>>
    %dma_start3A_72 = arith.constant 0 : i32
    %dma_start3A_73 = arith.constant 0 : i32
    %dma_start3A_74 = tpu.memref_slice %arg12[%dma_start3A_72, %dma_start3A_73] : memref<10240x64xf32, #tpu.memory_space<vmem_shared>> -> memref<10240x64xf32, #tpu.memory_space<vmem_shared>>
    tpu.enqueue_indirect_dma source(%arg9 : memref<128x64xf32, #tpu.memory_space<vmem>>) target(%dma_start3A_74 : memref<10240x64xf32, #tpu.memory_space<vmem_shared>>) offsets(%dma_start3A_71 : memref<128xi32, #tpu.memory_space<vmem>>) semaphore(%arg17 : memref<!tpu.dma_semaphore, #tpu.memory_space<semaphore_mem>>) {add = true}
    %dma_start3A_75 = arith.constant 2 : i32
    %dma_start3A_76 = arith.constant 0 : i32
    %dma_start3A_77 = tpu.memref_slice %arg7[%dma_start3A_75, %dma_start3A_76] : memref<80x128xi32, #tpu.memory_space<vmem>> -> memref<1x128xi32, #tpu.memory_space<vmem>>
    %dma_start3A_78 = tpu.memref_squeeze %dma_start3A_77 : memref<1x128xi32, #tpu.memory_space<vmem>> -> memref<128xi32, #tpu.memory_space<vmem>>
    %dma_start3A_79 = arith.constant 0 : i32
    %dma_start3A_80 = arith.constant 0 : i32
    %dma_start3A_81 = tpu.memref_slice %arg13[%dma_start3A_79, %dma_start3A_80] : memref<10240x64xf32, #tpu.memory_space<vmem_shared>> -> memref<10240x64xf32, #tpu.memory_space<vmem_shared>>
    tpu.enqueue_indirect_dma source(%dma_start3A_81 : memref<10240x64xf32, #tpu.memory_space<vmem_shared>>) target(%arg11 : memref<128x64xf32, #tpu.memory_space<vmem>>) offsets(%dma_start3A_78 : memref<128xi32, #tpu.memory_space<vmem>>) semaphore(%arg16 : memref<!tpu.dma_semaphore, #tpu.memory_space<semaphore_mem>>)
    %dma_wait3A_82 = arith.constant 1 : i32
    %dma_wait3A_83 = arith.constant 0 : i32
    %dma_wait3A_84 = tpu.memref_slice %arg7[%dma_wait3A_82, %dma_wait3A_83] : memref<80x128xi32, #tpu.memory_space<vmem>> -> memref<1x128xi32, #tpu.memory_space<vmem>>
    %dma_wait3A_85 = tpu.memref_squeeze %dma_wait3A_84 : memref<1x128xi32, #tpu.memory_space<vmem>> -> memref<128xi32, #tpu.memory_space<vmem>>
    %dma_wait3A_86 = arith.constant 0 : i32
    %dma_wait3A_87 = arith.constant 0 : i32
    %dma_wait3A_88 = tpu.memref_slice %arg13[%dma_wait3A_86, %dma_wait3A_87] : memref<10240x64xf32, #tpu.memory_space<vmem_shared>> -> memref<10240x64xf32, #tpu.memory_space<vmem_shared>>
    tpu.wait_indirect_dma semaphore(%arg15 : memref<!tpu.dma_semaphore, #tpu.memory_space<semaphore_mem>>) src(%dma_wait3A_88 : memref<10240x64xf32, #tpu.memory_space<vmem_shared>>) dst(%arg10 : memref<128x64xf32, #tpu.memory_space<vmem>>)
    %dma_start3A_89 = arith.constant 1 : i32
    %dma_start3A_90 = arith.constant 0 : i32
    %dma_start3A_91 = tpu.memref_slice %arg8[%dma_start3A_89, %dma_start3A_90] : memref<80x128xi32, #tpu.memory_space<vmem>> -> memref<1x128xi32, #tpu.memory_space<vmem>>
    %dma_start3A_92 = tpu.memref_squeeze %dma_start3A_91 : memref<1x128xi32, #tpu.memory_space<vmem>> -> memref<128xi32, #tpu.memory_space<vmem>>
    %dma_start3A_93 = arith.constant 0 : i32
    %dma_start3A_94 = arith.constant 0 : i32
    %dma_start3A_95 = tpu.memref_slice %arg12[%dma_start3A_93, %dma_start3A_94] : memref<10240x64xf32, #tpu.memory_space<vmem_shared>> -> memref<10240x64xf32, #tpu.memory_space<vmem_shared>>
    tpu.enqueue_indirect_dma source(%arg10 : memref<128x64xf32, #tpu.memory_space<vmem>>) target(%dma_start3A_95 : memref<10240x64xf32, #tpu.memory_space<vmem_shared>>) offsets(%dma_start3A_92 : memref<128xi32, #tpu.memory_space<vmem>>) semaphore(%arg18 : memref<!tpu.dma_semaphore, #tpu.memory_space<semaphore_mem>>) {add = true}
    %dma_wait3A_96 = arith.constant 0 : i32
    %dma_wait3A_97 = arith.constant 0 : i32
    %dma_wait3A_98 = tpu.memref_slice %arg8[%dma_wait3A_96, %dma_wait3A_97] : memref<80x128xi32, #tpu.memory_space<vmem>> -> memref<1x128xi32, #tpu.memory_space<vmem>>
    %dma_wait3A_99 = tpu.memref_squeeze %dma_wait3A_98 : memref<1x128xi32, #tpu.memory_space<vmem>> -> memref<128xi32, #tpu.memory_space<vmem>>
    %dma_wait3A_100 = arith.constant 0 : i32
    %dma_wait3A_101 = arith.constant 0 : i32
    %dma_wait3A_102 = tpu.memref_slice %arg12[%dma_wait3A_100, %dma_wait3A_101] : memref<10240x64xf32, #tpu.memory_space<vmem_shared>> -> memref<10240x64xf32, #tpu.memory_space<vmem_shared>>
    tpu.wait_indirect_dma semaphore(%arg17 : memref<!tpu.dma_semaphore, #tpu.memory_space<semaphore_mem>>) src(%arg9 : memref<128x64xf32, #tpu.memory_space<vmem>>) dst(%dma_wait3A_102 : memref<10240x64xf32, #tpu.memory_space<vmem_shared>>)
    %dma_start3A_103 = arith.constant 3 : i32
    %dma_start3A_104 = arith.constant 0 : i32
    %dma_start3A_105 = tpu.memref_slice %arg7[%dma_start3A_103, %dma_start3A_104] : memref<80x128xi32, #tpu.memory_space<vmem>> -> memref<1x128xi32, #tpu.memory_space<vmem>>
    %dma_start3A_106 = tpu.memref_squeeze %dma_start3A_105 : memref<1x128xi32, #tpu.memory_space<vmem>> -> memref<128xi32, #tpu.memory_space<vmem>>
    %dma_start3A_107 = arith.constant 0 : i32
    %dma_start3A_108 = arith.constant 0 : i32
    %dma_start3A_109 = tpu.memref_slice %arg13[%dma_start3A_107, %dma_start3A_108] : memref<10240x64xf32, #tpu.memory_space<vmem_shared>> -> memref<10240x64xf32, #tpu.memory_space<vmem_shared>>
    tpu.enqueue_indirect_dma source(%dma_start3A_109 : memref<10240x64xf32, #tpu.memory_space<vmem_shared>>) target(%arg9 : memref<128x64xf32, #tpu.memory_space<vmem>>) offsets(%dma_start3A_106 : memref<128xi32, #tpu.memory_space<vmem>>) semaphore(%arg14 : memref<!tpu.dma_semaphore, #tpu.memory_space<semaphore_mem>>)
    %scan3A = arith.constant 0 : i32
    %scan3A_110 = arith.constant 0 : i32
    %scan3A_111 = arith.constant 25 : i32
    %scan3A_112 = arith.addi %scan3A_110, %scan3A_111 : i32
    %scan3A_113 = arith.constant 1 : i32
    scf.for %scan3A_195 = %scan3A_110 to %scan3A_112 step %scan3A_113  : i32 {
      %mul3A_196 = arith.constant 3 : i32
      %mul3A_197 = arith.muli %mul3A_196, %scan3A_195 : i32
      %add3A = arith.constant 2 : i32
      %add3A_198 = arith.addi %mul3A_197, %add3A : i32
      %add3A_199 = arith.constant 0 : i32
      %add3A_200 = arith.addi %add3A_198, %add3A_199 : i32
      %dma_wait3A_201 = arith.constant 0 : i32
      %dma_wait3A_202 = tpu.memref_slice %arg7[%add3A_200, %dma_wait3A_201] : memref<80x128xi32, #tpu.memory_space<vmem>> -> memref<1x128xi32, #tpu.memory_space<vmem>>
      %dma_wait3A_203 = tpu.memref_squeeze %dma_wait3A_202 : memref<1x128xi32, #tpu.memory_space<vmem>> -> memref<128xi32, #tpu.memory_space<vmem>>
      %dma_wait3A_204 = arith.constant 0 : i32
      %dma_wait3A_205 = arith.constant 0 : i32
      %dma_wait3A_206 = tpu.memref_slice %arg13[%dma_wait3A_204, %dma_wait3A_205] : memref<10240x64xf32, #tpu.memory_space<vmem_shared>> -> memref<10240x64xf32, #tpu.memory_space<vmem_shared>>
      tpu.wait_indirect_dma semaphore(%arg16 : memref<!tpu.dma_semaphore, #tpu.memory_space<semaphore_mem>>) src(%dma_wait3A_206 : memref<10240x64xf32, #tpu.memory_space<vmem_shared>>) dst(%arg11 : memref<128x64xf32, #tpu.memory_space<vmem>>)
      %dma_start3A_207 = arith.constant 0 : i32
      %dma_start3A_208 = tpu.memref_slice %arg8[%add3A_200, %dma_start3A_207] : memref<80x128xi32, #tpu.memory_space<vmem>> -> memref<1x128xi32, #tpu.memory_space<vmem>>
      %dma_start3A_209 = tpu.memref_squeeze %dma_start3A_208 : memref<1x128xi32, #tpu.memory_space<vmem>> -> memref<128xi32, #tpu.memory_space<vmem>>
      %dma_start3A_210 = arith.constant 0 : i32
      %dma_start3A_211 = arith.constant 0 : i32
      %dma_start3A_212 = tpu.memref_slice %arg12[%dma_start3A_210, %dma_start3A_211] : memref<10240x64xf32, #tpu.memory_space<vmem_shared>> -> memref<10240x64xf32, #tpu.memory_space<vmem_shared>>
      tpu.enqueue_indirect_dma source(%arg11 : memref<128x64xf32, #tpu.memory_space<vmem>>) target(%dma_start3A_212 : memref<10240x64xf32, #tpu.memory_space<vmem_shared>>) offsets(%dma_start3A_209 : memref<128xi32, #tpu.memory_space<vmem>>) semaphore(%arg19 : memref<!tpu.dma_semaphore, #tpu.memory_space<semaphore_mem>>) {add = true}
      %dma_wait3A_213 = arith.constant 0 : i32
      %dma_wait3A_214 = arith.constant 0 : i32
      %dma_wait3A_215 = tpu.memref_slice %arg8[%dma_wait3A_213, %dma_wait3A_214] : memref<80x128xi32, #tpu.memory_space<vmem>> -> memref<1x128xi32, #tpu.memory_space<vmem>>
      %dma_wait3A_216 = tpu.memref_squeeze %dma_wait3A_215 : memref<1x128xi32, #tpu.memory_space<vmem>> -> memref<128xi32, #tpu.memory_space<vmem>>
      %dma_wait3A_217 = arith.constant 0 : i32
      %dma_wait3A_218 = arith.constant 0 : i32
      %dma_wait3A_219 = tpu.memref_slice %arg12[%dma_wait3A_217, %dma_wait3A_218] : memref<10240x64xf32, #tpu.memory_space<vmem_shared>> -> memref<10240x64xf32, #tpu.memory_space<vmem_shared>>
      tpu.wait_indirect_dma semaphore(%arg18 : memref<!tpu.dma_semaphore, #tpu.memory_space<semaphore_mem>>) src(%arg10 : memref<128x64xf32, #tpu.memory_space<vmem>>) dst(%dma_wait3A_219 : memref<10240x64xf32, #tpu.memory_space<vmem_shared>>)
      %add3A_220 = arith.constant 2 : i32
      %add3A_221 = arith.addi %add3A_200, %add3A_220 : i32
      %dma_start3A_222 = arith.constant 0 : i32
      %dma_start3A_223 = tpu.memref_slice %arg7[%add3A_221, %dma_start3A_222] : memref<80x128xi32, #tpu.memory_space<vmem>> -> memref<1x128xi32, #tpu.memory_space<vmem>>
      %dma_start3A_224 = tpu.memref_squeeze %dma_start3A_223 : memref<1x128xi32, #tpu.memory_space<vmem>> -> memref<128xi32, #tpu.memory_space<vmem>>
      %dma_start3A_225 = arith.constant 0 : i32
      %dma_start3A_226 = arith.constant 0 : i32
      %dma_start3A_227 = tpu.memref_slice %arg13[%dma_start3A_225, %dma_start3A_226] : memref<10240x64xf32, #tpu.memory_space<vmem_shared>> -> memref<10240x64xf32, #tpu.memory_space<vmem_shared>>
      tpu.enqueue_indirect_dma source(%dma_start3A_227 : memref<10240x64xf32, #tpu.memory_space<vmem_shared>>) target(%arg10 : memref<128x64xf32, #tpu.memory_space<vmem>>) offsets(%dma_start3A_224 : memref<128xi32, #tpu.memory_space<vmem>>) semaphore(%arg15 : memref<!tpu.dma_semaphore, #tpu.memory_space<semaphore_mem>>)
      %add3A_228 = arith.constant 1 : i32
      %add3A_229 = arith.addi %add3A_198, %add3A_228 : i32
      %dma_wait3A_230 = arith.constant 0 : i32
      %dma_wait3A_231 = tpu.memref_slice %arg7[%add3A_229, %dma_wait3A_230] : memref<80x128xi32, #tpu.memory_space<vmem>> -> memref<1x128xi32, #tpu.memory_space<vmem>>
      %dma_wait3A_232 = tpu.memref_squeeze %dma_wait3A_231 : memref<1x128xi32, #tpu.memory_space<vmem>> -> memref<128xi32, #tpu.memory_space<vmem>>
      %dma_wait3A_233 = arith.constant 0 : i32
      %dma_wait3A_234 = arith.constant 0 : i32
      %dma_wait3A_235 = tpu.memref_slice %arg13[%dma_wait3A_233, %dma_wait3A_234] : memref<10240x64xf32, #tpu.memory_space<vmem_shared>> -> memref<10240x64xf32, #tpu.memory_space<vmem_shared>>
      tpu.wait_indirect_dma semaphore(%arg14 : memref<!tpu.dma_semaphore, #tpu.memory_space<semaphore_mem>>) src(%dma_wait3A_235 : memref<10240x64xf32, #tpu.memory_space<vmem_shared>>) dst(%arg9 : memref<128x64xf32, #tpu.memory_space<vmem>>)
      %dma_start3A_236 = arith.constant 0 : i32
      %dma_start3A_237 = tpu.memref_slice %arg8[%add3A_229, %dma_start3A_236] : memref<80x128xi32, #tpu.memory_space<vmem>> -> memref<1x128xi32, #tpu.memory_space<vmem>>
      %dma_start3A_238 = tpu.memref_squeeze %dma_start3A_237 : memref<1x128xi32, #tpu.memory_space<vmem>> -> memref<128xi32, #tpu.memory_space<vmem>>
      %dma_start3A_239 = arith.constant 0 : i32
      %dma_start3A_240 = arith.constant 0 : i32
      %dma_start3A_241 = tpu.memref_slice %arg12[%dma_start3A_239, %dma_start3A_240] : memref<10240x64xf32, #tpu.memory_space<vmem_shared>> -> memref<10240x64xf32, #tpu.memory_space<vmem_shared>>
      tpu.enqueue_indirect_dma source(%arg9 : memref<128x64xf32, #tpu.memory_space<vmem>>) target(%dma_start3A_241 : memref<10240x64xf32, #tpu.memory_space<vmem_shared>>) offsets(%dma_start3A_238 : memref<128xi32, #tpu.memory_space<vmem>>) semaphore(%arg17 : memref<!tpu.dma_semaphore, #tpu.memory_space<semaphore_mem>>) {add = true}
      %dma_wait3A_242 = arith.constant 0 : i32
      %dma_wait3A_243 = arith.constant 0 : i32
      %dma_wait3A_244 = tpu.memref_slice %arg8[%dma_wait3A_242, %dma_wait3A_243] : memref<80x128xi32, #tpu.memory_space<vmem>> -> memref<1x128xi32, #tpu.memory_space<vmem>>
      %dma_wait3A_245 = tpu.memref_squeeze %dma_wait3A_244 : memref<1x128xi32, #tpu.memory_space<vmem>> -> memref<128xi32, #tpu.memory_space<vmem>>
      %dma_wait3A_246 = arith.constant 0 : i32
      %dma_wait3A_247 = arith.constant 0 : i32
      %dma_wait3A_248 = tpu.memref_slice %arg12[%dma_wait3A_246, %dma_wait3A_247] : memref<10240x64xf32, #tpu.memory_space<vmem_shared>> -> memref<10240x64xf32, #tpu.memory_space<vmem_shared>>
      tpu.wait_indirect_dma semaphore(%arg19 : memref<!tpu.dma_semaphore, #tpu.memory_space<semaphore_mem>>) src(%arg11 : memref<128x64xf32, #tpu.memory_space<vmem>>) dst(%dma_wait3A_248 : memref<10240x64xf32, #tpu.memory_space<vmem_shared>>)
      %add3A_249 = arith.constant 2 : i32
      %add3A_250 = arith.addi %add3A_229, %add3A_249 : i32
      %dma_start3A_251 = arith.constant 0 : i32
      %dma_start3A_252 = tpu.memref_slice %arg7[%add3A_250, %dma_start3A_251] : memref<80x128xi32, #tpu.memory_space<vmem>> -> memref<1x128xi32, #tpu.memory_space<vmem>>
      %dma_start3A_253 = tpu.memref_squeeze %dma_start3A_252 : memref<1x128xi32, #tpu.memory_space<vmem>> -> memref<128xi32, #tpu.memory_space<vmem>>
      %dma_start3A_254 = arith.constant 0 : i32
      %dma_start3A_255 = arith.constant 0 : i32
      %dma_start3A_256 = tpu.memref_slice %arg13[%dma_start3A_254, %dma_start3A_255] : memref<10240x64xf32, #tpu.memory_space<vmem_shared>> -> memref<10240x64xf32, #tpu.memory_space<vmem_shared>>
      tpu.enqueue_indirect_dma source(%dma_start3A_256 : memref<10240x64xf32, #tpu.memory_space<vmem_shared>>) target(%arg11 : memref<128x64xf32, #tpu.memory_space<vmem>>) offsets(%dma_start3A_253 : memref<128xi32, #tpu.memory_space<vmem>>) semaphore(%arg16 : memref<!tpu.dma_semaphore, #tpu.memory_space<semaphore_mem>>)
      %add3A_257 = arith.constant 2 : i32
      %add3A_258 = arith.addi %add3A_198, %add3A_257 : i32
      %dma_wait3A_259 = arith.constant 0 : i32
      %dma_wait3A_260 = tpu.memref_slice %arg7[%add3A_258, %dma_wait3A_259] : memref<80x128xi32, #tpu.memory_space<vmem>> -> memref<1x128xi32, #tpu.memory_space<vmem>>
      %dma_wait3A_261 = tpu.memref_squeeze %dma_wait3A_260 : memref<1x128xi32, #tpu.memory_space<vmem>> -> memref<128xi32, #tpu.memory_space<vmem>>
      %dma_wait3A_262 = arith.constant 0 : i32
      %dma_wait3A_263 = arith.constant 0 : i32
      %dma_wait3A_264 = tpu.memref_slice %arg13[%dma_wait3A_262, %dma_wait3A_263] : memref<10240x64xf32, #tpu.memory_space<vmem_shared>> -> memref<10240x64xf32, #tpu.memory_space<vmem_shared>>
      tpu.wait_indirect_dma semaphore(%arg15 : memref<!tpu.dma_semaphore, #tpu.memory_space<semaphore_mem>>) src(%dma_wait3A_264 : memref<10240x64xf32, #tpu.memory_space<vmem_shared>>) dst(%arg10 : memref<128x64xf32, #tpu.memory_space<vmem>>)
      %dma_start3A_265 = arith.constant 0 : i32
      %dma_start3A_266 = tpu.memref_slice %arg8[%add3A_258, %dma_start3A_265] : memref<80x128xi32, #tpu.memory_space<vmem>> -> memref<1x128xi32, #tpu.memory_space<vmem>>
      %dma_start3A_267 = tpu.memref_squeeze %dma_start3A_266 : memref<1x128xi32, #tpu.memory_space<vmem>> -> memref<128xi32, #tpu.memory_space<vmem>>
      %dma_start3A_268 = arith.constant 0 : i32
      %dma_start3A_269 = arith.constant 0 : i32
      %dma_start3A_270 = tpu.memref_slice %arg12[%dma_start3A_268, %dma_start3A_269] : memref<10240x64xf32, #tpu.memory_space<vmem_shared>> -> memref<10240x64xf32, #tpu.memory_space<vmem_shared>>
      tpu.enqueue_indirect_dma source(%arg10 : memref<128x64xf32, #tpu.memory_space<vmem>>) target(%dma_start3A_270 : memref<10240x64xf32, #tpu.memory_space<vmem_shared>>) offsets(%dma_start3A_267 : memref<128xi32, #tpu.memory_space<vmem>>) semaphore(%arg18 : memref<!tpu.dma_semaphore, #tpu.memory_space<semaphore_mem>>) {add = true}
      %dma_wait3A_271 = arith.constant 0 : i32
      %dma_wait3A_272 = arith.constant 0 : i32
      %dma_wait3A_273 = tpu.memref_slice %arg8[%dma_wait3A_271, %dma_wait3A_272] : memref<80x128xi32, #tpu.memory_space<vmem>> -> memref<1x128xi32, #tpu.memory_space<vmem>>
      %dma_wait3A_274 = tpu.memref_squeeze %dma_wait3A_273 : memref<1x128xi32, #tpu.memory_space<vmem>> -> memref<128xi32, #tpu.memory_space<vmem>>
      %dma_wait3A_275 = arith.constant 0 : i32
      %dma_wait3A_276 = arith.constant 0 : i32
      %dma_wait3A_277 = tpu.memref_slice %arg12[%dma_wait3A_275, %dma_wait3A_276] : memref<10240x64xf32, #tpu.memory_space<vmem_shared>> -> memref<10240x64xf32, #tpu.memory_space<vmem_shared>>
      tpu.wait_indirect_dma semaphore(%arg17 : memref<!tpu.dma_semaphore, #tpu.memory_space<semaphore_mem>>) src(%arg9 : memref<128x64xf32, #tpu.memory_space<vmem>>) dst(%dma_wait3A_277 : memref<10240x64xf32, #tpu.memory_space<vmem_shared>>)
      %add3A_278 = arith.constant 2 : i32
      %add3A_279 = arith.addi %add3A_258, %add3A_278 : i32
      %dma_start3A_280 = arith.constant 0 : i32
      %dma_start3A_281 = tpu.memref_slice %arg7[%add3A_279, %dma_start3A_280] : memref<80x128xi32, #tpu.memory_space<vmem>> -> memref<1x128xi32, #tpu.memory_space<vmem>>
      %dma_start3A_282 = tpu.memref_squeeze %dma_start3A_281 : memref<1x128xi32, #tpu.memory_space<vmem>> -> memref<128xi32, #tpu.memory_space<vmem>>
      %dma_start3A_283 = arith.constant 0 : i32
      %dma_start3A_284 = arith.constant 0 : i32
      %dma_start3A_285 = tpu.memref_slice %arg13[%dma_start3A_283, %dma_start3A_284] : memref<10240x64xf32, #tpu.memory_space<vmem_shared>> -> memref<10240x64xf32, #tpu.memory_space<vmem_shared>>
      tpu.enqueue_indirect_dma source(%dma_start3A_285 : memref<10240x64xf32, #tpu.memory_space<vmem_shared>>) target(%arg9 : memref<128x64xf32, #tpu.memory_space<vmem>>) offsets(%dma_start3A_282 : memref<128xi32, #tpu.memory_space<vmem>>) semaphore(%arg14 : memref<!tpu.dma_semaphore, #tpu.memory_space<semaphore_mem>>)
    }
    %scan3A_114 = arith.constant 25 : i32
    %dma_wait3A_115 = arith.constant 77 : i32
    %dma_wait3A_116 = arith.constant 0 : i32
    %dma_wait3A_117 = tpu.memref_slice %arg7[%dma_wait3A_115, %dma_wait3A_116] : memref<80x128xi32, #tpu.memory_space<vmem>> -> memref<1x128xi32, #tpu.memory_space<vmem>>
    %dma_wait3A_118 = tpu.memref_squeeze %dma_wait3A_117 : memref<1x128xi32, #tpu.memory_space<vmem>> -> memref<128xi32, #tpu.memory_space<vmem>>
    %dma_wait3A_119 = arith.constant 0 : i32
    %dma_wait3A_120 = arith.constant 0 : i32
    %dma_wait3A_121 = tpu.memref_slice %arg13[%dma_wait3A_119, %dma_wait3A_120] : memref<10240x64xf32, #tpu.memory_space<vmem_shared>> -> memref<10240x64xf32, #tpu.memory_space<vmem_shared>>
    tpu.wait_indirect_dma semaphore(%arg16 : memref<!tpu.dma_semaphore, #tpu.memory_space<semaphore_mem>>) src(%dma_wait3A_121 : memref<10240x64xf32, #tpu.memory_space<vmem_shared>>) dst(%arg11 : memref<128x64xf32, #tpu.memory_space<vmem>>)
    %dma_start3A_122 = arith.constant 77 : i32
    %dma_start3A_123 = arith.constant 0 : i32
    %dma_start3A_124 = tpu.memref_slice %arg8[%dma_start3A_122, %dma_start3A_123] : memref<80x128xi32, #tpu.memory_space<vmem>> -> memref<1x128xi32, #tpu.memory_space<vmem>>
    %dma_start3A_125 = tpu.memref_squeeze %dma_start3A_124 : memref<1x128xi32, #tpu.memory_space<vmem>> -> memref<128xi32, #tpu.memory_space<vmem>>
    %dma_start3A_126 = arith.constant 0 : i32
    %dma_start3A_127 = arith.constant 0 : i32
    %dma_start3A_128 = tpu.memref_slice %arg12[%dma_start3A_126, %dma_start3A_127] : memref<10240x64xf32, #tpu.memory_space<vmem_shared>> -> memref<10240x64xf32, #tpu.memory_space<vmem_shared>>
    tpu.enqueue_indirect_dma source(%arg11 : memref<128x64xf32, #tpu.memory_space<vmem>>) target(%dma_start3A_128 : memref<10240x64xf32, #tpu.memory_space<vmem_shared>>) offsets(%dma_start3A_125 : memref<128xi32, #tpu.memory_space<vmem>>) semaphore(%arg19 : memref<!tpu.dma_semaphore, #tpu.memory_space<semaphore_mem>>) {add = true}
    %dma_wait3A_129 = arith.constant 0 : i32
    %dma_wait3A_130 = arith.constant 0 : i32
    %dma_wait3A_131 = tpu.memref_slice %arg8[%dma_wait3A_129, %dma_wait3A_130] : memref<80x128xi32, #tpu.memory_space<vmem>> -> memref<1x128xi32, #tpu.memory_space<vmem>>
    %dma_wait3A_132 = tpu.memref_squeeze %dma_wait3A_131 : memref<1x128xi32, #tpu.memory_space<vmem>> -> memref<128xi32, #tpu.memory_space<vmem>>
    %dma_wait3A_133 = arith.constant 0 : i32
    %dma_wait3A_134 = arith.constant 0 : i32
    %dma_wait3A_135 = tpu.memref_slice %arg12[%dma_wait3A_133, %dma_wait3A_134] : memref<10240x64xf32, #tpu.memory_space<vmem_shared>> -> memref<10240x64xf32, #tpu.memory_space<vmem_shared>>
    tpu.wait_indirect_dma semaphore(%arg18 : memref<!tpu.dma_semaphore, #tpu.memory_space<semaphore_mem>>) src(%arg10 : memref<128x64xf32, #tpu.memory_space<vmem>>) dst(%dma_wait3A_135 : memref<10240x64xf32, #tpu.memory_space<vmem_shared>>)
    %dma_start3A_136 = arith.constant 79 : i32
    %dma_start3A_137 = arith.constant 0 : i32
    %dma_start3A_138 = tpu.memref_slice %arg7[%dma_start3A_136, %dma_start3A_137] : memref<80x128xi32, #tpu.memory_space<vmem>> -> memref<1x128xi32, #tpu.memory_space<vmem>>
    %dma_start3A_139 = tpu.memref_squeeze %dma_start3A_138 : memref<1x128xi32, #tpu.memory_space<vmem>> -> memref<128xi32, #tpu.memory_space<vmem>>
    %dma_start3A_140 = arith.constant 0 : i32
    %dma_start3A_141 = arith.constant 0 : i32
    %dma_start3A_142 = tpu.memref_slice %arg13[%dma_start3A_140, %dma_start3A_141] : memref<10240x64xf32, #tpu.memory_space<vmem_shared>> -> memref<10240x64xf32, #tpu.memory_space<vmem_shared>>
    tpu.enqueue_indirect_dma source(%dma_start3A_142 : memref<10240x64xf32, #tpu.memory_space<vmem_shared>>) target(%arg10 : memref<128x64xf32, #tpu.memory_space<vmem>>) offsets(%dma_start3A_139 : memref<128xi32, #tpu.memory_space<vmem>>) semaphore(%arg15 : memref<!tpu.dma_semaphore, #tpu.memory_space<semaphore_mem>>)
    %dma_wait3A_143 = arith.constant 78 : i32
    %dma_wait3A_144 = arith.constant 0 : i32
    %dma_wait3A_145 = tpu.memref_slice %arg7[%dma_wait3A_143, %dma_wait3A_144] : memref<80x128xi32, #tpu.memory_space<vmem>> -> memref<1x128xi32, #tpu.memory_space<vmem>>
    %dma_wait3A_146 = tpu.memref_squeeze %dma_wait3A_145 : memref<1x128xi32, #tpu.memory_space<vmem>> -> memref<128xi32, #tpu.memory_space<vmem>>
    %dma_wait3A_147 = arith.constant 0 : i32
    %dma_wait3A_148 = arith.constant 0 : i32
    %dma_wait3A_149 = tpu.memref_slice %arg13[%dma_wait3A_147, %dma_wait3A_148] : memref<10240x64xf32, #tpu.memory_space<vmem_shared>> -> memref<10240x64xf32, #tpu.memory_space<vmem_shared>>
    tpu.wait_indirect_dma semaphore(%arg14 : memref<!tpu.dma_semaphore, #tpu.memory_space<semaphore_mem>>) src(%dma_wait3A_149 : memref<10240x64xf32, #tpu.memory_space<vmem_shared>>) dst(%arg9 : memref<128x64xf32, #tpu.memory_space<vmem>>)
    %dma_start3A_150 = arith.constant 78 : i32
    %dma_start3A_151 = arith.constant 0 : i32
    %dma_start3A_152 = tpu.memref_slice %arg8[%dma_start3A_150, %dma_start3A_151] : memref<80x128xi32, #tpu.memory_space<vmem>> -> memref<1x128xi32, #tpu.memory_space<vmem>>
    %dma_start3A_153 = tpu.memref_squeeze %dma_start3A_152 : memref<1x128xi32, #tpu.memory_space<vmem>> -> memref<128xi32, #tpu.memory_space<vmem>>
    %dma_start3A_154 = arith.constant 0 : i32
    %dma_start3A_155 = arith.constant 0 : i32
    %dma_start3A_156 = tpu.memref_slice %arg12[%dma_start3A_154, %dma_start3A_155] : memref<10240x64xf32, #tpu.memory_space<vmem_shared>> -> memref<10240x64xf32, #tpu.memory_space<vmem_shared>>
    tpu.enqueue_indirect_dma source(%arg9 : memref<128x64xf32, #tpu.memory_space<vmem>>) target(%dma_start3A_156 : memref<10240x64xf32, #tpu.memory_space<vmem_shared>>) offsets(%dma_start3A_153 : memref<128xi32, #tpu.memory_space<vmem>>) semaphore(%arg17 : memref<!tpu.dma_semaphore, #tpu.memory_space<semaphore_mem>>) {add = true}
    %dma_wait3A_157 = arith.constant 79 : i32
    %dma_wait3A_158 = arith.constant 0 : i32
    %dma_wait3A_159 = tpu.memref_slice %arg7[%dma_wait3A_157, %dma_wait3A_158] : memref<80x128xi32, #tpu.memory_space<vmem>> -> memref<1x128xi32, #tpu.memory_space<vmem>>
    %dma_wait3A_160 = tpu.memref_squeeze %dma_wait3A_159 : memref<1x128xi32, #tpu.memory_space<vmem>> -> memref<128xi32, #tpu.memory_space<vmem>>
    %dma_wait3A_161 = arith.constant 0 : i32
    %dma_wait3A_162 = arith.constant 0 : i32
    %dma_wait3A_163 = tpu.memref_slice %arg13[%dma_wait3A_161, %dma_wait3A_162] : memref<10240x64xf32, #tpu.memory_space<vmem_shared>> -> memref<10240x64xf32, #tpu.memory_space<vmem_shared>>
    tpu.wait_indirect_dma semaphore(%arg15 : memref<!tpu.dma_semaphore, #tpu.memory_space<semaphore_mem>>) src(%dma_wait3A_163 : memref<10240x64xf32, #tpu.memory_space<vmem_shared>>) dst(%arg10 : memref<128x64xf32, #tpu.memory_space<vmem>>)
    %dma_start3A_164 = arith.constant 79 : i32
    %dma_start3A_165 = arith.constant 0 : i32
    %dma_start3A_166 = tpu.memref_slice %arg8[%dma_start3A_164, %dma_start3A_165] : memref<80x128xi32, #tpu.memory_space<vmem>> -> memref<1x128xi32, #tpu.memory_space<vmem>>
    %dma_start3A_167 = tpu.memref_squeeze %dma_start3A_166 : memref<1x128xi32, #tpu.memory_space<vmem>> -> memref<128xi32, #tpu.memory_space<vmem>>
    %dma_start3A_168 = arith.constant 0 : i32
    %dma_start3A_169 = arith.constant 0 : i32
    %dma_start3A_170 = tpu.memref_slice %arg12[%dma_start3A_168, %dma_start3A_169] : memref<10240x64xf32, #tpu.memory_space<vmem_shared>> -> memref<10240x64xf32, #tpu.memory_space<vmem_shared>>
    tpu.enqueue_indirect_dma source(%arg10 : memref<128x64xf32, #tpu.memory_space<vmem>>) target(%dma_start3A_170 : memref<10240x64xf32, #tpu.memory_space<vmem_shared>>) offsets(%dma_start3A_167 : memref<128xi32, #tpu.memory_space<vmem>>) semaphore(%arg18 : memref<!tpu.dma_semaphore, #tpu.memory_space<semaphore_mem>>) {add = true}
    %dma_wait3A_171 = arith.constant 0 : i32
    %dma_wait3A_172 = arith.constant 0 : i32
    %dma_wait3A_173 = tpu.memref_slice %arg8[%dma_wait3A_171, %dma_wait3A_172] : memref<80x128xi32, #tpu.memory_space<vmem>> -> memref<1x128xi32, #tpu.memory_space<vmem>>
    %dma_wait3A_174 = tpu.memref_squeeze %dma_wait3A_173 : memref<1x128xi32, #tpu.memory_space<vmem>> -> memref<128xi32, #tpu.memory_space<vmem>>
    %dma_wait3A_175 = arith.constant 0 : i32
    %dma_wait3A_176 = arith.constant 0 : i32
    %dma_wait3A_177 = tpu.memref_slice %arg12[%dma_wait3A_175, %dma_wait3A_176] : memref<10240x64xf32, #tpu.memory_space<vmem_shared>> -> memref<10240x64xf32, #tpu.memory_space<vmem_shared>>
    tpu.wait_indirect_dma semaphore(%arg19 : memref<!tpu.dma_semaphore, #tpu.memory_space<semaphore_mem>>) src(%arg11 : memref<128x64xf32, #tpu.memory_space<vmem>>) dst(%dma_wait3A_177 : memref<10240x64xf32, #tpu.memory_space<vmem_shared>>)
    %dma_wait3A_178 = arith.constant 0 : i32
    %dma_wait3A_179 = arith.constant 0 : i32
    %dma_wait3A_180 = tpu.memref_slice %arg8[%dma_wait3A_178, %dma_wait3A_179] : memref<80x128xi32, #tpu.memory_space<vmem>> -> memref<1x128xi32, #tpu.memory_space<vmem>>
    %dma_wait3A_181 = tpu.memref_squeeze %dma_wait3A_180 : memref<1x128xi32, #tpu.memory_space<vmem>> -> memref<128xi32, #tpu.memory_space<vmem>>
    %dma_wait3A_182 = arith.constant 0 : i32
    %dma_wait3A_183 = arith.constant 0 : i32
    %dma_wait3A_184 = tpu.memref_slice %arg12[%dma_wait3A_182, %dma_wait3A_183] : memref<10240x64xf32, #tpu.memory_space<vmem_shared>> -> memref<10240x64xf32, #tpu.memory_space<vmem_shared>>
    tpu.wait_indirect_dma semaphore(%arg17 : memref<!tpu.dma_semaphore, #tpu.memory_space<semaphore_mem>>) src(%arg9 : memref<128x64xf32, #tpu.memory_space<vmem>>) dst(%dma_wait3A_184 : memref<10240x64xf32, #tpu.memory_space<vmem_shared>>)
    %dma_wait3A_185 = arith.constant 0 : i32
    %dma_wait3A_186 = arith.constant 0 : i32
    %dma_wait3A_187 = tpu.memref_slice %arg8[%dma_wait3A_185, %dma_wait3A_186] : memref<80x128xi32, #tpu.memory_space<vmem>> -> memref<1x128xi32, #tpu.memory_space<vmem>>
    %dma_wait3A_188 = tpu.memref_squeeze %dma_wait3A_187 : memref<1x128xi32, #tpu.memory_space<vmem>> -> memref<128xi32, #tpu.memory_space<vmem>>
    %dma_wait3A_189 = arith.constant 0 : i32
    %dma_wait3A_190 = arith.constant 0 : i32
    %dma_wait3A_191 = tpu.memref_slice %arg12[%dma_wait3A_189, %dma_wait3A_190] : memref<10240x64xf32, #tpu.memory_space<vmem_shared>> -> memref<10240x64xf32, #tpu.memory_space<vmem_shared>>
    tpu.wait_indirect_dma semaphore(%arg18 : memref<!tpu.dma_semaphore, #tpu.memory_space<semaphore_mem>>) src(%arg10 : memref<128x64xf32, #tpu.memory_space<vmem>>) dst(%dma_wait3A_191 : memref<10240x64xf32, #tpu.memory_space<vmem_shared>>)
    %barrier3A_192 = arith.constant 0 : index
    tpu.barrier barrier_id(%barrier3A_192)
    %mul3A_193 = arith.constant 625 : i32
    %mul3A_194 = arith.muli %arg1, %mul3A_193 : i32
    "tpu.region"() ({
      %run_scoped3A = tpu.sem_alloc : memref<!tpu.dma_semaphore, #tpu.memory_space<semaphore_mem>>
      %dma_start3A_195 = arith.constant 0 : i32
      %dma_start3A_196 = arith.constant 0 : i32
      %dma_start3A_197 = tpu.memref_slice %arg6[%arg0, %arg1, %dma_start3A_195, %dma_start3A_196] : memref<2x16x625x64xf32, #tpu.memory_space<hbm>> -> memref<1x1x625x64xf32, #tpu.memory_space<hbm>>
      %dma_start3A_198 = tpu.memref_squeeze %dma_start3A_197 : memref<1x1x625x64xf32, #tpu.memory_space<hbm>> -> memref<625x64xf32, #tpu.memory_space<hbm>>
      %dma_start3A_199 = arith.constant 0 : i32
      %dma_start3A_200 = tpu.memref_slice %arg12[%mul3A_194, %dma_start3A_199] : memref<10240x64xf32, #tpu.memory_space<vmem_shared>> -> memref<625x64xf32, #tpu.memory_space<vmem_shared>>
      tpu.enqueue_dma source(%dma_start3A_200 : memref<625x64xf32, #tpu.memory_space<vmem_shared>>) target(%dma_start3A_198 : memref<625x64xf32, #tpu.memory_space<hbm>>) target_semaphore(%run_scoped3A : memref<!tpu.dma_semaphore, #tpu.memory_space<semaphore_mem>>)
      %dma_wait3A_201 = arith.constant 0 : i32
      %dma_wait3A_202 = arith.constant 0 : i32
      %dma_wait3A_203 = tpu.memref_slice %arg6[%arg0, %arg1, %dma_wait3A_201, %dma_wait3A_202] : memref<2x16x625x64xf32, #tpu.memory_space<hbm>> -> memref<1x1x625x64xf32, #tpu.memory_space<hbm>>
      %dma_wait3A_204 = tpu.memref_squeeze %dma_wait3A_203 : memref<1x1x625x64xf32, #tpu.memory_space<hbm>> -> memref<625x64xf32, #tpu.memory_space<hbm>>
      %dma_wait3A_205 = arith.constant 0 : i32
      %dma_wait3A_206 = tpu.memref_slice %arg12[%mul3A_194, %dma_wait3A_205] : memref<10240x64xf32, #tpu.memory_space<vmem_shared>> -> memref<625x64xf32, #tpu.memory_space<vmem_shared>>
      tpu.wait_dma2 semaphore(%run_scoped3A : memref<!tpu.dma_semaphore, #tpu.memory_space<semaphore_mem>>) src(%dma_wait3A_206 : memref<625x64xf32, #tpu.memory_space<vmem_shared>>) dst(%dma_wait3A_204 : memref<625x64xf32, #tpu.memory_space<hbm>>)
      tpu.yield
    }) : () -> ()
    return
  }
}

#map = affine_map<(d0, d1) -> (0, 0)>
#map1 = affine_map<(d0, d1) -> (0, 0, 0, 0)>
module attributes {stable_mosaic.version = 14 : i64} {
  func.func @_scatter_kernel(%arg0: i32, %arg1: i32, %arg2: memref<10240x64xf32, #tpu.memory_space<hbm>>, %arg3: memref<2x16x80x128xi32, #tpu.memory_space<hbm>>, %arg4: memref<2x16x80x128xi32, #tpu.memory_space<hbm>>, %arg5: memref<625x64xf32, #tpu.memory_space<hbm>>, %arg6: memref<2x16x625x64xf32, #tpu.memory_space<hbm>>, %arg7: memref<80x128xi32, #tpu.memory_space<vmem>>, %arg8: memref<80x128xi32, #tpu.memory_space<vmem>>, %arg9: memref<128x64xf32, #tpu.memory_space<vmem>>, %arg10: memref<128x64xf32, #tpu.memory_space<vmem>>, %arg11: memref<128x64xf32, #tpu.memory_space<vmem>>, %arg12: memref<10240x64xf32, #tpu.memory_space<vmem_shared>>, %arg13: memref<10240x64xf32, #tpu.memory_space<vmem_shared>>, %arg14: memref<!tpu.dma_semaphore, #tpu.memory_space<semaphore_mem>>, %arg15: memref<!tpu.dma_semaphore, #tpu.memory_space<semaphore_mem>>, %arg16: memref<!tpu.dma_semaphore, #tpu.memory_space<semaphore_mem>>, %arg17: memref<!tpu.dma_semaphore, #tpu.memory_space<semaphore_mem>>, %arg18: memref<!tpu.dma_semaphore, #tpu.memory_space<semaphore_mem>>, %arg19: memref<!tpu.dma_semaphore, #tpu.memory_space<semaphore_mem>>) attributes {dimension_semantics = [#tpu.dimension_semantics<core_parallel>, #tpu.dimension_semantics<subcore_parallel>], iteration_bounds = array<i64: 2, 16>, scalar_prefetch = 0 : i64, scratch_operands = 13 : i64, tpu.core_type = #tpu.core_type<sc_vector_subcore>, window_params = [{transform_indices = #map}, {transform_indices = #map1}, {transform_indices = #map1}, {transform_indices = #map}, {transform_indices = #map1}]} {
    %mul3A = arith.constant 640 : i32
    %mul3A_0 = arith.muli %arg1, %mul3A : i32
    %mul3A_1 = arith.constant 640 : i32
    %mul3A_2 = arith.muli %arg1, %mul3A_1 : i32
    %dma_start3A = arith.constant 0 : i32
    %dma_start3A_3 = tpu.memref_slice %arg13[%mul3A_2, %dma_start3A] : memref<10240x64xf32, #tpu.memory_space<vmem_shared>> -> memref<640x64xf32, #tpu.memory_space<vmem_shared>>
    %dma_start3A_4 = arith.constant 0 : i32
    %dma_start3A_5 = tpu.memref_slice %arg2[%mul3A_0, %dma_start3A_4] : memref<10240x64xf32, #tpu.memory_space<hbm>> -> memref<640x64xf32, #tpu.memory_space<hbm>>
    tpu.enqueue_dma source(%dma_start3A_5 : memref<640x64xf32, #tpu.memory_space<hbm>>) target(%dma_start3A_3 : memref<640x64xf32, #tpu.memory_space<vmem_shared>>) target_semaphore(%arg14 : memref<!tpu.dma_semaphore, #tpu.memory_space<semaphore_mem>>)
    %mul3A_6 = arith.constant 625 : i32
    %mul3A_7 = arith.muli %arg1, %mul3A_6 : i32
    %dma_start3A_8 = arith.constant 0 : i32
    %dma_start3A_9 = tpu.memref_slice %arg12[%mul3A_7, %dma_start3A_8] : memref<10240x64xf32, #tpu.memory_space<vmem_shared>> -> memref<625x64xf32, #tpu.memory_space<vmem_shared>>
    tpu.enqueue_dma source(%arg5 : memref<625x64xf32, #tpu.memory_space<hbm>>) target(%dma_start3A_9 : memref<625x64xf32, #tpu.memory_space<vmem_shared>>) target_semaphore(%arg15 : memref<!tpu.dma_semaphore, #tpu.memory_space<semaphore_mem>>)
    %dma_start3A_10 = arith.constant 0 : i32
    %dma_start3A_11 = arith.constant 0 : i32
    %dma_start3A_12 = tpu.memref_slice %arg3[%arg0, %arg1, %dma_start3A_10, %dma_start3A_11] : memref<2x16x80x128xi32, #tpu.memory_space<hbm>> -> memref<1x1x80x128xi32, #tpu.memory_space<hbm>>
    %dma_start3A_13 = tpu.memref_squeeze %dma_start3A_12 : memref<1x1x80x128xi32, #tpu.memory_space<hbm>> -> memref<80x128xi32, #tpu.memory_space<hbm>>
    %dma_start3A_14 = arith.constant 0 : i32
    %dma_start3A_15 = arith.constant 0 : i32
    %dma_start3A_16 = tpu.memref_slice %arg3[%arg0, %arg1, %dma_start3A_14, %dma_start3A_15] : memref<2x16x80x128xi32, #tpu.memory_space<hbm>> -> memref<1x1x80x128xi32, #tpu.memory_space<hbm>>
    %dma_start3A_17 = tpu.memref_squeeze %dma_start3A_16 : memref<1x1x80x128xi32, #tpu.memory_space<hbm>> -> memref<80x128xi32, #tpu.memory_space<hbm>>
    tpu.enqueue_dma source(%dma_start3A_17 : memref<80x128xi32, #tpu.memory_space<hbm>>) target(%arg7 : memref<80x128xi32, #tpu.memory_space<vmem>>) target_semaphore(%arg16 : memref<!tpu.dma_semaphore, #tpu.memory_space<semaphore_mem>>)
    %dma_start3A_18 = arith.constant 0 : i32
    %dma_start3A_19 = arith.constant 0 : i32
    %dma_start3A_20 = tpu.memref_slice %arg4[%arg0, %arg1, %dma_start3A_18, %dma_start3A_19] : memref<2x16x80x128xi32, #tpu.memory_space<hbm>> -> memref<1x1x80x128xi32, #tpu.memory_space<hbm>>
    %dma_start3A_21 = tpu.memref_squeeze %dma_start3A_20 : memref<1x1x80x128xi32, #tpu.memory_space<hbm>> -> memref<80x128xi32, #tpu.memory_space<hbm>>
    %dma_start3A_22 = arith.constant 0 : i32
    %dma_start3A_23 = arith.constant 0 : i32
    %dma_start3A_24 = tpu.memref_slice %arg4[%arg0, %arg1, %dma_start3A_22, %dma_start3A_23] : memref<2x16x80x128xi32, #tpu.memory_space<hbm>> -> memref<1x1x80x128xi32, #tpu.memory_space<hbm>>
    %dma_start3A_25 = tpu.memref_squeeze %dma_start3A_24 : memref<1x1x80x128xi32, #tpu.memory_space<hbm>> -> memref<80x128xi32, #tpu.memory_space<hbm>>
    tpu.enqueue_dma source(%dma_start3A_25 : memref<80x128xi32, #tpu.memory_space<hbm>>) target(%arg8 : memref<80x128xi32, #tpu.memory_space<vmem>>) target_semaphore(%arg17 : memref<!tpu.dma_semaphore, #tpu.memory_space<semaphore_mem>>)
    %dma_wait3A = arith.constant 0 : i32
    %dma_wait3A_26 = tpu.memref_slice %arg13[%mul3A_2, %dma_wait3A] : memref<10240x64xf32, #tpu.memory_space<vmem_shared>> -> memref<640x64xf32, #tpu.memory_space<vmem_shared>>
    %dma_wait3A_27 = arith.constant 0 : i32
    %dma_wait3A_28 = tpu.memref_slice %arg2[%mul3A_0, %dma_wait3A_27] : memref<10240x64xf32, #tpu.memory_space<hbm>> -> memref<640x64xf32, #tpu.memory_space<hbm>>
    tpu.wait_dma2 semaphore(%arg14 : memref<!tpu.dma_semaphore, #tpu.memory_space<semaphore_mem>>) src(%dma_wait3A_28 : memref<640x64xf32, #tpu.memory_space<hbm>>) dst(%dma_wait3A_26 : memref<640x64xf32, #tpu.memory_space<vmem_shared>>)
    %dma_wait3A_29 = arith.constant 0 : i32
    %dma_wait3A_30 = tpu.memref_slice %arg12[%mul3A_7, %dma_wait3A_29] : memref<10240x64xf32, #tpu.memory_space<vmem_shared>> -> memref<625x64xf32, #tpu.memory_space<vmem_shared>>
    tpu.wait_dma2 semaphore(%arg15 : memref<!tpu.dma_semaphore, #tpu.memory_space<semaphore_mem>>) src(%arg5 : memref<625x64xf32, #tpu.memory_space<hbm>>) dst(%dma_wait3A_30 : memref<625x64xf32, #tpu.memory_space<vmem_shared>>)
    %dma_wait3A_31 = arith.constant 0 : i32
    %dma_wait3A_32 = arith.constant 0 : i32
    %dma_wait3A_33 = tpu.memref_slice %arg3[%arg0, %arg1, %dma_wait3A_31, %dma_wait3A_32] : memref<2x16x80x128xi32, #tpu.memory_space<hbm>> -> memref<1x1x80x128xi32, #tpu.memory_space<hbm>>
    %dma_wait3A_34 = tpu.memref_squeeze %dma_wait3A_33 : memref<1x1x80x128xi32, #tpu.memory_space<hbm>> -> memref<80x128xi32, #tpu.memory_space<hbm>>
    %dma_wait3A_35 = arith.constant 0 : i32
    %dma_wait3A_36 = arith.constant 0 : i32
    %dma_wait3A_37 = tpu.memref_slice %arg3[%arg0, %arg1, %dma_wait3A_35, %dma_wait3A_36] : memref<2x16x80x128xi32, #tpu.memory_space<hbm>> -> memref<1x1x80x128xi32, #tpu.memory_space<hbm>>
    %dma_wait3A_38 = tpu.memref_squeeze %dma_wait3A_37 : memref<1x1x80x128xi32, #tpu.memory_space<hbm>> -> memref<80x128xi32, #tpu.memory_space<hbm>>
    tpu.wait_dma2 semaphore(%arg16 : memref<!tpu.dma_semaphore, #tpu.memory_space<semaphore_mem>>) src(%dma_wait3A_38 : memref<80x128xi32, #tpu.memory_space<hbm>>) dst(%arg7 : memref<80x128xi32, #tpu.memory_space<vmem>>)
    %dma_wait3A_39 = arith.constant 0 : i32
    %dma_wait3A_40 = arith.constant 0 : i32
    %dma_wait3A_41 = tpu.memref_slice %arg4[%arg0, %arg1, %dma_wait3A_39, %dma_wait3A_40] : memref<2x16x80x128xi32, #tpu.memory_space<hbm>> -> memref<1x1x80x128xi32, #tpu.memory_space<hbm>>
    %dma_wait3A_42 = tpu.memref_squeeze %dma_wait3A_41 : memref<1x1x80x128xi32, #tpu.memory_space<hbm>> -> memref<80x128xi32, #tpu.memory_space<hbm>>
    %dma_wait3A_43 = arith.constant 0 : i32
    %dma_wait3A_44 = arith.constant 0 : i32
    %dma_wait3A_45 = tpu.memref_slice %arg4[%arg0, %arg1, %dma_wait3A_43, %dma_wait3A_44] : memref<2x16x80x128xi32, #tpu.memory_space<hbm>> -> memref<1x1x80x128xi32, #tpu.memory_space<hbm>>
    %dma_wait3A_46 = tpu.memref_squeeze %dma_wait3A_45 : memref<1x1x80x128xi32, #tpu.memory_space<hbm>> -> memref<80x128xi32, #tpu.memory_space<hbm>>
    tpu.wait_dma2 semaphore(%arg17 : memref<!tpu.dma_semaphore, #tpu.memory_space<semaphore_mem>>) src(%dma_wait3A_46 : memref<80x128xi32, #tpu.memory_space<hbm>>) dst(%arg8 : memref<80x128xi32, #tpu.memory_space<vmem>>)
    %barrier3A = arith.constant 0 : index
    tpu.barrier barrier_id(%barrier3A)
    %dma_start3A_47 = arith.constant 0 : i32
    %dma_start3A_48 = arith.constant 0 : i32
    %dma_start3A_49 = tpu.memref_slice %arg7[%dma_start3A_47, %dma_start3A_48] : memref<80x128xi32, #tpu.memory_space<vmem>> -> memref<1x128xi32, #tpu.memory_space<vmem>>
    %dma_start3A_50 = tpu.memref_squeeze %dma_start3A_49 : memref<1x128xi32, #tpu.memory_space<vmem>> -> memref<128xi32, #tpu.memory_space<vmem>>
    %dma_start3A_51 = arith.constant 0 : i32
    %dma_start3A_52 = arith.constant 0 : i32
    %dma_start3A_53 = tpu.memref_slice %arg13[%dma_start3A_51, %dma_start3A_52] : memref<10240x64xf32, #tpu.memory_space<vmem_shared>> -> memref<10240x64xf32, #tpu.memory_space<vmem_shared>>
    tpu.enqueue_indirect_dma source(%dma_start3A_53 : memref<10240x64xf32, #tpu.memory_space<vmem_shared>>) target(%arg9 : memref<128x64xf32, #tpu.memory_space<vmem>>) offsets(%dma_start3A_50 : memref<128xi32, #tpu.memory_space<vmem>>) semaphore(%arg14 : memref<!tpu.dma_semaphore, #tpu.memory_space<semaphore_mem>>)
    %dma_start3A_54 = arith.constant 1 : i32
    %dma_start3A_55 = arith.constant 0 : i32
    %dma_start3A_56 = tpu.memref_slice %arg7[%dma_start3A_54, %dma_start3A_55] : memref<80x128xi32, #tpu.memory_space<vmem>> -> memref<1x128xi32, #tpu.memory_space<vmem>>
    %dma_start3A_57 = tpu.memref_squeeze %dma_start3A_56 : memref<1x128xi32, #tpu.memory_space<vmem>> -> memref<128xi32, #tpu.memory_space<vmem>>
    %dma_start3A_58 = arith.constant 0 : i32
    %dma_start3A_59 = arith.constant 0 : i32
    %dma_start3A_60 = tpu.memref_slice %arg13[%dma_start3A_58, %dma_start3A_59] : memref<10240x64xf32, #tpu.memory_space<vmem_shared>> -> memref<10240x64xf32, #tpu.memory_space<vmem_shared>>
    tpu.enqueue_indirect_dma source(%dma_start3A_60 : memref<10240x64xf32, #tpu.memory_space<vmem_shared>>) target(%arg10 : memref<128x64xf32, #tpu.memory_space<vmem>>) offsets(%dma_start3A_57 : memref<128xi32, #tpu.memory_space<vmem>>) semaphore(%arg15 : memref<!tpu.dma_semaphore, #tpu.memory_space<semaphore_mem>>)
    %dma_wait3A_61 = arith.constant 0 : i32
    %dma_wait3A_62 = arith.constant 0 : i32
    %dma_wait3A_63 = tpu.memref_slice %arg7[%dma_wait3A_61, %dma_wait3A_62] : memref<80x128xi32, #tpu.memory_space<vmem>> -> memref<1x128xi32, #tpu.memory_space<vmem>>
    %dma_wait3A_64 = tpu.memref_squeeze %dma_wait3A_63 : memref<1x128xi32, #tpu.memory_space<vmem>> -> memref<128xi32, #tpu.memory_space<vmem>>
    %dma_wait3A_65 = arith.constant 0 : i32
    %dma_wait3A_66 = arith.constant 0 : i32
    %dma_wait3A_67 = tpu.memref_slice %arg13[%dma_wait3A_65, %dma_wait3A_66] : memref<10240x64xf32, #tpu.memory_space<vmem_shared>> -> memref<10240x64xf32, #tpu.memory_space<vmem_shared>>
    tpu.wait_indirect_dma semaphore(%arg14 : memref<!tpu.dma_semaphore, #tpu.memory_space<semaphore_mem>>) src(%dma_wait3A_67 : memref<10240x64xf32, #tpu.memory_space<vmem_shared>>) dst(%arg9 : memref<128x64xf32, #tpu.memory_space<vmem>>)
    %dma_start3A_68 = arith.constant 0 : i32
    %dma_start3A_69 = arith.constant 0 : i32
    %dma_start3A_70 = tpu.memref_slice %arg8[%dma_start3A_68, %dma_start3A_69] : memref<80x128xi32, #tpu.memory_space<vmem>> -> memref<1x128xi32, #tpu.memory_space<vmem>>
    %dma_start3A_71 = tpu.memref_squeeze %dma_start3A_70 : memref<1x128xi32, #tpu.memory_space<vmem>> -> memref<128xi32, #tpu.memory_space<vmem>>
    %dma_start3A_72 = arith.constant 0 : i32
    %dma_start3A_73 = arith.constant 0 : i32
    %dma_start3A_74 = tpu.memref_slice %arg12[%dma_start3A_72, %dma_start3A_73] : memref<10240x64xf32, #tpu.memory_space<vmem_shared>> -> memref<10240x64xf32, #tpu.memory_space<vmem_shared>>
    tpu.enqueue_indirect_dma source(%arg9 : memref<128x64xf32, #tpu.memory_space<vmem>>) target(%dma_start3A_74 : memref<10240x64xf32, #tpu.memory_space<vmem_shared>>) offsets(%dma_start3A_71 : memref<128xi32, #tpu.memory_space<vmem>>) semaphore(%arg17 : memref<!tpu.dma_semaphore, #tpu.memory_space<semaphore_mem>>) {add = true}
    %dma_start3A_75 = arith.constant 2 : i32
    %dma_start3A_76 = arith.constant 0 : i32
    %dma_start3A_77 = tpu.memref_slice %arg7[%dma_start3A_75, %dma_start3A_76] : memref<80x128xi32, #tpu.memory_space<vmem>> -> memref<1x128xi32, #tpu.memory_space<vmem>>
    %dma_start3A_78 = tpu.memref_squeeze %dma_start3A_77 : memref<1x128xi32, #tpu.memory_space<vmem>> -> memref<128xi32, #tpu.memory_space<vmem>>
    %dma_start3A_79 = arith.constant 0 : i32
    %dma_start3A_80 = arith.constant 0 : i32
    %dma_start3A_81 = tpu.memref_slice %arg13[%dma_start3A_79, %dma_start3A_80] : memref<10240x64xf32, #tpu.memory_space<vmem_shared>> -> memref<10240x64xf32, #tpu.memory_space<vmem_shared>>
    tpu.enqueue_indirect_dma source(%dma_start3A_81 : memref<10240x64xf32, #tpu.memory_space<vmem_shared>>) target(%arg11 : memref<128x64xf32, #tpu.memory_space<vmem>>) offsets(%dma_start3A_78 : memref<128xi32, #tpu.memory_space<vmem>>) semaphore(%arg16 : memref<!tpu.dma_semaphore, #tpu.memory_space<semaphore_mem>>)
    %dma_wait3A_82 = arith.constant 1 : i32
    %dma_wait3A_83 = arith.constant 0 : i32
    %dma_wait3A_84 = tpu.memref_slice %arg7[%dma_wait3A_82, %dma_wait3A_83] : memref<80x128xi32, #tpu.memory_space<vmem>> -> memref<1x128xi32, #tpu.memory_space<vmem>>
    %dma_wait3A_85 = tpu.memref_squeeze %dma_wait3A_84 : memref<1x128xi32, #tpu.memory_space<vmem>> -> memref<128xi32, #tpu.memory_space<vmem>>
    %dma_wait3A_86 = arith.constant 0 : i32
    %dma_wait3A_87 = arith.constant 0 : i32
    %dma_wait3A_88 = tpu.memref_slice %arg13[%dma_wait3A_86, %dma_wait3A_87] : memref<10240x64xf32, #tpu.memory_space<vmem_shared>> -> memref<10240x64xf32, #tpu.memory_space<vmem_shared>>
    tpu.wait_indirect_dma semaphore(%arg15 : memref<!tpu.dma_semaphore, #tpu.memory_space<semaphore_mem>>) src(%dma_wait3A_88 : memref<10240x64xf32, #tpu.memory_space<vmem_shared>>) dst(%arg10 : memref<128x64xf32, #tpu.memory_space<vmem>>)
    %dma_start3A_89 = arith.constant 1 : i32
    %dma_start3A_90 = arith.constant 0 : i32
    %dma_start3A_91 = tpu.memref_slice %arg8[%dma_start3A_89, %dma_start3A_90] : memref<80x128xi32, #tpu.memory_space<vmem>> -> memref<1x128xi32, #tpu.memory_space<vmem>>
    %dma_start3A_92 = tpu.memref_squeeze %dma_start3A_91 : memref<1x128xi32, #tpu.memory_space<vmem>> -> memref<128xi32, #tpu.memory_space<vmem>>
    %dma_start3A_93 = arith.constant 0 : i32
    %dma_start3A_94 = arith.constant 0 : i32
    %dma_start3A_95 = tpu.memref_slice %arg12[%dma_start3A_93, %dma_start3A_94] : memref<10240x64xf32, #tpu.memory_space<vmem_shared>> -> memref<10240x64xf32, #tpu.memory_space<vmem_shared>>
    tpu.enqueue_indirect_dma source(%arg10 : memref<128x64xf32, #tpu.memory_space<vmem>>) target(%dma_start3A_95 : memref<10240x64xf32, #tpu.memory_space<vmem_shared>>) offsets(%dma_start3A_92 : memref<128xi32, #tpu.memory_space<vmem>>) semaphore(%arg18 : memref<!tpu.dma_semaphore, #tpu.memory_space<semaphore_mem>>) {add = true}
    %dma_wait3A_96 = arith.constant 0 : i32
    %dma_wait3A_97 = arith.constant 0 : i32
    %dma_wait3A_98 = tpu.memref_slice %arg8[%dma_wait3A_96, %dma_wait3A_97] : memref<80x128xi32, #tpu.memory_space<vmem>> -> memref<1x128xi32, #tpu.memory_space<vmem>>
    %dma_wait3A_99 = tpu.memref_squeeze %dma_wait3A_98 : memref<1x128xi32, #tpu.memory_space<vmem>> -> memref<128xi32, #tpu.memory_space<vmem>>
    %dma_wait3A_100 = arith.constant 0 : i32
    %dma_wait3A_101 = arith.constant 0 : i32
    %dma_wait3A_102 = tpu.memref_slice %arg12[%dma_wait3A_100, %dma_wait3A_101] : memref<10240x64xf32, #tpu.memory_space<vmem_shared>> -> memref<10240x64xf32, #tpu.memory_space<vmem_shared>>
    tpu.wait_indirect_dma semaphore(%arg17 : memref<!tpu.dma_semaphore, #tpu.memory_space<semaphore_mem>>) src(%arg9 : memref<128x64xf32, #tpu.memory_space<vmem>>) dst(%dma_wait3A_102 : memref<10240x64xf32, #tpu.memory_space<vmem_shared>>)
    %dma_start3A_103 = arith.constant 3 : i32
    %dma_start3A_104 = arith.constant 0 : i32
    %dma_start3A_105 = tpu.memref_slice %arg7[%dma_start3A_103, %dma_start3A_104] : memref<80x128xi32, #tpu.memory_space<vmem>> -> memref<1x128xi32, #tpu.memory_space<vmem>>
    %dma_start3A_106 = tpu.memref_squeeze %dma_start3A_105 : memref<1x128xi32, #tpu.memory_space<vmem>> -> memref<128xi32, #tpu.memory_space<vmem>>
    %dma_start3A_107 = arith.constant 0 : i32
    %dma_start3A_108 = arith.constant 0 : i32
    %dma_start3A_109 = tpu.memref_slice %arg13[%dma_start3A_107, %dma_start3A_108] : memref<10240x64xf32, #tpu.memory_space<vmem_shared>> -> memref<10240x64xf32, #tpu.memory_space<vmem_shared>>
    tpu.enqueue_indirect_dma source(%dma_start3A_109 : memref<10240x64xf32, #tpu.memory_space<vmem_shared>>) target(%arg9 : memref<128x64xf32, #tpu.memory_space<vmem>>) offsets(%dma_start3A_106 : memref<128xi32, #tpu.memory_space<vmem>>) semaphore(%arg14 : memref<!tpu.dma_semaphore, #tpu.memory_space<semaphore_mem>>)
    %scan3A = arith.constant 0 : i32
    %scan3A_110 = arith.constant 0 : i32
    %scan3A_111 = arith.constant 25 : i32
    %scan3A_112 = arith.addi %scan3A_110, %scan3A_111 : i32
    %scan3A_113 = arith.constant 1 : i32
    scf.for %scan3A_195 = %scan3A_110 to %scan3A_112 step %scan3A_113  : i32 {
      %mul3A_196 = arith.constant 3 : i32
      %mul3A_197 = arith.muli %mul3A_196, %scan3A_195 : i32
      %add3A = arith.constant 2 : i32
      %add3A_198 = arith.addi %mul3A_197, %add3A : i32
      %add3A_199 = arith.constant 0 : i32
      %add3A_200 = arith.addi %add3A_198, %add3A_199 : i32
      %dma_wait3A_201 = arith.constant 0 : i32
      %dma_wait3A_202 = tpu.memref_slice %arg7[%add3A_200, %dma_wait3A_201] : memref<80x128xi32, #tpu.memory_space<vmem>> -> memref<1x128xi32, #tpu.memory_space<vmem>>
      %dma_wait3A_203 = tpu.memref_squeeze %dma_wait3A_202 : memref<1x128xi32, #tpu.memory_space<vmem>> -> memref<128xi32, #tpu.memory_space<vmem>>
      %dma_wait3A_204 = arith.constant 0 : i32
      %dma_wait3A_205 = arith.constant 0 : i32
      %dma_wait3A_206 = tpu.memref_slice %arg13[%dma_wait3A_204, %dma_wait3A_205] : memref<10240x64xf32, #tpu.memory_space<vmem_shared>> -> memref<10240x64xf32, #tpu.memory_space<vmem_shared>>
      tpu.wait_indirect_dma semaphore(%arg16 : memref<!tpu.dma_semaphore, #tpu.memory_space<semaphore_mem>>) src(%dma_wait3A_206 : memref<10240x64xf32, #tpu.memory_space<vmem_shared>>) dst(%arg11 : memref<128x64xf32, #tpu.memory_space<vmem>>)
      %dma_start3A_207 = arith.constant 0 : i32
      %dma_start3A_208 = tpu.memref_slice %arg8[%add3A_200, %dma_start3A_207] : memref<80x128xi32, #tpu.memory_space<vmem>> -> memref<1x128xi32, #tpu.memory_space<vmem>>
      %dma_start3A_209 = tpu.memref_squeeze %dma_start3A_208 : memref<1x128xi32, #tpu.memory_space<vmem>> -> memref<128xi32, #tpu.memory_space<vmem>>
      %dma_start3A_210 = arith.constant 0 : i32
      %dma_start3A_211 = arith.constant 0 : i32
      %dma_start3A_212 = tpu.memref_slice %arg12[%dma_start3A_210, %dma_start3A_211] : memref<10240x64xf32, #tpu.memory_space<vmem_shared>> -> memref<10240x64xf32, #tpu.memory_space<vmem_shared>>
      tpu.enqueue_indirect_dma source(%arg11 : memref<128x64xf32, #tpu.memory_space<vmem>>) target(%dma_start3A_212 : memref<10240x64xf32, #tpu.memory_space<vmem_shared>>) offsets(%dma_start3A_209 : memref<128xi32, #tpu.memory_space<vmem>>) semaphore(%arg19 : memref<!tpu.dma_semaphore, #tpu.memory_space<semaphore_mem>>) {add = true}
      %dma_wait3A_213 = arith.constant 0 : i32
      %dma_wait3A_214 = arith.constant 0 : i32
      %dma_wait3A_215 = tpu.memref_slice %arg8[%dma_wait3A_213, %dma_wait3A_214] : memref<80x128xi32, #tpu.memory_space<vmem>> -> memref<1x128xi32, #tpu.memory_space<vmem>>
      %dma_wait3A_216 = tpu.memref_squeeze %dma_wait3A_215 : memref<1x128xi32, #tpu.memory_space<vmem>> -> memref<128xi32, #tpu.memory_space<vmem>>
      %dma_wait3A_217 = arith.constant 0 : i32
      %dma_wait3A_218 = arith.constant 0 : i32
      %dma_wait3A_219 = tpu.memref_slice %arg12[%dma_wait3A_217, %dma_wait3A_218] : memref<10240x64xf32, #tpu.memory_space<vmem_shared>> -> memref<10240x64xf32, #tpu.memory_space<vmem_shared>>
      tpu.wait_indirect_dma semaphore(%arg18 : memref<!tpu.dma_semaphore, #tpu.memory_space<semaphore_mem>>) src(%arg10 : memref<128x64xf32, #tpu.memory_space<vmem>>) dst(%dma_wait3A_219 : memref<10240x64xf32, #tpu.memory_space<vmem_shared>>)
      %add3A_220 = arith.constant 2 : i32
      %add3A_221 = arith.addi %add3A_200, %add3A_220 : i32
      %dma_start3A_222 = arith.constant 0 : i32
      %dma_start3A_223 = tpu.memref_slice %arg7[%add3A_221, %dma_start3A_222] : memref<80x128xi32, #tpu.memory_space<vmem>> -> memref<1x128xi32, #tpu.memory_space<vmem>>
      %dma_start3A_224 = tpu.memref_squeeze %dma_start3A_223 : memref<1x128xi32, #tpu.memory_space<vmem>> -> memref<128xi32, #tpu.memory_space<vmem>>
      %dma_start3A_225 = arith.constant 0 : i32
      %dma_start3A_226 = arith.constant 0 : i32
      %dma_start3A_227 = tpu.memref_slice %arg13[%dma_start3A_225, %dma_start3A_226] : memref<10240x64xf32, #tpu.memory_space<vmem_shared>> -> memref<10240x64xf32, #tpu.memory_space<vmem_shared>>
      tpu.enqueue_indirect_dma source(%dma_start3A_227 : memref<10240x64xf32, #tpu.memory_space<vmem_shared>>) target(%arg10 : memref<128x64xf32, #tpu.memory_space<vmem>>) offsets(%dma_start3A_224 : memref<128xi32, #tpu.memory_space<vmem>>) semaphore(%arg15 : memref<!tpu.dma_semaphore, #tpu.memory_space<semaphore_mem>>)
      %add3A_228 = arith.constant 1 : i32
      %add3A_229 = arith.addi %add3A_198, %add3A_228 : i32
      %dma_wait3A_230 = arith.constant 0 : i32
      %dma_wait3A_231 = tpu.memref_slice %arg7[%add3A_229, %dma_wait3A_230] : memref<80x128xi32, #tpu.memory_space<vmem>> -> memref<1x128xi32, #tpu.memory_space<vmem>>
      %dma_wait3A_232 = tpu.memref_squeeze %dma_wait3A_231 : memref<1x128xi32, #tpu.memory_space<vmem>> -> memref<128xi32, #tpu.memory_space<vmem>>
      %dma_wait3A_233 = arith.constant 0 : i32
      %dma_wait3A_234 = arith.constant 0 : i32
      %dma_wait3A_235 = tpu.memref_slice %arg13[%dma_wait3A_233, %dma_wait3A_234] : memref<10240x64xf32, #tpu.memory_space<vmem_shared>> -> memref<10240x64xf32, #tpu.memory_space<vmem_shared>>
      tpu.wait_indirect_dma semaphore(%arg14 : memref<!tpu.dma_semaphore, #tpu.memory_space<semaphore_mem>>) src(%dma_wait3A_235 : memref<10240x64xf32, #tpu.memory_space<vmem_shared>>) dst(%arg9 : memref<128x64xf32, #tpu.memory_space<vmem>>)
      %dma_start3A_236 = arith.constant 0 : i32
      %dma_start3A_237 = tpu.memref_slice %arg8[%add3A_229, %dma_start3A_236] : memref<80x128xi32, #tpu.memory_space<vmem>> -> memref<1x128xi32, #tpu.memory_space<vmem>>
      %dma_start3A_238 = tpu.memref_squeeze %dma_start3A_237 : memref<1x128xi32, #tpu.memory_space<vmem>> -> memref<128xi32, #tpu.memory_space<vmem>>
      %dma_start3A_239 = arith.constant 0 : i32
      %dma_start3A_240 = arith.constant 0 : i32
      %dma_start3A_241 = tpu.memref_slice %arg12[%dma_start3A_239, %dma_start3A_240] : memref<10240x64xf32, #tpu.memory_space<vmem_shared>> -> memref<10240x64xf32, #tpu.memory_space<vmem_shared>>
      tpu.enqueue_indirect_dma source(%arg9 : memref<128x64xf32, #tpu.memory_space<vmem>>) target(%dma_start3A_241 : memref<10240x64xf32, #tpu.memory_space<vmem_shared>>) offsets(%dma_start3A_238 : memref<128xi32, #tpu.memory_space<vmem>>) semaphore(%arg17 : memref<!tpu.dma_semaphore, #tpu.memory_space<semaphore_mem>>) {add = true}
      %dma_wait3A_242 = arith.constant 0 : i32
      %dma_wait3A_243 = arith.constant 0 : i32
      %dma_wait3A_244 = tpu.memref_slice %arg8[%dma_wait3A_242, %dma_wait3A_243] : memref<80x128xi32, #tpu.memory_space<vmem>> -> memref<1x128xi32, #tpu.memory_space<vmem>>
      %dma_wait3A_245 = tpu.memref_squeeze %dma_wait3A_244 : memref<1x128xi32, #tpu.memory_space<vmem>> -> memref<128xi32, #tpu.memory_space<vmem>>
      %dma_wait3A_246 = arith.constant 0 : i32
      %dma_wait3A_247 = arith.constant 0 : i32
      %dma_wait3A_248 = tpu.memref_slice %arg12[%dma_wait3A_246, %dma_wait3A_247] : memref<10240x64xf32, #tpu.memory_space<vmem_shared>> -> memref<10240x64xf32, #tpu.memory_space<vmem_shared>>
      tpu.wait_indirect_dma semaphore(%arg19 : memref<!tpu.dma_semaphore, #tpu.memory_space<semaphore_mem>>) src(%arg11 : memref<128x64xf32, #tpu.memory_space<vmem>>) dst(%dma_wait3A_248 : memref<10240x64xf32, #tpu.memory_space<vmem_shared>>)
      %add3A_249 = arith.constant 2 : i32
      %add3A_250 = arith.addi %add3A_229, %add3A_249 : i32
      %dma_start3A_251 = arith.constant 0 : i32
      %dma_start3A_252 = tpu.memref_slice %arg7[%add3A_250, %dma_start3A_251] : memref<80x128xi32, #tpu.memory_space<vmem>> -> memref<1x128xi32, #tpu.memory_space<vmem>>
      %dma_start3A_253 = tpu.memref_squeeze %dma_start3A_252 : memref<1x128xi32, #tpu.memory_space<vmem>> -> memref<128xi32, #tpu.memory_space<vmem>>
      %dma_start3A_254 = arith.constant 0 : i32
      %dma_start3A_255 = arith.constant 0 : i32
      %dma_start3A_256 = tpu.memref_slice %arg13[%dma_start3A_254, %dma_start3A_255] : memref<10240x64xf32, #tpu.memory_space<vmem_shared>> -> memref<10240x64xf32, #tpu.memory_space<vmem_shared>>
      tpu.enqueue_indirect_dma source(%dma_start3A_256 : memref<10240x64xf32, #tpu.memory_space<vmem_shared>>) target(%arg11 : memref<128x64xf32, #tpu.memory_space<vmem>>) offsets(%dma_start3A_253 : memref<128xi32, #tpu.memory_space<vmem>>) semaphore(%arg16 : memref<!tpu.dma_semaphore, #tpu.memory_space<semaphore_mem>>)
      %add3A_257 = arith.constant 2 : i32
      %add3A_258 = arith.addi %add3A_198, %add3A_257 : i32
      %dma_wait3A_259 = arith.constant 0 : i32
      %dma_wait3A_260 = tpu.memref_slice %arg7[%add3A_258, %dma_wait3A_259] : memref<80x128xi32, #tpu.memory_space<vmem>> -> memref<1x128xi32, #tpu.memory_space<vmem>>
      %dma_wait3A_261 = tpu.memref_squeeze %dma_wait3A_260 : memref<1x128xi32, #tpu.memory_space<vmem>> -> memref<128xi32, #tpu.memory_space<vmem>>
      %dma_wait3A_262 = arith.constant 0 : i32
      %dma_wait3A_263 = arith.constant 0 : i32
      %dma_wait3A_264 = tpu.memref_slice %arg13[%dma_wait3A_262, %dma_wait3A_263] : memref<10240x64xf32, #tpu.memory_space<vmem_shared>> -> memref<10240x64xf32, #tpu.memory_space<vmem_shared>>
      tpu.wait_indirect_dma semaphore(%arg15 : memref<!tpu.dma_semaphore, #tpu.memory_space<semaphore_mem>>) src(%dma_wait3A_264 : memref<10240x64xf32, #tpu.memory_space<vmem_shared>>) dst(%arg10 : memref<128x64xf32, #tpu.memory_space<vmem>>)
      %dma_start3A_265 = arith.constant 0 : i32
      %dma_start3A_266 = tpu.memref_slice %arg8[%add3A_258, %dma_start3A_265] : memref<80x128xi32, #tpu.memory_space<vmem>> -> memref<1x128xi32, #tpu.memory_space<vmem>>
      %dma_start3A_267 = tpu.memref_squeeze %dma_start3A_266 : memref<1x128xi32, #tpu.memory_space<vmem>> -> memref<128xi32, #tpu.memory_space<vmem>>
      %dma_start3A_268 = arith.constant 0 : i32
      %dma_start3A_269 = arith.constant 0 : i32
      %dma_start3A_270 = tpu.memref_slice %arg12[%dma_start3A_268, %dma_start3A_269] : memref<10240x64xf32, #tpu.memory_space<vmem_shared>> -> memref<10240x64xf32, #tpu.memory_space<vmem_shared>>
      tpu.enqueue_indirect_dma source(%arg10 : memref<128x64xf32, #tpu.memory_space<vmem>>) target(%dma_start3A_270 : memref<10240x64xf32, #tpu.memory_space<vmem_shared>>) offsets(%dma_start3A_267 : memref<128xi32, #tpu.memory_space<vmem>>) semaphore(%arg18 : memref<!tpu.dma_semaphore, #tpu.memory_space<semaphore_mem>>) {add = true}
      %dma_wait3A_271 = arith.constant 0 : i32
      %dma_wait3A_272 = arith.constant 0 : i32
      %dma_wait3A_273 = tpu.memref_slice %arg8[%dma_wait3A_271, %dma_wait3A_272] : memref<80x128xi32, #tpu.memory_space<vmem>> -> memref<1x128xi32, #tpu.memory_space<vmem>>
      %dma_wait3A_274 = tpu.memref_squeeze %dma_wait3A_273 : memref<1x128xi32, #tpu.memory_space<vmem>> -> memref<128xi32, #tpu.memory_space<vmem>>
      %dma_wait3A_275 = arith.constant 0 : i32
      %dma_wait3A_276 = arith.constant 0 : i32
      %dma_wait3A_277 = tpu.memref_slice %arg12[%dma_wait3A_275, %dma_wait3A_276] : memref<10240x64xf32, #tpu.memory_space<vmem_shared>> -> memref<10240x64xf32, #tpu.memory_space<vmem_shared>>
      tpu.wait_indirect_dma semaphore(%arg17 : memref<!tpu.dma_semaphore, #tpu.memory_space<semaphore_mem>>) src(%arg9 : memref<128x64xf32, #tpu.memory_space<vmem>>) dst(%dma_wait3A_277 : memref<10240x64xf32, #tpu.memory_space<vmem_shared>>)
      %add3A_278 = arith.constant 2 : i32
      %add3A_279 = arith.addi %add3A_258, %add3A_278 : i32
      %dma_start3A_280 = arith.constant 0 : i32
      %dma_start3A_281 = tpu.memref_slice %arg7[%add3A_279, %dma_start3A_280] : memref<80x128xi32, #tpu.memory_space<vmem>> -> memref<1x128xi32, #tpu.memory_space<vmem>>
      %dma_start3A_282 = tpu.memref_squeeze %dma_start3A_281 : memref<1x128xi32, #tpu.memory_space<vmem>> -> memref<128xi32, #tpu.memory_space<vmem>>
      %dma_start3A_283 = arith.constant 0 : i32
      %dma_start3A_284 = arith.constant 0 : i32
      %dma_start3A_285 = tpu.memref_slice %arg13[%dma_start3A_283, %dma_start3A_284] : memref<10240x64xf32, #tpu.memory_space<vmem_shared>> -> memref<10240x64xf32, #tpu.memory_space<vmem_shared>>
      tpu.enqueue_indirect_dma source(%dma_start3A_285 : memref<10240x64xf32, #tpu.memory_space<vmem_shared>>) target(%arg9 : memref<128x64xf32, #tpu.memory_space<vmem>>) offsets(%dma_start3A_282 : memref<128xi32, #tpu.memory_space<vmem>>) semaphore(%arg14 : memref<!tpu.dma_semaphore, #tpu.memory_space<semaphore_mem>>)
    }
    %scan3A_114 = arith.constant 25 : i32
    %dma_wait3A_115 = arith.constant 77 : i32
    %dma_wait3A_116 = arith.constant 0 : i32
    %dma_wait3A_117 = tpu.memref_slice %arg7[%dma_wait3A_115, %dma_wait3A_116] : memref<80x128xi32, #tpu.memory_space<vmem>> -> memref<1x128xi32, #tpu.memory_space<vmem>>
    %dma_wait3A_118 = tpu.memref_squeeze %dma_wait3A_117 : memref<1x128xi32, #tpu.memory_space<vmem>> -> memref<128xi32, #tpu.memory_space<vmem>>
    %dma_wait3A_119 = arith.constant 0 : i32
    %dma_wait3A_120 = arith.constant 0 : i32
    %dma_wait3A_121 = tpu.memref_slice %arg13[%dma_wait3A_119, %dma_wait3A_120] : memref<10240x64xf32, #tpu.memory_space<vmem_shared>> -> memref<10240x64xf32, #tpu.memory_space<vmem_shared>>
    tpu.wait_indirect_dma semaphore(%arg16 : memref<!tpu.dma_semaphore, #tpu.memory_space<semaphore_mem>>) src(%dma_wait3A_121 : memref<10240x64xf32, #tpu.memory_space<vmem_shared>>) dst(%arg11 : memref<128x64xf32, #tpu.memory_space<vmem>>)
    %dma_start3A_122 = arith.constant 77 : i32
    %dma_start3A_123 = arith.constant 0 : i32
    %dma_start3A_124 = tpu.memref_slice %arg8[%dma_start3A_122, %dma_start3A_123] : memref<80x128xi32, #tpu.memory_space<vmem>> -> memref<1x128xi32, #tpu.memory_space<vmem>>
    %dma_start3A_125 = tpu.memref_squeeze %dma_start3A_124 : memref<1x128xi32, #tpu.memory_space<vmem>> -> memref<128xi32, #tpu.memory_space<vmem>>
    %dma_start3A_126 = arith.constant 0 : i32
    %dma_start3A_127 = arith.constant 0 : i32
    %dma_start3A_128 = tpu.memref_slice %arg12[%dma_start3A_126, %dma_start3A_127] : memref<10240x64xf32, #tpu.memory_space<vmem_shared>> -> memref<10240x64xf32, #tpu.memory_space<vmem_shared>>
    tpu.enqueue_indirect_dma source(%arg11 : memref<128x64xf32, #tpu.memory_space<vmem>>) target(%dma_start3A_128 : memref<10240x64xf32, #tpu.memory_space<vmem_shared>>) offsets(%dma_start3A_125 : memref<128xi32, #tpu.memory_space<vmem>>) semaphore(%arg19 : memref<!tpu.dma_semaphore, #tpu.memory_space<semaphore_mem>>) {add = true}
    %dma_wait3A_129 = arith.constant 0 : i32
    %dma_wait3A_130 = arith.constant 0 : i32
    %dma_wait3A_131 = tpu.memref_slice %arg8[%dma_wait3A_129, %dma_wait3A_130] : memref<80x128xi32, #tpu.memory_space<vmem>> -> memref<1x128xi32, #tpu.memory_space<vmem>>
    %dma_wait3A_132 = tpu.memref_squeeze %dma_wait3A_131 : memref<1x128xi32, #tpu.memory_space<vmem>> -> memref<128xi32, #tpu.memory_space<vmem>>
    %dma_wait3A_133 = arith.constant 0 : i32
    %dma_wait3A_134 = arith.constant 0 : i32
    %dma_wait3A_135 = tpu.memref_slice %arg12[%dma_wait3A_133, %dma_wait3A_134] : memref<10240x64xf32, #tpu.memory_space<vmem_shared>> -> memref<10240x64xf32, #tpu.memory_space<vmem_shared>>
    tpu.wait_indirect_dma semaphore(%arg18 : memref<!tpu.dma_semaphore, #tpu.memory_space<semaphore_mem>>) src(%arg10 : memref<128x64xf32, #tpu.memory_space<vmem>>) dst(%dma_wait3A_135 : memref<10240x64xf32, #tpu.memory_space<vmem_shared>>)
    %dma_start3A_136 = arith.constant 79 : i32
    %dma_start3A_137 = arith.constant 0 : i32
    %dma_start3A_138 = tpu.memref_slice %arg7[%dma_start3A_136, %dma_start3A_137] : memref<80x128xi32, #tpu.memory_space<vmem>> -> memref<1x128xi32, #tpu.memory_space<vmem>>
    %dma_start3A_139 = tpu.memref_squeeze %dma_start3A_138 : memref<1x128xi32, #tpu.memory_space<vmem>> -> memref<128xi32, #tpu.memory_space<vmem>>
    %dma_start3A_140 = arith.constant 0 : i32
    %dma_start3A_141 = arith.constant 0 : i32
    %dma_start3A_142 = tpu.memref_slice %arg13[%dma_start3A_140, %dma_start3A_141] : memref<10240x64xf32, #tpu.memory_space<vmem_shared>> -> memref<10240x64xf32, #tpu.memory_space<vmem_shared>>
    tpu.enqueue_indirect_dma source(%dma_start3A_142 : memref<10240x64xf32, #tpu.memory_space<vmem_shared>>) target(%arg10 : memref<128x64xf32, #tpu.memory_space<vmem>>) offsets(%dma_start3A_139 : memref<128xi32, #tpu.memory_space<vmem>>) semaphore(%arg15 : memref<!tpu.dma_semaphore, #tpu.memory_space<semaphore_mem>>)
    %dma_wait3A_143 = arith.constant 78 : i32
    %dma_wait3A_144 = arith.constant 0 : i32
    %dma_wait3A_145 = tpu.memref_slice %arg7[%dma_wait3A_143, %dma_wait3A_144] : memref<80x128xi32, #tpu.memory_space<vmem>> -> memref<1x128xi32, #tpu.memory_space<vmem>>
    %dma_wait3A_146 = tpu.memref_squeeze %dma_wait3A_145 : memref<1x128xi32, #tpu.memory_space<vmem>> -> memref<128xi32, #tpu.memory_space<vmem>>
    %dma_wait3A_147 = arith.constant 0 : i32
    %dma_wait3A_148 = arith.constant 0 : i32
    %dma_wait3A_149 = tpu.memref_slice %arg13[%dma_wait3A_147, %dma_wait3A_148] : memref<10240x64xf32, #tpu.memory_space<vmem_shared>> -> memref<10240x64xf32, #tpu.memory_space<vmem_shared>>
    tpu.wait_indirect_dma semaphore(%arg14 : memref<!tpu.dma_semaphore, #tpu.memory_space<semaphore_mem>>) src(%dma_wait3A_149 : memref<10240x64xf32, #tpu.memory_space<vmem_shared>>) dst(%arg9 : memref<128x64xf32, #tpu.memory_space<vmem>>)
    %dma_start3A_150 = arith.constant 78 : i32
    %dma_start3A_151 = arith.constant 0 : i32
    %dma_start3A_152 = tpu.memref_slice %arg8[%dma_start3A_150, %dma_start3A_151] : memref<80x128xi32, #tpu.memory_space<vmem>> -> memref<1x128xi32, #tpu.memory_space<vmem>>
    %dma_start3A_153 = tpu.memref_squeeze %dma_start3A_152 : memref<1x128xi32, #tpu.memory_space<vmem>> -> memref<128xi32, #tpu.memory_space<vmem>>
    %dma_start3A_154 = arith.constant 0 : i32
    %dma_start3A_155 = arith.constant 0 : i32
    %dma_start3A_156 = tpu.memref_slice %arg12[%dma_start3A_154, %dma_start3A_155] : memref<10240x64xf32, #tpu.memory_space<vmem_shared>> -> memref<10240x64xf32, #tpu.memory_space<vmem_shared>>
    tpu.enqueue_indirect_dma source(%arg9 : memref<128x64xf32, #tpu.memory_space<vmem>>) target(%dma_start3A_156 : memref<10240x64xf32, #tpu.memory_space<vmem_shared>>) offsets(%dma_start3A_153 : memref<128xi32, #tpu.memory_space<vmem>>) semaphore(%arg17 : memref<!tpu.dma_semaphore, #tpu.memory_space<semaphore_mem>>) {add = true}
    %dma_wait3A_157 = arith.constant 79 : i32
    %dma_wait3A_158 = arith.constant 0 : i32
    %dma_wait3A_159 = tpu.memref_slice %arg7[%dma_wait3A_157, %dma_wait3A_158] : memref<80x128xi32, #tpu.memory_space<vmem>> -> memref<1x128xi32, #tpu.memory_space<vmem>>
    %dma_wait3A_160 = tpu.memref_squeeze %dma_wait3A_159 : memref<1x128xi32, #tpu.memory_space<vmem>> -> memref<128xi32, #tpu.memory_space<vmem>>
    %dma_wait3A_161 = arith.constant 0 : i32
    %dma_wait3A_162 = arith.constant 0 : i32
    %dma_wait3A_163 = tpu.memref_slice %arg13[%dma_wait3A_161, %dma_wait3A_162] : memref<10240x64xf32, #tpu.memory_space<vmem_shared>> -> memref<10240x64xf32, #tpu.memory_space<vmem_shared>>
    tpu.wait_indirect_dma semaphore(%arg15 : memref<!tpu.dma_semaphore, #tpu.memory_space<semaphore_mem>>) src(%dma_wait3A_163 : memref<10240x64xf32, #tpu.memory_space<vmem_shared>>) dst(%arg10 : memref<128x64xf32, #tpu.memory_space<vmem>>)
    %dma_start3A_164 = arith.constant 79 : i32
    %dma_start3A_165 = arith.constant 0 : i32
    %dma_start3A_166 = tpu.memref_slice %arg8[%dma_start3A_164, %dma_start3A_165] : memref<80x128xi32, #tpu.memory_space<vmem>> -> memref<1x128xi32, #tpu.memory_space<vmem>>
    %dma_start3A_167 = tpu.memref_squeeze %dma_start3A_166 : memref<1x128xi32, #tpu.memory_space<vmem>> -> memref<128xi32, #tpu.memory_space<vmem>>
    %dma_start3A_168 = arith.constant 0 : i32
    %dma_start3A_169 = arith.constant 0 : i32
    %dma_start3A_170 = tpu.memref_slice %arg12[%dma_start3A_168, %dma_start3A_169] : memref<10240x64xf32, #tpu.memory_space<vmem_shared>> -> memref<10240x64xf32, #tpu.memory_space<vmem_shared>>
    tpu.enqueue_indirect_dma source(%arg10 : memref<128x64xf32, #tpu.memory_space<vmem>>) target(%dma_start3A_170 : memref<10240x64xf32, #tpu.memory_space<vmem_shared>>) offsets(%dma_start3A_167 : memref<128xi32, #tpu.memory_space<vmem>>) semaphore(%arg18 : memref<!tpu.dma_semaphore, #tpu.memory_space<semaphore_mem>>) {add = true}
    %dma_wait3A_171 = arith.constant 0 : i32
    %dma_wait3A_172 = arith.constant 0 : i32
    %dma_wait3A_173 = tpu.memref_slice %arg8[%dma_wait3A_171, %dma_wait3A_172] : memref<80x128xi32, #tpu.memory_space<vmem>> -> memref<1x128xi32, #tpu.memory_space<vmem>>
    %dma_wait3A_174 = tpu.memref_squeeze %dma_wait3A_173 : memref<1x128xi32, #tpu.memory_space<vmem>> -> memref<128xi32, #tpu.memory_space<vmem>>
    %dma_wait3A_175 = arith.constant 0 : i32
    %dma_wait3A_176 = arith.constant 0 : i32
    %dma_wait3A_177 = tpu.memref_slice %arg12[%dma_wait3A_175, %dma_wait3A_176] : memref<10240x64xf32, #tpu.memory_space<vmem_shared>> -> memref<10240x64xf32, #tpu.memory_space<vmem_shared>>
    tpu.wait_indirect_dma semaphore(%arg19 : memref<!tpu.dma_semaphore, #tpu.memory_space<semaphore_mem>>) src(%arg11 : memref<128x64xf32, #tpu.memory_space<vmem>>) dst(%dma_wait3A_177 : memref<10240x64xf32, #tpu.memory_space<vmem_shared>>)
    %dma_wait3A_178 = arith.constant 0 : i32
    %dma_wait3A_179 = arith.constant 0 : i32
    %dma_wait3A_180 = tpu.memref_slice %arg8[%dma_wait3A_178, %dma_wait3A_179] : memref<80x128xi32, #tpu.memory_space<vmem>> -> memref<1x128xi32, #tpu.memory_space<vmem>>
    %dma_wait3A_181 = tpu.memref_squeeze %dma_wait3A_180 : memref<1x128xi32, #tpu.memory_space<vmem>> -> memref<128xi32, #tpu.memory_space<vmem>>
    %dma_wait3A_182 = arith.constant 0 : i32
    %dma_wait3A_183 = arith.constant 0 : i32
    %dma_wait3A_184 = tpu.memref_slice %arg12[%dma_wait3A_182, %dma_wait3A_183] : memref<10240x64xf32, #tpu.memory_space<vmem_shared>> -> memref<10240x64xf32, #tpu.memory_space<vmem_shared>>
    tpu.wait_indirect_dma semaphore(%arg17 : memref<!tpu.dma_semaphore, #tpu.memory_space<semaphore_mem>>) src(%arg9 : memref<128x64xf32, #tpu.memory_space<vmem>>) dst(%dma_wait3A_184 : memref<10240x64xf32, #tpu.memory_space<vmem_shared>>)
    %dma_wait3A_185 = arith.constant 0 : i32
    %dma_wait3A_186 = arith.constant 0 : i32
    %dma_wait3A_187 = tpu.memref_slice %arg8[%dma_wait3A_185, %dma_wait3A_186] : memref<80x128xi32, #tpu.memory_space<vmem>> -> memref<1x128xi32, #tpu.memory_space<vmem>>
    %dma_wait3A_188 = tpu.memref_squeeze %dma_wait3A_187 : memref<1x128xi32, #tpu.memory_space<vmem>> -> memref<128xi32, #tpu.memory_space<vmem>>
    %dma_wait3A_189 = arith.constant 0 : i32
    %dma_wait3A_190 = arith.constant 0 : i32
    %dma_wait3A_191 = tpu.memref_slice %arg12[%dma_wait3A_189, %dma_wait3A_190] : memref<10240x64xf32, #tpu.memory_space<vmem_shared>> -> memref<10240x64xf32, #tpu.memory_space<vmem_shared>>
    tpu.wait_indirect_dma semaphore(%arg18 : memref<!tpu.dma_semaphore, #tpu.memory_space<semaphore_mem>>) src(%arg10 : memref<128x64xf32, #tpu.memory_space<vmem>>) dst(%dma_wait3A_191 : memref<10240x64xf32, #tpu.memory_space<vmem_shared>>)
    %barrier3A_192 = arith.constant 0 : index
    tpu.barrier barrier_id(%barrier3A_192)
    %mul3A_193 = arith.constant 625 : i32
    %mul3A_194 = arith.muli %arg1, %mul3A_193 : i32
    "tpu.region"() ({
      %run_scoped3A = tpu.sem_alloc : memref<!tpu.dma_semaphore, #tpu.memory_space<semaphore_mem>>
      %dma_start3A_195 = arith.constant 0 : i32
      %dma_start3A_196 = arith.constant 0 : i32
      %dma_start3A_197 = tpu.memref_slice %arg6[%arg0, %arg1, %dma_start3A_195, %dma_start3A_196] : memref<2x16x625x64xf32, #tpu.memory_space<hbm>> -> memref<1x1x625x64xf32, #tpu.memory_space<hbm>>
      %dma_start3A_198 = tpu.memref_squeeze %dma_start3A_197 : memref<1x1x625x64xf32, #tpu.memory_space<hbm>> -> memref<625x64xf32, #tpu.memory_space<hbm>>
      %dma_start3A_199 = arith.constant 0 : i32
      %dma_start3A_200 = tpu.memref_slice %arg12[%mul3A_194, %dma_start3A_199] : memref<10240x64xf32, #tpu.memory_space<vmem_shared>> -> memref<625x64xf32, #tpu.memory_space<vmem_shared>>
      tpu.enqueue_dma source(%dma_start3A_200 : memref<625x64xf32, #tpu.memory_space<vmem_shared>>) target(%dma_start3A_198 : memref<625x64xf32, #tpu.memory_space<hbm>>) target_semaphore(%run_scoped3A : memref<!tpu.dma_semaphore, #tpu.memory_space<semaphore_mem>>)
      %dma_wait3A_201 = arith.constant 0 : i32
      %dma_wait3A_202 = arith.constant 0 : i32
      %dma_wait3A_203 = tpu.memref_slice %arg6[%arg0, %arg1, %dma_wait3A_201, %dma_wait3A_202] : memref<2x16x625x64xf32, #tpu.memory_space<hbm>> -> memref<1x1x625x64xf32, #tpu.memory_space<hbm>>
      %dma_wait3A_204 = tpu.memref_squeeze %dma_wait3A_203 : memref<1x1x625x64xf32, #tpu.memory_space<hbm>> -> memref<625x64xf32, #tpu.memory_space<hbm>>
      %dma_wait3A_205 = arith.constant 0 : i32
      %dma_wait3A_206 = tpu.memref_slice %arg12[%mul3A_194, %dma_wait3A_205] : memref<10240x64xf32, #tpu.memory_space<vmem_shared>> -> memref<625x64xf32, #tpu.memory_space<vmem_shared>>
      tpu.wait_dma2 semaphore(%run_scoped3A : memref<!tpu.dma_semaphore, #tpu.memory_space<semaphore_mem>>) src(%dma_wait3A_206 : memref<625x64xf32, #tpu.memory_space<vmem_shared>>) dst(%dma_wait3A_204 : memref<625x64xf32, #tpu.memory_space<hbm>>)
      tpu.yield
    }) : () -> ()
    return
  }
}

#map = affine_map<(d0, d1) -> (0, 0, 0, 0)>
#map1 = affine_map<(d0, d1) -> (0, 0)>
module attributes {stable_mosaic.version = 14 : i64} {
  func.func @_deg_kernel(%arg0: i32, %arg1: i32, %arg2: memref<2x16x80x128xi32, #tpu.memory_space<hbm>>, %arg3: memref<625x16xf32, #tpu.memory_space<hbm>>, %arg4: memref<128x16xf32, #tpu.memory_space<hbm>>, %arg5: memref<2x16x625x16xf32, #tpu.memory_space<hbm>>, %arg6: memref<80x128xi32, #tpu.memory_space<vmem>>, %arg7: memref<128x16xf32, #tpu.memory_space<vmem>>, %arg8: memref<10240x16xf32, #tpu.memory_space<vmem_shared>>, %arg9: memref<!tpu.dma_semaphore, #tpu.memory_space<semaphore_mem>>, %arg10: memref<!tpu.dma_semaphore, #tpu.memory_space<semaphore_mem>>, %arg11: memref<!tpu.dma_semaphore, #tpu.memory_space<semaphore_mem>>) attributes {dimension_semantics = [#tpu.dimension_semantics<core_parallel>, #tpu.dimension_semantics<subcore_parallel>], iteration_bounds = array<i64: 2, 16>, scalar_prefetch = 0 : i64, scratch_operands = 6 : i64, tpu.core_type = #tpu.core_type<sc_vector_subcore>, window_params = [{transform_indices = #map}, {transform_indices = #map1}, {transform_indices = #map1}, {transform_indices = #map}]} {
    %mul3A = arith.constant 625 : i32
    %mul3A_0 = arith.muli %arg1, %mul3A : i32
    %dma_start3A = arith.constant 0 : i32
    %dma_start3A_1 = tpu.memref_slice %arg8[%mul3A_0, %dma_start3A] : memref<10240x16xf32, #tpu.memory_space<vmem_shared>> -> memref<625x16xf32, #tpu.memory_space<vmem_shared>>
    tpu.enqueue_dma source(%arg3 : memref<625x16xf32, #tpu.memory_space<hbm>>) target(%dma_start3A_1 : memref<625x16xf32, #tpu.memory_space<vmem_shared>>) target_semaphore(%arg9 : memref<!tpu.dma_semaphore, #tpu.memory_space<semaphore_mem>>)
    tpu.enqueue_dma source(%arg4 : memref<128x16xf32, #tpu.memory_space<hbm>>) target(%arg7 : memref<128x16xf32, #tpu.memory_space<vmem>>) target_semaphore(%arg10 : memref<!tpu.dma_semaphore, #tpu.memory_space<semaphore_mem>>)
    %dma_start3A_2 = arith.constant 0 : i32
    %dma_start3A_3 = arith.constant 0 : i32
    %dma_start3A_4 = tpu.memref_slice %arg2[%arg0, %arg1, %dma_start3A_2, %dma_start3A_3] : memref<2x16x80x128xi32, #tpu.memory_space<hbm>> -> memref<1x1x80x128xi32, #tpu.memory_space<hbm>>
    %dma_start3A_5 = tpu.memref_squeeze %dma_start3A_4 : memref<1x1x80x128xi32, #tpu.memory_space<hbm>> -> memref<80x128xi32, #tpu.memory_space<hbm>>
    %dma_start3A_6 = arith.constant 0 : i32
    %dma_start3A_7 = arith.constant 0 : i32
    %dma_start3A_8 = tpu.memref_slice %arg2[%arg0, %arg1, %dma_start3A_6, %dma_start3A_7] : memref<2x16x80x128xi32, #tpu.memory_space<hbm>> -> memref<1x1x80x128xi32, #tpu.memory_space<hbm>>
    %dma_start3A_9 = tpu.memref_squeeze %dma_start3A_8 : memref<1x1x80x128xi32, #tpu.memory_space<hbm>> -> memref<80x128xi32, #tpu.memory_space<hbm>>
    tpu.enqueue_dma source(%dma_start3A_9 : memref<80x128xi32, #tpu.memory_space<hbm>>) target(%arg6 : memref<80x128xi32, #tpu.memory_space<vmem>>) target_semaphore(%arg11 : memref<!tpu.dma_semaphore, #tpu.memory_space<semaphore_mem>>)
    %dma_wait3A = arith.constant 0 : i32
    %dma_wait3A_10 = tpu.memref_slice %arg8[%mul3A_0, %dma_wait3A] : memref<10240x16xf32, #tpu.memory_space<vmem_shared>> -> memref<625x16xf32, #tpu.memory_space<vmem_shared>>
    tpu.wait_dma2 semaphore(%arg9 : memref<!tpu.dma_semaphore, #tpu.memory_space<semaphore_mem>>) src(%arg3 : memref<625x16xf32, #tpu.memory_space<hbm>>) dst(%dma_wait3A_10 : memref<625x16xf32, #tpu.memory_space<vmem_shared>>)
    tpu.wait_dma2 semaphore(%arg10 : memref<!tpu.dma_semaphore, #tpu.memory_space<semaphore_mem>>) src(%arg4 : memref<128x16xf32, #tpu.memory_space<hbm>>) dst(%arg7 : memref<128x16xf32, #tpu.memory_space<vmem>>)
    %dma_wait3A_11 = arith.constant 0 : i32
    %dma_wait3A_12 = arith.constant 0 : i32
    %dma_wait3A_13 = tpu.memref_slice %arg2[%arg0, %arg1, %dma_wait3A_11, %dma_wait3A_12] : memref<2x16x80x128xi32, #tpu.memory_space<hbm>> -> memref<1x1x80x128xi32, #tpu.memory_space<hbm>>
    %dma_wait3A_14 = tpu.memref_squeeze %dma_wait3A_13 : memref<1x1x80x128xi32, #tpu.memory_space<hbm>> -> memref<80x128xi32, #tpu.memory_space<hbm>>
    %dma_wait3A_15 = arith.constant 0 : i32
    %dma_wait3A_16 = arith.constant 0 : i32
    %dma_wait3A_17 = tpu.memref_slice %arg2[%arg0, %arg1, %dma_wait3A_15, %dma_wait3A_16] : memref<2x16x80x128xi32, #tpu.memory_space<hbm>> -> memref<1x1x80x128xi32, #tpu.memory_space<hbm>>
    %dma_wait3A_18 = tpu.memref_squeeze %dma_wait3A_17 : memref<1x1x80x128xi32, #tpu.memory_space<hbm>> -> memref<80x128xi32, #tpu.memory_space<hbm>>
    tpu.wait_dma2 semaphore(%arg11 : memref<!tpu.dma_semaphore, #tpu.memory_space<semaphore_mem>>) src(%dma_wait3A_18 : memref<80x128xi32, #tpu.memory_space<hbm>>) dst(%arg6 : memref<80x128xi32, #tpu.memory_space<vmem>>)
    %barrier3A = arith.constant 0 : index
    tpu.barrier barrier_id(%barrier3A)
    %scan3A = arith.constant 0 : i32
    %scan3A_19 = arith.constant 0 : i32
    %scan3A_20 = arith.constant 80 : i32
    %scan3A_21 = arith.addi %scan3A_19, %scan3A_20 : i32
    %scan3A_22 = arith.constant 1 : i32
    scf.for %scan3A_33 = %scan3A_19 to %scan3A_21 step %scan3A_22  : i32 {
      %dma_start3A_34 = arith.constant 0 : i32
      %dma_start3A_35 = tpu.memref_slice %arg6[%scan3A_33, %dma_start3A_34] : memref<80x128xi32, #tpu.memory_space<vmem>> -> memref<1x128xi32, #tpu.memory_space<vmem>>
      %dma_start3A_36 = tpu.memref_squeeze %dma_start3A_35 : memref<1x128xi32, #tpu.memory_space<vmem>> -> memref<128xi32, #tpu.memory_space<vmem>>
      %dma_start3A_37 = arith.constant 0 : i32
      %dma_start3A_38 = arith.constant 0 : i32
      %dma_start3A_39 = tpu.memref_slice %arg8[%dma_start3A_37, %dma_start3A_38] : memref<10240x16xf32, #tpu.memory_space<vmem_shared>> -> memref<10240x16xf32, #tpu.memory_space<vmem_shared>>
      tpu.enqueue_indirect_dma source(%arg7 : memref<128x16xf32, #tpu.memory_space<vmem>>) target(%dma_start3A_39 : memref<10240x16xf32, #tpu.memory_space<vmem_shared>>) offsets(%dma_start3A_36 : memref<128xi32, #tpu.memory_space<vmem>>) semaphore(%arg9 : memref<!tpu.dma_semaphore, #tpu.memory_space<semaphore_mem>>) {add = true}
    }
    %scan3A_23 = arith.constant 80 : i32
    %scan3A_24 = arith.constant 0 : i32
    %scan3A_25 = arith.constant 0 : i32
    %scan3A_26 = arith.constant 80 : i32
    %scan3A_27 = arith.addi %scan3A_25, %scan3A_26 : i32
    %scan3A_28 = arith.constant 1 : i32
    scf.for %scan3A_33 = %scan3A_25 to %scan3A_27 step %scan3A_28  : i32 {
      %dma_wait3A_34 = arith.constant 0 : i32
      %dma_wait3A_35 = arith.constant 0 : i32
      %dma_wait3A_36 = tpu.memref_slice %arg6[%dma_wait3A_34, %dma_wait3A_35] : memref<80x128xi32, #tpu.memory_space<vmem>> -> memref<1x128xi32, #tpu.memory_space<vmem>>
      %dma_wait3A_37 = tpu.memref_squeeze %dma_wait3A_36 : memref<1x128xi32, #tpu.memory_space<vmem>> -> memref<128xi32, #tpu.memory_space<vmem>>
      %dma_wait3A_38 = arith.constant 0 : i32
      %dma_wait3A_39 = arith.constant 0 : i32
      %dma_wait3A_40 = tpu.memref_slice %arg8[%dma_wait3A_38, %dma_wait3A_39] : memref<10240x16xf32, #tpu.memory_space<vmem_shared>> -> memref<10240x16xf32, #tpu.memory_space<vmem_shared>>
      tpu.wait_indirect_dma semaphore(%arg9 : memref<!tpu.dma_semaphore, #tpu.memory_space<semaphore_mem>>) src(%arg7 : memref<128x16xf32, #tpu.memory_space<vmem>>) dst(%dma_wait3A_40 : memref<10240x16xf32, #tpu.memory_space<vmem_shared>>)
    }
    %scan3A_29 = arith.constant 80 : i32
    %barrier3A_30 = arith.constant 0 : index
    tpu.barrier barrier_id(%barrier3A_30)
    %mul3A_31 = arith.constant 625 : i32
    %mul3A_32 = arith.muli %arg1, %mul3A_31 : i32
    "tpu.region"() ({
      %run_scoped3A = tpu.sem_alloc : memref<!tpu.dma_semaphore, #tpu.memory_space<semaphore_mem>>
      %dma_start3A_33 = arith.constant 0 : i32
      %dma_start3A_34 = arith.constant 0 : i32
      %dma_start3A_35 = tpu.memref_slice %arg5[%arg0, %arg1, %dma_start3A_33, %dma_start3A_34] : memref<2x16x625x16xf32, #tpu.memory_space<hbm>> -> memref<1x1x625x16xf32, #tpu.memory_space<hbm>>
      %dma_start3A_36 = tpu.memref_squeeze %dma_start3A_35 : memref<1x1x625x16xf32, #tpu.memory_space<hbm>> -> memref<625x16xf32, #tpu.memory_space<hbm>>
      %dma_start3A_37 = arith.constant 0 : i32
      %dma_start3A_38 = tpu.memref_slice %arg8[%mul3A_32, %dma_start3A_37] : memref<10240x16xf32, #tpu.memory_space<vmem_shared>> -> memref<625x16xf32, #tpu.memory_space<vmem_shared>>
      tpu.enqueue_dma source(%dma_start3A_38 : memref<625x16xf32, #tpu.memory_space<vmem_shared>>) target(%dma_start3A_36 : memref<625x16xf32, #tpu.memory_space<hbm>>) target_semaphore(%run_scoped3A : memref<!tpu.dma_semaphore, #tpu.memory_space<semaphore_mem>>)
      %dma_wait3A_39 = arith.constant 0 : i32
      %dma_wait3A_40 = arith.constant 0 : i32
      %dma_wait3A_41 = tpu.memref_slice %arg5[%arg0, %arg1, %dma_wait3A_39, %dma_wait3A_40] : memref<2x16x625x16xf32, #tpu.memory_space<hbm>> -> memref<1x1x625x16xf32, #tpu.memory_space<hbm>>
      %dma_wait3A_42 = tpu.memref_squeeze %dma_wait3A_41 : memref<1x1x625x16xf32, #tpu.memory_space<hbm>> -> memref<625x16xf32, #tpu.memory_space<hbm>>
      %dma_wait3A_43 = arith.constant 0 : i32
      %dma_wait3A_44 = tpu.memref_slice %arg8[%mul3A_32, %dma_wait3A_43] : memref<10240x16xf32, #tpu.memory_space<vmem_shared>> -> memref<625x16xf32, #tpu.memory_space<vmem_shared>>
      tpu.wait_dma2 semaphore(%run_scoped3A : memref<!tpu.dma_semaphore, #tpu.memory_space<semaphore_mem>>) src(%dma_wait3A_44 : memref<625x16xf32, #tpu.memory_space<vmem_shared>>) dst(%dma_wait3A_42 : memref<625x16xf32, #tpu.memory_space<hbm>>)
      tpu.yield
    }) : () -> ()
    return
  }
}

#map = affine_map<(d0, d1) -> (0, 0)>
#map1 = affine_map<(d0, d1) -> (0, 0, 0, 0)>
module attributes {stable_mosaic.version = 14 : i64} {
  func.func @_scatter_kernel(%arg0: i32, %arg1: i32, %arg2: memref<10240x64xf32, #tpu.memory_space<hbm>>, %arg3: memref<2x16x80x128xi32, #tpu.memory_space<hbm>>, %arg4: memref<2x16x80x128xi32, #tpu.memory_space<hbm>>, %arg5: memref<625x64xf32, #tpu.memory_space<hbm>>, %arg6: memref<2x16x625x64xf32, #tpu.memory_space<hbm>>, %arg7: memref<80x128xi32, #tpu.memory_space<vmem>>, %arg8: memref<80x128xi32, #tpu.memory_space<vmem>>, %arg9: memref<128x64xf32, #tpu.memory_space<vmem>>, %arg10: memref<128x64xf32, #tpu.memory_space<vmem>>, %arg11: memref<128x64xf32, #tpu.memory_space<vmem>>, %arg12: memref<10240x64xf32, #tpu.memory_space<vmem_shared>>, %arg13: memref<10240x64xf32, #tpu.memory_space<vmem_shared>>, %arg14: memref<!tpu.dma_semaphore, #tpu.memory_space<semaphore_mem>>, %arg15: memref<!tpu.dma_semaphore, #tpu.memory_space<semaphore_mem>>, %arg16: memref<!tpu.dma_semaphore, #tpu.memory_space<semaphore_mem>>, %arg17: memref<!tpu.dma_semaphore, #tpu.memory_space<semaphore_mem>>, %arg18: memref<!tpu.dma_semaphore, #tpu.memory_space<semaphore_mem>>, %arg19: memref<!tpu.dma_semaphore, #tpu.memory_space<semaphore_mem>>) attributes {dimension_semantics = [#tpu.dimension_semantics<core_parallel>, #tpu.dimension_semantics<subcore_parallel>], iteration_bounds = array<i64: 2, 16>, scalar_prefetch = 0 : i64, scratch_operands = 13 : i64, tpu.core_type = #tpu.core_type<sc_vector_subcore>, window_params = [{transform_indices = #map}, {transform_indices = #map1}, {transform_indices = #map1}, {transform_indices = #map}, {transform_indices = #map1}]} {
    %mul3A = arith.constant 640 : i32
    %mul3A_0 = arith.muli %arg1, %mul3A : i32
    %mul3A_1 = arith.constant 640 : i32
    %mul3A_2 = arith.muli %arg1, %mul3A_1 : i32
    %dma_start3A = arith.constant 0 : i32
    %dma_start3A_3 = tpu.memref_slice %arg13[%mul3A_2, %dma_start3A] : memref<10240x64xf32, #tpu.memory_space<vmem_shared>> -> memref<640x64xf32, #tpu.memory_space<vmem_shared>>
    %dma_start3A_4 = arith.constant 0 : i32
    %dma_start3A_5 = tpu.memref_slice %arg2[%mul3A_0, %dma_start3A_4] : memref<10240x64xf32, #tpu.memory_space<hbm>> -> memref<640x64xf32, #tpu.memory_space<hbm>>
    tpu.enqueue_dma source(%dma_start3A_5 : memref<640x64xf32, #tpu.memory_space<hbm>>) target(%dma_start3A_3 : memref<640x64xf32, #tpu.memory_space<vmem_shared>>) target_semaphore(%arg14 : memref<!tpu.dma_semaphore, #tpu.memory_space<semaphore_mem>>)
    %mul3A_6 = arith.constant 625 : i32
    %mul3A_7 = arith.muli %arg1, %mul3A_6 : i32
    %dma_start3A_8 = arith.constant 0 : i32
    %dma_start3A_9 = tpu.memref_slice %arg12[%mul3A_7, %dma_start3A_8] : memref<10240x64xf32, #tpu.memory_space<vmem_shared>> -> memref<625x64xf32, #tpu.memory_space<vmem_shared>>
    tpu.enqueue_dma source(%arg5 : memref<625x64xf32, #tpu.memory_space<hbm>>) target(%dma_start3A_9 : memref<625x64xf32, #tpu.memory_space<vmem_shared>>) target_semaphore(%arg15 : memref<!tpu.dma_semaphore, #tpu.memory_space<semaphore_mem>>)
    %dma_start3A_10 = arith.constant 0 : i32
    %dma_start3A_11 = arith.constant 0 : i32
    %dma_start3A_12 = tpu.memref_slice %arg3[%arg0, %arg1, %dma_start3A_10, %dma_start3A_11] : memref<2x16x80x128xi32, #tpu.memory_space<hbm>> -> memref<1x1x80x128xi32, #tpu.memory_space<hbm>>
    %dma_start3A_13 = tpu.memref_squeeze %dma_start3A_12 : memref<1x1x80x128xi32, #tpu.memory_space<hbm>> -> memref<80x128xi32, #tpu.memory_space<hbm>>
    %dma_start3A_14 = arith.constant 0 : i32
    %dma_start3A_15 = arith.constant 0 : i32
    %dma_start3A_16 = tpu.memref_slice %arg3[%arg0, %arg1, %dma_start3A_14, %dma_start3A_15] : memref<2x16x80x128xi32, #tpu.memory_space<hbm>> -> memref<1x1x80x128xi32, #tpu.memory_space<hbm>>
    %dma_start3A_17 = tpu.memref_squeeze %dma_start3A_16 : memref<1x1x80x128xi32, #tpu.memory_space<hbm>> -> memref<80x128xi32, #tpu.memory_space<hbm>>
    tpu.enqueue_dma source(%dma_start3A_17 : memref<80x128xi32, #tpu.memory_space<hbm>>) target(%arg7 : memref<80x128xi32, #tpu.memory_space<vmem>>) target_semaphore(%arg16 : memref<!tpu.dma_semaphore, #tpu.memory_space<semaphore_mem>>)
    %dma_start3A_18 = arith.constant 0 : i32
    %dma_start3A_19 = arith.constant 0 : i32
    %dma_start3A_20 = tpu.memref_slice %arg4[%arg0, %arg1, %dma_start3A_18, %dma_start3A_19] : memref<2x16x80x128xi32, #tpu.memory_space<hbm>> -> memref<1x1x80x128xi32, #tpu.memory_space<hbm>>
    %dma_start3A_21 = tpu.memref_squeeze %dma_start3A_20 : memref<1x1x80x128xi32, #tpu.memory_space<hbm>> -> memref<80x128xi32, #tpu.memory_space<hbm>>
    %dma_start3A_22 = arith.constant 0 : i32
    %dma_start3A_23 = arith.constant 0 : i32
    %dma_start3A_24 = tpu.memref_slice %arg4[%arg0, %arg1, %dma_start3A_22, %dma_start3A_23] : memref<2x16x80x128xi32, #tpu.memory_space<hbm>> -> memref<1x1x80x128xi32, #tpu.memory_space<hbm>>
    %dma_start3A_25 = tpu.memref_squeeze %dma_start3A_24 : memref<1x1x80x128xi32, #tpu.memory_space<hbm>> -> memref<80x128xi32, #tpu.memory_space<hbm>>
    tpu.enqueue_dma source(%dma_start3A_25 : memref<80x128xi32, #tpu.memory_space<hbm>>) target(%arg8 : memref<80x128xi32, #tpu.memory_space<vmem>>) target_semaphore(%arg17 : memref<!tpu.dma_semaphore, #tpu.memory_space<semaphore_mem>>)
    %dma_wait3A = arith.constant 0 : i32
    %dma_wait3A_26 = tpu.memref_slice %arg13[%mul3A_2, %dma_wait3A] : memref<10240x64xf32, #tpu.memory_space<vmem_shared>> -> memref<640x64xf32, #tpu.memory_space<vmem_shared>>
    %dma_wait3A_27 = arith.constant 0 : i32
    %dma_wait3A_28 = tpu.memref_slice %arg2[%mul3A_0, %dma_wait3A_27] : memref<10240x64xf32, #tpu.memory_space<hbm>> -> memref<640x64xf32, #tpu.memory_space<hbm>>
    tpu.wait_dma2 semaphore(%arg14 : memref<!tpu.dma_semaphore, #tpu.memory_space<semaphore_mem>>) src(%dma_wait3A_28 : memref<640x64xf32, #tpu.memory_space<hbm>>) dst(%dma_wait3A_26 : memref<640x64xf32, #tpu.memory_space<vmem_shared>>)
    %dma_wait3A_29 = arith.constant 0 : i32
    %dma_wait3A_30 = tpu.memref_slice %arg12[%mul3A_7, %dma_wait3A_29] : memref<10240x64xf32, #tpu.memory_space<vmem_shared>> -> memref<625x64xf32, #tpu.memory_space<vmem_shared>>
    tpu.wait_dma2 semaphore(%arg15 : memref<!tpu.dma_semaphore, #tpu.memory_space<semaphore_mem>>) src(%arg5 : memref<625x64xf32, #tpu.memory_space<hbm>>) dst(%dma_wait3A_30 : memref<625x64xf32, #tpu.memory_space<vmem_shared>>)
    %dma_wait3A_31 = arith.constant 0 : i32
    %dma_wait3A_32 = arith.constant 0 : i32
    %dma_wait3A_33 = tpu.memref_slice %arg3[%arg0, %arg1, %dma_wait3A_31, %dma_wait3A_32] : memref<2x16x80x128xi32, #tpu.memory_space<hbm>> -> memref<1x1x80x128xi32, #tpu.memory_space<hbm>>
    %dma_wait3A_34 = tpu.memref_squeeze %dma_wait3A_33 : memref<1x1x80x128xi32, #tpu.memory_space<hbm>> -> memref<80x128xi32, #tpu.memory_space<hbm>>
    %dma_wait3A_35 = arith.constant 0 : i32
    %dma_wait3A_36 = arith.constant 0 : i32
    %dma_wait3A_37 = tpu.memref_slice %arg3[%arg0, %arg1, %dma_wait3A_35, %dma_wait3A_36] : memref<2x16x80x128xi32, #tpu.memory_space<hbm>> -> memref<1x1x80x128xi32, #tpu.memory_space<hbm>>
    %dma_wait3A_38 = tpu.memref_squeeze %dma_wait3A_37 : memref<1x1x80x128xi32, #tpu.memory_space<hbm>> -> memref<80x128xi32, #tpu.memory_space<hbm>>
    tpu.wait_dma2 semaphore(%arg16 : memref<!tpu.dma_semaphore, #tpu.memory_space<semaphore_mem>>) src(%dma_wait3A_38 : memref<80x128xi32, #tpu.memory_space<hbm>>) dst(%arg7 : memref<80x128xi32, #tpu.memory_space<vmem>>)
    %dma_wait3A_39 = arith.constant 0 : i32
    %dma_wait3A_40 = arith.constant 0 : i32
    %dma_wait3A_41 = tpu.memref_slice %arg4[%arg0, %arg1, %dma_wait3A_39, %dma_wait3A_40] : memref<2x16x80x128xi32, #tpu.memory_space<hbm>> -> memref<1x1x80x128xi32, #tpu.memory_space<hbm>>
    %dma_wait3A_42 = tpu.memref_squeeze %dma_wait3A_41 : memref<1x1x80x128xi32, #tpu.memory_space<hbm>> -> memref<80x128xi32, #tpu.memory_space<hbm>>
    %dma_wait3A_43 = arith.constant 0 : i32
    %dma_wait3A_44 = arith.constant 0 : i32
    %dma_wait3A_45 = tpu.memref_slice %arg4[%arg0, %arg1, %dma_wait3A_43, %dma_wait3A_44] : memref<2x16x80x128xi32, #tpu.memory_space<hbm>> -> memref<1x1x80x128xi32, #tpu.memory_space<hbm>>
    %dma_wait3A_46 = tpu.memref_squeeze %dma_wait3A_45 : memref<1x1x80x128xi32, #tpu.memory_space<hbm>> -> memref<80x128xi32, #tpu.memory_space<hbm>>
    tpu.wait_dma2 semaphore(%arg17 : memref<!tpu.dma_semaphore, #tpu.memory_space<semaphore_mem>>) src(%dma_wait3A_46 : memref<80x128xi32, #tpu.memory_space<hbm>>) dst(%arg8 : memref<80x128xi32, #tpu.memory_space<vmem>>)
    %barrier3A = arith.constant 0 : index
    tpu.barrier barrier_id(%barrier3A)
    %dma_start3A_47 = arith.constant 0 : i32
    %dma_start3A_48 = arith.constant 0 : i32
    %dma_start3A_49 = tpu.memref_slice %arg7[%dma_start3A_47, %dma_start3A_48] : memref<80x128xi32, #tpu.memory_space<vmem>> -> memref<1x128xi32, #tpu.memory_space<vmem>>
    %dma_start3A_50 = tpu.memref_squeeze %dma_start3A_49 : memref<1x128xi32, #tpu.memory_space<vmem>> -> memref<128xi32, #tpu.memory_space<vmem>>
    %dma_start3A_51 = arith.constant 0 : i32
    %dma_start3A_52 = arith.constant 0 : i32
    %dma_start3A_53 = tpu.memref_slice %arg13[%dma_start3A_51, %dma_start3A_52] : memref<10240x64xf32, #tpu.memory_space<vmem_shared>> -> memref<10240x64xf32, #tpu.memory_space<vmem_shared>>
    tpu.enqueue_indirect_dma source(%dma_start3A_53 : memref<10240x64xf32, #tpu.memory_space<vmem_shared>>) target(%arg9 : memref<128x64xf32, #tpu.memory_space<vmem>>) offsets(%dma_start3A_50 : memref<128xi32, #tpu.memory_space<vmem>>) semaphore(%arg14 : memref<!tpu.dma_semaphore, #tpu.memory_space<semaphore_mem>>)
    %dma_start3A_54 = arith.constant 1 : i32
    %dma_start3A_55 = arith.constant 0 : i32
    %dma_start3A_56 = tpu.memref_slice %arg7[%dma_start3A_54, %dma_start3A_55] : memref<80x128xi32, #tpu.memory_space<vmem>> -> memref<1x128xi32, #tpu.memory_space<vmem>>
    %dma_start3A_57 = tpu.memref_squeeze %dma_start3A_56 : memref<1x128xi32, #tpu.memory_space<vmem>> -> memref<128xi32, #tpu.memory_space<vmem>>
    %dma_start3A_58 = arith.constant 0 : i32
    %dma_start3A_59 = arith.constant 0 : i32
    %dma_start3A_60 = tpu.memref_slice %arg13[%dma_start3A_58, %dma_start3A_59] : memref<10240x64xf32, #tpu.memory_space<vmem_shared>> -> memref<10240x64xf32, #tpu.memory_space<vmem_shared>>
    tpu.enqueue_indirect_dma source(%dma_start3A_60 : memref<10240x64xf32, #tpu.memory_space<vmem_shared>>) target(%arg10 : memref<128x64xf32, #tpu.memory_space<vmem>>) offsets(%dma_start3A_57 : memref<128xi32, #tpu.memory_space<vmem>>) semaphore(%arg15 : memref<!tpu.dma_semaphore, #tpu.memory_space<semaphore_mem>>)
    %dma_wait3A_61 = arith.constant 0 : i32
    %dma_wait3A_62 = arith.constant 0 : i32
    %dma_wait3A_63 = tpu.memref_slice %arg7[%dma_wait3A_61, %dma_wait3A_62] : memref<80x128xi32, #tpu.memory_space<vmem>> -> memref<1x128xi32, #tpu.memory_space<vmem>>
    %dma_wait3A_64 = tpu.memref_squeeze %dma_wait3A_63 : memref<1x128xi32, #tpu.memory_space<vmem>> -> memref<128xi32, #tpu.memory_space<vmem>>
    %dma_wait3A_65 = arith.constant 0 : i32
    %dma_wait3A_66 = arith.constant 0 : i32
    %dma_wait3A_67 = tpu.memref_slice %arg13[%dma_wait3A_65, %dma_wait3A_66] : memref<10240x64xf32, #tpu.memory_space<vmem_shared>> -> memref<10240x64xf32, #tpu.memory_space<vmem_shared>>
    tpu.wait_indirect_dma semaphore(%arg14 : memref<!tpu.dma_semaphore, #tpu.memory_space<semaphore_mem>>) src(%dma_wait3A_67 : memref<10240x64xf32, #tpu.memory_space<vmem_shared>>) dst(%arg9 : memref<128x64xf32, #tpu.memory_space<vmem>>)
    %dma_start3A_68 = arith.constant 0 : i32
    %dma_start3A_69 = arith.constant 0 : i32
    %dma_start3A_70 = tpu.memref_slice %arg8[%dma_start3A_68, %dma_start3A_69] : memref<80x128xi32, #tpu.memory_space<vmem>> -> memref<1x128xi32, #tpu.memory_space<vmem>>
    %dma_start3A_71 = tpu.memref_squeeze %dma_start3A_70 : memref<1x128xi32, #tpu.memory_space<vmem>> -> memref<128xi32, #tpu.memory_space<vmem>>
    %dma_start3A_72 = arith.constant 0 : i32
    %dma_start3A_73 = arith.constant 0 : i32
    %dma_start3A_74 = tpu.memref_slice %arg12[%dma_start3A_72, %dma_start3A_73] : memref<10240x64xf32, #tpu.memory_space<vmem_shared>> -> memref<10240x64xf32, #tpu.memory_space<vmem_shared>>
    tpu.enqueue_indirect_dma source(%arg9 : memref<128x64xf32, #tpu.memory_space<vmem>>) target(%dma_start3A_74 : memref<10240x64xf32, #tpu.memory_space<vmem_shared>>) offsets(%dma_start3A_71 : memref<128xi32, #tpu.memory_space<vmem>>) semaphore(%arg17 : memref<!tpu.dma_semaphore, #tpu.memory_space<semaphore_mem>>) {add = true}
    %dma_start3A_75 = arith.constant 2 : i32
    %dma_start3A_76 = arith.constant 0 : i32
    %dma_start3A_77 = tpu.memref_slice %arg7[%dma_start3A_75, %dma_start3A_76] : memref<80x128xi32, #tpu.memory_space<vmem>> -> memref<1x128xi32, #tpu.memory_space<vmem>>
    %dma_start3A_78 = tpu.memref_squeeze %dma_start3A_77 : memref<1x128xi32, #tpu.memory_space<vmem>> -> memref<128xi32, #tpu.memory_space<vmem>>
    %dma_start3A_79 = arith.constant 0 : i32
    %dma_start3A_80 = arith.constant 0 : i32
    %dma_start3A_81 = tpu.memref_slice %arg13[%dma_start3A_79, %dma_start3A_80] : memref<10240x64xf32, #tpu.memory_space<vmem_shared>> -> memref<10240x64xf32, #tpu.memory_space<vmem_shared>>
    tpu.enqueue_indirect_dma source(%dma_start3A_81 : memref<10240x64xf32, #tpu.memory_space<vmem_shared>>) target(%arg11 : memref<128x64xf32, #tpu.memory_space<vmem>>) offsets(%dma_start3A_78 : memref<128xi32, #tpu.memory_space<vmem>>) semaphore(%arg16 : memref<!tpu.dma_semaphore, #tpu.memory_space<semaphore_mem>>)
    %dma_wait3A_82 = arith.constant 1 : i32
    %dma_wait3A_83 = arith.constant 0 : i32
    %dma_wait3A_84 = tpu.memref_slice %arg7[%dma_wait3A_82, %dma_wait3A_83] : memref<80x128xi32, #tpu.memory_space<vmem>> -> memref<1x128xi32, #tpu.memory_space<vmem>>
    %dma_wait3A_85 = tpu.memref_squeeze %dma_wait3A_84 : memref<1x128xi32, #tpu.memory_space<vmem>> -> memref<128xi32, #tpu.memory_space<vmem>>
    %dma_wait3A_86 = arith.constant 0 : i32
    %dma_wait3A_87 = arith.constant 0 : i32
    %dma_wait3A_88 = tpu.memref_slice %arg13[%dma_wait3A_86, %dma_wait3A_87] : memref<10240x64xf32, #tpu.memory_space<vmem_shared>> -> memref<10240x64xf32, #tpu.memory_space<vmem_shared>>
    tpu.wait_indirect_dma semaphore(%arg15 : memref<!tpu.dma_semaphore, #tpu.memory_space<semaphore_mem>>) src(%dma_wait3A_88 : memref<10240x64xf32, #tpu.memory_space<vmem_shared>>) dst(%arg10 : memref<128x64xf32, #tpu.memory_space<vmem>>)
    %dma_start3A_89 = arith.constant 1 : i32
    %dma_start3A_90 = arith.constant 0 : i32
    %dma_start3A_91 = tpu.memref_slice %arg8[%dma_start3A_89, %dma_start3A_90] : memref<80x128xi32, #tpu.memory_space<vmem>> -> memref<1x128xi32, #tpu.memory_space<vmem>>
    %dma_start3A_92 = tpu.memref_squeeze %dma_start3A_91 : memref<1x128xi32, #tpu.memory_space<vmem>> -> memref<128xi32, #tpu.memory_space<vmem>>
    %dma_start3A_93 = arith.constant 0 : i32
    %dma_start3A_94 = arith.constant 0 : i32
    %dma_start3A_95 = tpu.memref_slice %arg12[%dma_start3A_93, %dma_start3A_94] : memref<10240x64xf32, #tpu.memory_space<vmem_shared>> -> memref<10240x64xf32, #tpu.memory_space<vmem_shared>>
    tpu.enqueue_indirect_dma source(%arg10 : memref<128x64xf32, #tpu.memory_space<vmem>>) target(%dma_start3A_95 : memref<10240x64xf32, #tpu.memory_space<vmem_shared>>) offsets(%dma_start3A_92 : memref<128xi32, #tpu.memory_space<vmem>>) semaphore(%arg18 : memref<!tpu.dma_semaphore, #tpu.memory_space<semaphore_mem>>) {add = true}
    %dma_wait3A_96 = arith.constant 0 : i32
    %dma_wait3A_97 = arith.constant 0 : i32
    %dma_wait3A_98 = tpu.memref_slice %arg8[%dma_wait3A_96, %dma_wait3A_97] : memref<80x128xi32, #tpu.memory_space<vmem>> -> memref<1x128xi32, #tpu.memory_space<vmem>>
    %dma_wait3A_99 = tpu.memref_squeeze %dma_wait3A_98 : memref<1x128xi32, #tpu.memory_space<vmem>> -> memref<128xi32, #tpu.memory_space<vmem>>
    %dma_wait3A_100 = arith.constant 0 : i32
    %dma_wait3A_101 = arith.constant 0 : i32
    %dma_wait3A_102 = tpu.memref_slice %arg12[%dma_wait3A_100, %dma_wait3A_101] : memref<10240x64xf32, #tpu.memory_space<vmem_shared>> -> memref<10240x64xf32, #tpu.memory_space<vmem_shared>>
    tpu.wait_indirect_dma semaphore(%arg17 : memref<!tpu.dma_semaphore, #tpu.memory_space<semaphore_mem>>) src(%arg9 : memref<128x64xf32, #tpu.memory_space<vmem>>) dst(%dma_wait3A_102 : memref<10240x64xf32, #tpu.memory_space<vmem_shared>>)
    %dma_start3A_103 = arith.constant 3 : i32
    %dma_start3A_104 = arith.constant 0 : i32
    %dma_start3A_105 = tpu.memref_slice %arg7[%dma_start3A_103, %dma_start3A_104] : memref<80x128xi32, #tpu.memory_space<vmem>> -> memref<1x128xi32, #tpu.memory_space<vmem>>
    %dma_start3A_106 = tpu.memref_squeeze %dma_start3A_105 : memref<1x128xi32, #tpu.memory_space<vmem>> -> memref<128xi32, #tpu.memory_space<vmem>>
    %dma_start3A_107 = arith.constant 0 : i32
    %dma_start3A_108 = arith.constant 0 : i32
    %dma_start3A_109 = tpu.memref_slice %arg13[%dma_start3A_107, %dma_start3A_108] : memref<10240x64xf32, #tpu.memory_space<vmem_shared>> -> memref<10240x64xf32, #tpu.memory_space<vmem_shared>>
    tpu.enqueue_indirect_dma source(%dma_start3A_109 : memref<10240x64xf32, #tpu.memory_space<vmem_shared>>) target(%arg9 : memref<128x64xf32, #tpu.memory_space<vmem>>) offsets(%dma_start3A_106 : memref<128xi32, #tpu.memory_space<vmem>>) semaphore(%arg14 : memref<!tpu.dma_semaphore, #tpu.memory_space<semaphore_mem>>)
    %scan3A = arith.constant 0 : i32
    %scan3A_110 = arith.constant 0 : i32
    %scan3A_111 = arith.constant 25 : i32
    %scan3A_112 = arith.addi %scan3A_110, %scan3A_111 : i32
    %scan3A_113 = arith.constant 1 : i32
    scf.for %scan3A_195 = %scan3A_110 to %scan3A_112 step %scan3A_113  : i32 {
      %mul3A_196 = arith.constant 3 : i32
      %mul3A_197 = arith.muli %mul3A_196, %scan3A_195 : i32
      %add3A = arith.constant 2 : i32
      %add3A_198 = arith.addi %mul3A_197, %add3A : i32
      %add3A_199 = arith.constant 0 : i32
      %add3A_200 = arith.addi %add3A_198, %add3A_199 : i32
      %dma_wait3A_201 = arith.constant 0 : i32
      %dma_wait3A_202 = tpu.memref_slice %arg7[%add3A_200, %dma_wait3A_201] : memref<80x128xi32, #tpu.memory_space<vmem>> -> memref<1x128xi32, #tpu.memory_space<vmem>>
      %dma_wait3A_203 = tpu.memref_squeeze %dma_wait3A_202 : memref<1x128xi32, #tpu.memory_space<vmem>> -> memref<128xi32, #tpu.memory_space<vmem>>
      %dma_wait3A_204 = arith.constant 0 : i32
      %dma_wait3A_205 = arith.constant 0 : i32
      %dma_wait3A_206 = tpu.memref_slice %arg13[%dma_wait3A_204, %dma_wait3A_205] : memref<10240x64xf32, #tpu.memory_space<vmem_shared>> -> memref<10240x64xf32, #tpu.memory_space<vmem_shared>>
      tpu.wait_indirect_dma semaphore(%arg16 : memref<!tpu.dma_semaphore, #tpu.memory_space<semaphore_mem>>) src(%dma_wait3A_206 : memref<10240x64xf32, #tpu.memory_space<vmem_shared>>) dst(%arg11 : memref<128x64xf32, #tpu.memory_space<vmem>>)
      %dma_start3A_207 = arith.constant 0 : i32
      %dma_start3A_208 = tpu.memref_slice %arg8[%add3A_200, %dma_start3A_207] : memref<80x128xi32, #tpu.memory_space<vmem>> -> memref<1x128xi32, #tpu.memory_space<vmem>>
      %dma_start3A_209 = tpu.memref_squeeze %dma_start3A_208 : memref<1x128xi32, #tpu.memory_space<vmem>> -> memref<128xi32, #tpu.memory_space<vmem>>
      %dma_start3A_210 = arith.constant 0 : i32
      %dma_start3A_211 = arith.constant 0 : i32
      %dma_start3A_212 = tpu.memref_slice %arg12[%dma_start3A_210, %dma_start3A_211] : memref<10240x64xf32, #tpu.memory_space<vmem_shared>> -> memref<10240x64xf32, #tpu.memory_space<vmem_shared>>
      tpu.enqueue_indirect_dma source(%arg11 : memref<128x64xf32, #tpu.memory_space<vmem>>) target(%dma_start3A_212 : memref<10240x64xf32, #tpu.memory_space<vmem_shared>>) offsets(%dma_start3A_209 : memref<128xi32, #tpu.memory_space<vmem>>) semaphore(%arg19 : memref<!tpu.dma_semaphore, #tpu.memory_space<semaphore_mem>>) {add = true}
      %dma_wait3A_213 = arith.constant 0 : i32
      %dma_wait3A_214 = arith.constant 0 : i32
      %dma_wait3A_215 = tpu.memref_slice %arg8[%dma_wait3A_213, %dma_wait3A_214] : memref<80x128xi32, #tpu.memory_space<vmem>> -> memref<1x128xi32, #tpu.memory_space<vmem>>
      %dma_wait3A_216 = tpu.memref_squeeze %dma_wait3A_215 : memref<1x128xi32, #tpu.memory_space<vmem>> -> memref<128xi32, #tpu.memory_space<vmem>>
      %dma_wait3A_217 = arith.constant 0 : i32
      %dma_wait3A_218 = arith.constant 0 : i32
      %dma_wait3A_219 = tpu.memref_slice %arg12[%dma_wait3A_217, %dma_wait3A_218] : memref<10240x64xf32, #tpu.memory_space<vmem_shared>> -> memref<10240x64xf32, #tpu.memory_space<vmem_shared>>
      tpu.wait_indirect_dma semaphore(%arg18 : memref<!tpu.dma_semaphore, #tpu.memory_space<semaphore_mem>>) src(%arg10 : memref<128x64xf32, #tpu.memory_space<vmem>>) dst(%dma_wait3A_219 : memref<10240x64xf32, #tpu.memory_space<vmem_shared>>)
      %add3A_220 = arith.constant 2 : i32
      %add3A_221 = arith.addi %add3A_200, %add3A_220 : i32
      %dma_start3A_222 = arith.constant 0 : i32
      %dma_start3A_223 = tpu.memref_slice %arg7[%add3A_221, %dma_start3A_222] : memref<80x128xi32, #tpu.memory_space<vmem>> -> memref<1x128xi32, #tpu.memory_space<vmem>>
      %dma_start3A_224 = tpu.memref_squeeze %dma_start3A_223 : memref<1x128xi32, #tpu.memory_space<vmem>> -> memref<128xi32, #tpu.memory_space<vmem>>
      %dma_start3A_225 = arith.constant 0 : i32
      %dma_start3A_226 = arith.constant 0 : i32
      %dma_start3A_227 = tpu.memref_slice %arg13[%dma_start3A_225, %dma_start3A_226] : memref<10240x64xf32, #tpu.memory_space<vmem_shared>> -> memref<10240x64xf32, #tpu.memory_space<vmem_shared>>
      tpu.enqueue_indirect_dma source(%dma_start3A_227 : memref<10240x64xf32, #tpu.memory_space<vmem_shared>>) target(%arg10 : memref<128x64xf32, #tpu.memory_space<vmem>>) offsets(%dma_start3A_224 : memref<128xi32, #tpu.memory_space<vmem>>) semaphore(%arg15 : memref<!tpu.dma_semaphore, #tpu.memory_space<semaphore_mem>>)
      %add3A_228 = arith.constant 1 : i32
      %add3A_229 = arith.addi %add3A_198, %add3A_228 : i32
      %dma_wait3A_230 = arith.constant 0 : i32
      %dma_wait3A_231 = tpu.memref_slice %arg7[%add3A_229, %dma_wait3A_230] : memref<80x128xi32, #tpu.memory_space<vmem>> -> memref<1x128xi32, #tpu.memory_space<vmem>>
      %dma_wait3A_232 = tpu.memref_squeeze %dma_wait3A_231 : memref<1x128xi32, #tpu.memory_space<vmem>> -> memref<128xi32, #tpu.memory_space<vmem>>
      %dma_wait3A_233 = arith.constant 0 : i32
      %dma_wait3A_234 = arith.constant 0 : i32
      %dma_wait3A_235 = tpu.memref_slice %arg13[%dma_wait3A_233, %dma_wait3A_234] : memref<10240x64xf32, #tpu.memory_space<vmem_shared>> -> memref<10240x64xf32, #tpu.memory_space<vmem_shared>>
      tpu.wait_indirect_dma semaphore(%arg14 : memref<!tpu.dma_semaphore, #tpu.memory_space<semaphore_mem>>) src(%dma_wait3A_235 : memref<10240x64xf32, #tpu.memory_space<vmem_shared>>) dst(%arg9 : memref<128x64xf32, #tpu.memory_space<vmem>>)
      %dma_start3A_236 = arith.constant 0 : i32
      %dma_start3A_237 = tpu.memref_slice %arg8[%add3A_229, %dma_start3A_236] : memref<80x128xi32, #tpu.memory_space<vmem>> -> memref<1x128xi32, #tpu.memory_space<vmem>>
      %dma_start3A_238 = tpu.memref_squeeze %dma_start3A_237 : memref<1x128xi32, #tpu.memory_space<vmem>> -> memref<128xi32, #tpu.memory_space<vmem>>
      %dma_start3A_239 = arith.constant 0 : i32
      %dma_start3A_240 = arith.constant 0 : i32
      %dma_start3A_241 = tpu.memref_slice %arg12[%dma_start3A_239, %dma_start3A_240] : memref<10240x64xf32, #tpu.memory_space<vmem_shared>> -> memref<10240x64xf32, #tpu.memory_space<vmem_shared>>
      tpu.enqueue_indirect_dma source(%arg9 : memref<128x64xf32, #tpu.memory_space<vmem>>) target(%dma_start3A_241 : memref<10240x64xf32, #tpu.memory_space<vmem_shared>>) offsets(%dma_start3A_238 : memref<128xi32, #tpu.memory_space<vmem>>) semaphore(%arg17 : memref<!tpu.dma_semaphore, #tpu.memory_space<semaphore_mem>>) {add = true}
      %dma_wait3A_242 = arith.constant 0 : i32
      %dma_wait3A_243 = arith.constant 0 : i32
      %dma_wait3A_244 = tpu.memref_slice %arg8[%dma_wait3A_242, %dma_wait3A_243] : memref<80x128xi32, #tpu.memory_space<vmem>> -> memref<1x128xi32, #tpu.memory_space<vmem>>
      %dma_wait3A_245 = tpu.memref_squeeze %dma_wait3A_244 : memref<1x128xi32, #tpu.memory_space<vmem>> -> memref<128xi32, #tpu.memory_space<vmem>>
      %dma_wait3A_246 = arith.constant 0 : i32
      %dma_wait3A_247 = arith.constant 0 : i32
      %dma_wait3A_248 = tpu.memref_slice %arg12[%dma_wait3A_246, %dma_wait3A_247] : memref<10240x64xf32, #tpu.memory_space<vmem_shared>> -> memref<10240x64xf32, #tpu.memory_space<vmem_shared>>
      tpu.wait_indirect_dma semaphore(%arg19 : memref<!tpu.dma_semaphore, #tpu.memory_space<semaphore_mem>>) src(%arg11 : memref<128x64xf32, #tpu.memory_space<vmem>>) dst(%dma_wait3A_248 : memref<10240x64xf32, #tpu.memory_space<vmem_shared>>)
      %add3A_249 = arith.constant 2 : i32
      %add3A_250 = arith.addi %add3A_229, %add3A_249 : i32
      %dma_start3A_251 = arith.constant 0 : i32
      %dma_start3A_252 = tpu.memref_slice %arg7[%add3A_250, %dma_start3A_251] : memref<80x128xi32, #tpu.memory_space<vmem>> -> memref<1x128xi32, #tpu.memory_space<vmem>>
      %dma_start3A_253 = tpu.memref_squeeze %dma_start3A_252 : memref<1x128xi32, #tpu.memory_space<vmem>> -> memref<128xi32, #tpu.memory_space<vmem>>
      %dma_start3A_254 = arith.constant 0 : i32
      %dma_start3A_255 = arith.constant 0 : i32
      %dma_start3A_256 = tpu.memref_slice %arg13[%dma_start3A_254, %dma_start3A_255] : memref<10240x64xf32, #tpu.memory_space<vmem_shared>> -> memref<10240x64xf32, #tpu.memory_space<vmem_shared>>
      tpu.enqueue_indirect_dma source(%dma_start3A_256 : memref<10240x64xf32, #tpu.memory_space<vmem_shared>>) target(%arg11 : memref<128x64xf32, #tpu.memory_space<vmem>>) offsets(%dma_start3A_253 : memref<128xi32, #tpu.memory_space<vmem>>) semaphore(%arg16 : memref<!tpu.dma_semaphore, #tpu.memory_space<semaphore_mem>>)
      %add3A_257 = arith.constant 2 : i32
      %add3A_258 = arith.addi %add3A_198, %add3A_257 : i32
      %dma_wait3A_259 = arith.constant 0 : i32
      %dma_wait3A_260 = tpu.memref_slice %arg7[%add3A_258, %dma_wait3A_259] : memref<80x128xi32, #tpu.memory_space<vmem>> -> memref<1x128xi32, #tpu.memory_space<vmem>>
      %dma_wait3A_261 = tpu.memref_squeeze %dma_wait3A_260 : memref<1x128xi32, #tpu.memory_space<vmem>> -> memref<128xi32, #tpu.memory_space<vmem>>
      %dma_wait3A_262 = arith.constant 0 : i32
      %dma_wait3A_263 = arith.constant 0 : i32
      %dma_wait3A_264 = tpu.memref_slice %arg13[%dma_wait3A_262, %dma_wait3A_263] : memref<10240x64xf32, #tpu.memory_space<vmem_shared>> -> memref<10240x64xf32, #tpu.memory_space<vmem_shared>>
      tpu.wait_indirect_dma semaphore(%arg15 : memref<!tpu.dma_semaphore, #tpu.memory_space<semaphore_mem>>) src(%dma_wait3A_264 : memref<10240x64xf32, #tpu.memory_space<vmem_shared>>) dst(%arg10 : memref<128x64xf32, #tpu.memory_space<vmem>>)
      %dma_start3A_265 = arith.constant 0 : i32
      %dma_start3A_266 = tpu.memref_slice %arg8[%add3A_258, %dma_start3A_265] : memref<80x128xi32, #tpu.memory_space<vmem>> -> memref<1x128xi32, #tpu.memory_space<vmem>>
      %dma_start3A_267 = tpu.memref_squeeze %dma_start3A_266 : memref<1x128xi32, #tpu.memory_space<vmem>> -> memref<128xi32, #tpu.memory_space<vmem>>
      %dma_start3A_268 = arith.constant 0 : i32
      %dma_start3A_269 = arith.constant 0 : i32
      %dma_start3A_270 = tpu.memref_slice %arg12[%dma_start3A_268, %dma_start3A_269] : memref<10240x64xf32, #tpu.memory_space<vmem_shared>> -> memref<10240x64xf32, #tpu.memory_space<vmem_shared>>
      tpu.enqueue_indirect_dma source(%arg10 : memref<128x64xf32, #tpu.memory_space<vmem>>) target(%dma_start3A_270 : memref<10240x64xf32, #tpu.memory_space<vmem_shared>>) offsets(%dma_start3A_267 : memref<128xi32, #tpu.memory_space<vmem>>) semaphore(%arg18 : memref<!tpu.dma_semaphore, #tpu.memory_space<semaphore_mem>>) {add = true}
      %dma_wait3A_271 = arith.constant 0 : i32
      %dma_wait3A_272 = arith.constant 0 : i32
      %dma_wait3A_273 = tpu.memref_slice %arg8[%dma_wait3A_271, %dma_wait3A_272] : memref<80x128xi32, #tpu.memory_space<vmem>> -> memref<1x128xi32, #tpu.memory_space<vmem>>
      %dma_wait3A_274 = tpu.memref_squeeze %dma_wait3A_273 : memref<1x128xi32, #tpu.memory_space<vmem>> -> memref<128xi32, #tpu.memory_space<vmem>>
      %dma_wait3A_275 = arith.constant 0 : i32
      %dma_wait3A_276 = arith.constant 0 : i32
      %dma_wait3A_277 = tpu.memref_slice %arg12[%dma_wait3A_275, %dma_wait3A_276] : memref<10240x64xf32, #tpu.memory_space<vmem_shared>> -> memref<10240x64xf32, #tpu.memory_space<vmem_shared>>
      tpu.wait_indirect_dma semaphore(%arg17 : memref<!tpu.dma_semaphore, #tpu.memory_space<semaphore_mem>>) src(%arg9 : memref<128x64xf32, #tpu.memory_space<vmem>>) dst(%dma_wait3A_277 : memref<10240x64xf32, #tpu.memory_space<vmem_shared>>)
      %add3A_278 = arith.constant 2 : i32
      %add3A_279 = arith.addi %add3A_258, %add3A_278 : i32
      %dma_start3A_280 = arith.constant 0 : i32
      %dma_start3A_281 = tpu.memref_slice %arg7[%add3A_279, %dma_start3A_280] : memref<80x128xi32, #tpu.memory_space<vmem>> -> memref<1x128xi32, #tpu.memory_space<vmem>>
      %dma_start3A_282 = tpu.memref_squeeze %dma_start3A_281 : memref<1x128xi32, #tpu.memory_space<vmem>> -> memref<128xi32, #tpu.memory_space<vmem>>
      %dma_start3A_283 = arith.constant 0 : i32
      %dma_start3A_284 = arith.constant 0 : i32
      %dma_start3A_285 = tpu.memref_slice %arg13[%dma_start3A_283, %dma_start3A_284] : memref<10240x64xf32, #tpu.memory_space<vmem_shared>> -> memref<10240x64xf32, #tpu.memory_space<vmem_shared>>
      tpu.enqueue_indirect_dma source(%dma_start3A_285 : memref<10240x64xf32, #tpu.memory_space<vmem_shared>>) target(%arg9 : memref<128x64xf32, #tpu.memory_space<vmem>>) offsets(%dma_start3A_282 : memref<128xi32, #tpu.memory_space<vmem>>) semaphore(%arg14 : memref<!tpu.dma_semaphore, #tpu.memory_space<semaphore_mem>>)
    }
    %scan3A_114 = arith.constant 25 : i32
    %dma_wait3A_115 = arith.constant 77 : i32
    %dma_wait3A_116 = arith.constant 0 : i32
    %dma_wait3A_117 = tpu.memref_slice %arg7[%dma_wait3A_115, %dma_wait3A_116] : memref<80x128xi32, #tpu.memory_space<vmem>> -> memref<1x128xi32, #tpu.memory_space<vmem>>
    %dma_wait3A_118 = tpu.memref_squeeze %dma_wait3A_117 : memref<1x128xi32, #tpu.memory_space<vmem>> -> memref<128xi32, #tpu.memory_space<vmem>>
    %dma_wait3A_119 = arith.constant 0 : i32
    %dma_wait3A_120 = arith.constant 0 : i32
    %dma_wait3A_121 = tpu.memref_slice %arg13[%dma_wait3A_119, %dma_wait3A_120] : memref<10240x64xf32, #tpu.memory_space<vmem_shared>> -> memref<10240x64xf32, #tpu.memory_space<vmem_shared>>
    tpu.wait_indirect_dma semaphore(%arg16 : memref<!tpu.dma_semaphore, #tpu.memory_space<semaphore_mem>>) src(%dma_wait3A_121 : memref<10240x64xf32, #tpu.memory_space<vmem_shared>>) dst(%arg11 : memref<128x64xf32, #tpu.memory_space<vmem>>)
    %dma_start3A_122 = arith.constant 77 : i32
    %dma_start3A_123 = arith.constant 0 : i32
    %dma_start3A_124 = tpu.memref_slice %arg8[%dma_start3A_122, %dma_start3A_123] : memref<80x128xi32, #tpu.memory_space<vmem>> -> memref<1x128xi32, #tpu.memory_space<vmem>>
    %dma_start3A_125 = tpu.memref_squeeze %dma_start3A_124 : memref<1x128xi32, #tpu.memory_space<vmem>> -> memref<128xi32, #tpu.memory_space<vmem>>
    %dma_start3A_126 = arith.constant 0 : i32
    %dma_start3A_127 = arith.constant 0 : i32
    %dma_start3A_128 = tpu.memref_slice %arg12[%dma_start3A_126, %dma_start3A_127] : memref<10240x64xf32, #tpu.memory_space<vmem_shared>> -> memref<10240x64xf32, #tpu.memory_space<vmem_shared>>
    tpu.enqueue_indirect_dma source(%arg11 : memref<128x64xf32, #tpu.memory_space<vmem>>) target(%dma_start3A_128 : memref<10240x64xf32, #tpu.memory_space<vmem_shared>>) offsets(%dma_start3A_125 : memref<128xi32, #tpu.memory_space<vmem>>) semaphore(%arg19 : memref<!tpu.dma_semaphore, #tpu.memory_space<semaphore_mem>>) {add = true}
    %dma_wait3A_129 = arith.constant 0 : i32
    %dma_wait3A_130 = arith.constant 0 : i32
    %dma_wait3A_131 = tpu.memref_slice %arg8[%dma_wait3A_129, %dma_wait3A_130] : memref<80x128xi32, #tpu.memory_space<vmem>> -> memref<1x128xi32, #tpu.memory_space<vmem>>
    %dma_wait3A_132 = tpu.memref_squeeze %dma_wait3A_131 : memref<1x128xi32, #tpu.memory_space<vmem>> -> memref<128xi32, #tpu.memory_space<vmem>>
    %dma_wait3A_133 = arith.constant 0 : i32
    %dma_wait3A_134 = arith.constant 0 : i32
    %dma_wait3A_135 = tpu.memref_slice %arg12[%dma_wait3A_133, %dma_wait3A_134] : memref<10240x64xf32, #tpu.memory_space<vmem_shared>> -> memref<10240x64xf32, #tpu.memory_space<vmem_shared>>
    tpu.wait_indirect_dma semaphore(%arg18 : memref<!tpu.dma_semaphore, #tpu.memory_space<semaphore_mem>>) src(%arg10 : memref<128x64xf32, #tpu.memory_space<vmem>>) dst(%dma_wait3A_135 : memref<10240x64xf32, #tpu.memory_space<vmem_shared>>)
    %dma_start3A_136 = arith.constant 79 : i32
    %dma_start3A_137 = arith.constant 0 : i32
    %dma_start3A_138 = tpu.memref_slice %arg7[%dma_start3A_136, %dma_start3A_137] : memref<80x128xi32, #tpu.memory_space<vmem>> -> memref<1x128xi32, #tpu.memory_space<vmem>>
    %dma_start3A_139 = tpu.memref_squeeze %dma_start3A_138 : memref<1x128xi32, #tpu.memory_space<vmem>> -> memref<128xi32, #tpu.memory_space<vmem>>
    %dma_start3A_140 = arith.constant 0 : i32
    %dma_start3A_141 = arith.constant 0 : i32
    %dma_start3A_142 = tpu.memref_slice %arg13[%dma_start3A_140, %dma_start3A_141] : memref<10240x64xf32, #tpu.memory_space<vmem_shared>> -> memref<10240x64xf32, #tpu.memory_space<vmem_shared>>
    tpu.enqueue_indirect_dma source(%dma_start3A_142 : memref<10240x64xf32, #tpu.memory_space<vmem_shared>>) target(%arg10 : memref<128x64xf32, #tpu.memory_space<vmem>>) offsets(%dma_start3A_139 : memref<128xi32, #tpu.memory_space<vmem>>) semaphore(%arg15 : memref<!tpu.dma_semaphore, #tpu.memory_space<semaphore_mem>>)
    %dma_wait3A_143 = arith.constant 78 : i32
    %dma_wait3A_144 = arith.constant 0 : i32
    %dma_wait3A_145 = tpu.memref_slice %arg7[%dma_wait3A_143, %dma_wait3A_144] : memref<80x128xi32, #tpu.memory_space<vmem>> -> memref<1x128xi32, #tpu.memory_space<vmem>>
    %dma_wait3A_146 = tpu.memref_squeeze %dma_wait3A_145 : memref<1x128xi32, #tpu.memory_space<vmem>> -> memref<128xi32, #tpu.memory_space<vmem>>
    %dma_wait3A_147 = arith.constant 0 : i32
    %dma_wait3A_148 = arith.constant 0 : i32
    %dma_wait3A_149 = tpu.memref_slice %arg13[%dma_wait3A_147, %dma_wait3A_148] : memref<10240x64xf32, #tpu.memory_space<vmem_shared>> -> memref<10240x64xf32, #tpu.memory_space<vmem_shared>>
    tpu.wait_indirect_dma semaphore(%arg14 : memref<!tpu.dma_semaphore, #tpu.memory_space<semaphore_mem>>) src(%dma_wait3A_149 : memref<10240x64xf32, #tpu.memory_space<vmem_shared>>) dst(%arg9 : memref<128x64xf32, #tpu.memory_space<vmem>>)
    %dma_start3A_150 = arith.constant 78 : i32
    %dma_start3A_151 = arith.constant 0 : i32
    %dma_start3A_152 = tpu.memref_slice %arg8[%dma_start3A_150, %dma_start3A_151] : memref<80x128xi32, #tpu.memory_space<vmem>> -> memref<1x128xi32, #tpu.memory_space<vmem>>
    %dma_start3A_153 = tpu.memref_squeeze %dma_start3A_152 : memref<1x128xi32, #tpu.memory_space<vmem>> -> memref<128xi32, #tpu.memory_space<vmem>>
    %dma_start3A_154 = arith.constant 0 : i32
    %dma_start3A_155 = arith.constant 0 : i32
    %dma_start3A_156 = tpu.memref_slice %arg12[%dma_start3A_154, %dma_start3A_155] : memref<10240x64xf32, #tpu.memory_space<vmem_shared>> -> memref<10240x64xf32, #tpu.memory_space<vmem_shared>>
    tpu.enqueue_indirect_dma source(%arg9 : memref<128x64xf32, #tpu.memory_space<vmem>>) target(%dma_start3A_156 : memref<10240x64xf32, #tpu.memory_space<vmem_shared>>) offsets(%dma_start3A_153 : memref<128xi32, #tpu.memory_space<vmem>>) semaphore(%arg17 : memref<!tpu.dma_semaphore, #tpu.memory_space<semaphore_mem>>) {add = true}
    %dma_wait3A_157 = arith.constant 79 : i32
    %dma_wait3A_158 = arith.constant 0 : i32
    %dma_wait3A_159 = tpu.memref_slice %arg7[%dma_wait3A_157, %dma_wait3A_158] : memref<80x128xi32, #tpu.memory_space<vmem>> -> memref<1x128xi32, #tpu.memory_space<vmem>>
    %dma_wait3A_160 = tpu.memref_squeeze %dma_wait3A_159 : memref<1x128xi32, #tpu.memory_space<vmem>> -> memref<128xi32, #tpu.memory_space<vmem>>
    %dma_wait3A_161 = arith.constant 0 : i32
    %dma_wait3A_162 = arith.constant 0 : i32
    %dma_wait3A_163 = tpu.memref_slice %arg13[%dma_wait3A_161, %dma_wait3A_162] : memref<10240x64xf32, #tpu.memory_space<vmem_shared>> -> memref<10240x64xf32, #tpu.memory_space<vmem_shared>>
    tpu.wait_indirect_dma semaphore(%arg15 : memref<!tpu.dma_semaphore, #tpu.memory_space<semaphore_mem>>) src(%dma_wait3A_163 : memref<10240x64xf32, #tpu.memory_space<vmem_shared>>) dst(%arg10 : memref<128x64xf32, #tpu.memory_space<vmem>>)
    %dma_start3A_164 = arith.constant 79 : i32
    %dma_start3A_165 = arith.constant 0 : i32
    %dma_start3A_166 = tpu.memref_slice %arg8[%dma_start3A_164, %dma_start3A_165] : memref<80x128xi32, #tpu.memory_space<vmem>> -> memref<1x128xi32, #tpu.memory_space<vmem>>
    %dma_start3A_167 = tpu.memref_squeeze %dma_start3A_166 : memref<1x128xi32, #tpu.memory_space<vmem>> -> memref<128xi32, #tpu.memory_space<vmem>>
    %dma_start3A_168 = arith.constant 0 : i32
    %dma_start3A_169 = arith.constant 0 : i32
    %dma_start3A_170 = tpu.memref_slice %arg12[%dma_start3A_168, %dma_start3A_169] : memref<10240x64xf32, #tpu.memory_space<vmem_shared>> -> memref<10240x64xf32, #tpu.memory_space<vmem_shared>>
    tpu.enqueue_indirect_dma source(%arg10 : memref<128x64xf32, #tpu.memory_space<vmem>>) target(%dma_start3A_170 : memref<10240x64xf32, #tpu.memory_space<vmem_shared>>) offsets(%dma_start3A_167 : memref<128xi32, #tpu.memory_space<vmem>>) semaphore(%arg18 : memref<!tpu.dma_semaphore, #tpu.memory_space<semaphore_mem>>) {add = true}
    %dma_wait3A_171 = arith.constant 0 : i32
    %dma_wait3A_172 = arith.constant 0 : i32
    %dma_wait3A_173 = tpu.memref_slice %arg8[%dma_wait3A_171, %dma_wait3A_172] : memref<80x128xi32, #tpu.memory_space<vmem>> -> memref<1x128xi32, #tpu.memory_space<vmem>>
    %dma_wait3A_174 = tpu.memref_squeeze %dma_wait3A_173 : memref<1x128xi32, #tpu.memory_space<vmem>> -> memref<128xi32, #tpu.memory_space<vmem>>
    %dma_wait3A_175 = arith.constant 0 : i32
    %dma_wait3A_176 = arith.constant 0 : i32
    %dma_wait3A_177 = tpu.memref_slice %arg12[%dma_wait3A_175, %dma_wait3A_176] : memref<10240x64xf32, #tpu.memory_space<vmem_shared>> -> memref<10240x64xf32, #tpu.memory_space<vmem_shared>>
    tpu.wait_indirect_dma semaphore(%arg19 : memref<!tpu.dma_semaphore, #tpu.memory_space<semaphore_mem>>) src(%arg11 : memref<128x64xf32, #tpu.memory_space<vmem>>) dst(%dma_wait3A_177 : memref<10240x64xf32, #tpu.memory_space<vmem_shared>>)
    %dma_wait3A_178 = arith.constant 0 : i32
    %dma_wait3A_179 = arith.constant 0 : i32
    %dma_wait3A_180 = tpu.memref_slice %arg8[%dma_wait3A_178, %dma_wait3A_179] : memref<80x128xi32, #tpu.memory_space<vmem>> -> memref<1x128xi32, #tpu.memory_space<vmem>>
    %dma_wait3A_181 = tpu.memref_squeeze %dma_wait3A_180 : memref<1x128xi32, #tpu.memory_space<vmem>> -> memref<128xi32, #tpu.memory_space<vmem>>
    %dma_wait3A_182 = arith.constant 0 : i32
    %dma_wait3A_183 = arith.constant 0 : i32
    %dma_wait3A_184 = tpu.memref_slice %arg12[%dma_wait3A_182, %dma_wait3A_183] : memref<10240x64xf32, #tpu.memory_space<vmem_shared>> -> memref<10240x64xf32, #tpu.memory_space<vmem_shared>>
    tpu.wait_indirect_dma semaphore(%arg17 : memref<!tpu.dma_semaphore, #tpu.memory_space<semaphore_mem>>) src(%arg9 : memref<128x64xf32, #tpu.memory_space<vmem>>) dst(%dma_wait3A_184 : memref<10240x64xf32, #tpu.memory_space<vmem_shared>>)
    %dma_wait3A_185 = arith.constant 0 : i32
    %dma_wait3A_186 = arith.constant 0 : i32
    %dma_wait3A_187 = tpu.memref_slice %arg8[%dma_wait3A_185, %dma_wait3A_186] : memref<80x128xi32, #tpu.memory_space<vmem>> -> memref<1x128xi32, #tpu.memory_space<vmem>>
    %dma_wait3A_188 = tpu.memref_squeeze %dma_wait3A_187 : memref<1x128xi32, #tpu.memory_space<vmem>> -> memref<128xi32, #tpu.memory_space<vmem>>
    %dma_wait3A_189 = arith.constant 0 : i32
    %dma_wait3A_190 = arith.constant 0 : i32
    %dma_wait3A_191 = tpu.memref_slice %arg12[%dma_wait3A_189, %dma_wait3A_190] : memref<10240x64xf32, #tpu.memory_space<vmem_shared>> -> memref<10240x64xf32, #tpu.memory_space<vmem_shared>>
    tpu.wait_indirect_dma semaphore(%arg18 : memref<!tpu.dma_semaphore, #tpu.memory_space<semaphore_mem>>) src(%arg10 : memref<128x64xf32, #tpu.memory_space<vmem>>) dst(%dma_wait3A_191 : memref<10240x64xf32, #tpu.memory_space<vmem_shared>>)
    %barrier3A_192 = arith.constant 0 : index
    tpu.barrier barrier_id(%barrier3A_192)
    %mul3A_193 = arith.constant 625 : i32
    %mul3A_194 = arith.muli %arg1, %mul3A_193 : i32
    "tpu.region"() ({
      %run_scoped3A = tpu.sem_alloc : memref<!tpu.dma_semaphore, #tpu.memory_space<semaphore_mem>>
      %dma_start3A_195 = arith.constant 0 : i32
      %dma_start3A_196 = arith.constant 0 : i32
      %dma_start3A_197 = tpu.memref_slice %arg6[%arg0, %arg1, %dma_start3A_195, %dma_start3A_196] : memref<2x16x625x64xf32, #tpu.memory_space<hbm>> -> memref<1x1x625x64xf32, #tpu.memory_space<hbm>>
      %dma_start3A_198 = tpu.memref_squeeze %dma_start3A_197 : memref<1x1x625x64xf32, #tpu.memory_space<hbm>> -> memref<625x64xf32, #tpu.memory_space<hbm>>
      %dma_start3A_199 = arith.constant 0 : i32
      %dma_start3A_200 = tpu.memref_slice %arg12[%mul3A_194, %dma_start3A_199] : memref<10240x64xf32, #tpu.memory_space<vmem_shared>> -> memref<625x64xf32, #tpu.memory_space<vmem_shared>>
      tpu.enqueue_dma source(%dma_start3A_200 : memref<625x64xf32, #tpu.memory_space<vmem_shared>>) target(%dma_start3A_198 : memref<625x64xf32, #tpu.memory_space<hbm>>) target_semaphore(%run_scoped3A : memref<!tpu.dma_semaphore, #tpu.memory_space<semaphore_mem>>)
      %dma_wait3A_201 = arith.constant 0 : i32
      %dma_wait3A_202 = arith.constant 0 : i32
      %dma_wait3A_203 = tpu.memref_slice %arg6[%arg0, %arg1, %dma_wait3A_201, %dma_wait3A_202] : memref<2x16x625x64xf32, #tpu.memory_space<hbm>> -> memref<1x1x625x64xf32, #tpu.memory_space<hbm>>
      %dma_wait3A_204 = tpu.memref_squeeze %dma_wait3A_203 : memref<1x1x625x64xf32, #tpu.memory_space<hbm>> -> memref<625x64xf32, #tpu.memory_space<hbm>>
      %dma_wait3A_205 = arith.constant 0 : i32
      %dma_wait3A_206 = tpu.memref_slice %arg12[%mul3A_194, %dma_wait3A_205] : memref<10240x64xf32, #tpu.memory_space<vmem_shared>> -> memref<625x64xf32, #tpu.memory_space<vmem_shared>>
      tpu.wait_dma2 semaphore(%run_scoped3A : memref<!tpu.dma_semaphore, #tpu.memory_space<semaphore_mem>>) src(%dma_wait3A_206 : memref<625x64xf32, #tpu.memory_space<vmem_shared>>) dst(%dma_wait3A_204 : memref<625x64xf32, #tpu.memory_space<hbm>>)
      tpu.yield
    }) : () -> ()
    return
  }
}

module attributes {stable_mosaic.version = 14 : i64} {
  func.func @_prep_body(%arg0: memref<10000x128xf32, #tpu.memory_space<vmem>>, %arg1: memref<128x64xf32, #tpu.memory_space<vmem>>, %arg2: memref<2x10000x16xf32, #tpu.memory_space<vmem>>, %arg3: memref<10240x64xf32, #tpu.memory_space<vmem>>, %arg4: memref<10000x1xf32, #tpu.memory_space<vmem>>) attributes {dimension_semantics = [], scalar_prefetch = 0 : i64, scratch_operands = 0 : i64, tpu.core_type = #tpu.core_type<tc>} {
    %get3A = arith.constant 0 : index
    %get3A_0 = arith.constant 0 : index
    %get3A_1 = arith.constant 0 : index
    %get3A_2 = vector.load %arg2[%get3A, %get3A_0, %get3A_1] : memref<2x10000x16xf32, #tpu.memory_space<vmem>>, vector<1x10000x1xf32>
    %get3A_3 = vector.shape_cast %get3A_2 : vector<1x10000x1xf32> to vector<10000x1xf32>
    %get3A_4 = arith.constant 1 : index
    %get3A_5 = arith.constant 0 : index
    %get3A_6 = arith.constant 0 : index
    %get3A_7 = vector.load %arg2[%get3A_4, %get3A_5, %get3A_6] : memref<2x10000x16xf32, #tpu.memory_space<vmem>>, vector<1x10000x1xf32>
    %get3A_8 = vector.shape_cast %get3A_7 : vector<1x10000x1xf32> to vector<10000x1xf32>
    %add3A = arith.addf %get3A_3, %get3A_8 : vector<10000x1xf32>
    %add3A_9 = arith.constant 1.000000e+00 : f32
    %add3A_10 = vector.broadcast %add3A_9 : f32 to vector<10000x1xf32>
    %add3A_11 = arith.addf %add3A, %add3A_10 : vector<10000x1xf32>
    %rsqrt3A = math.rsqrt %add3A_11 : vector<10000x1xf32>
    %get3A_12 = arith.constant 0 : index
    %get3A_13 = arith.constant 0 : index
    %get3A_14 = vector.load %arg0[%get3A_12, %get3A_13] : memref<10000x128xf32, #tpu.memory_space<vmem>>, vector<10000x128xf32>
    %get3A_15 = arith.constant 0 : index
    %get3A_16 = arith.constant 0 : index
    %get3A_17 = vector.load %arg1[%get3A_15, %get3A_16] : memref<128x64xf32, #tpu.memory_space<vmem>>, vector<128x64xf32>
    %dot_general3A = arith.constant dense<0.000000e+00> : vector<10000x64xf32>
    %dot_general3A_18 = tpu.matmul %get3A_14, %get3A_17, %dot_general3A {dimension_numbers = #tpu.dot_dimension_numbers<[1], [0], [0], [1], [0, 0, 1, 1], [], []>, transpose_lhs_hint = false} : vector<10000x128xf32>, vector<128x64xf32>, vector<10000x64xf32> -> vector<10000x64xf32>
    %mul3A = vector.broadcast %rsqrt3A : vector<10000x1xf32> to vector<10000x64xf32>
    %mul3A_19 = arith.mulf %dot_general3A_18, %mul3A : vector<10000x64xf32>
    %swap3A = arith.constant 0 : index
    %swap3A_20 = arith.constant 0 : index
    %swap3A_21 = vector.load %arg3[%swap3A, %swap3A_20] : memref<10240x64xf32, #tpu.memory_space<vmem>>, vector<10000x64xf32>
    tpu.vector_store %arg3[%swap3A, %swap3A_20], %mul3A_19 {strides = array<i32>} : memref<10240x64xf32, #tpu.memory_space<vmem>>, vector<10000x64xf32>,
    %broadcast_in_dim3A = arith.constant 0.000000e+00 : f32
    %broadcast_in_dim3A_22 = vector.broadcast %broadcast_in_dim3A : f32 to vector<240x64xf32>
    %swap3A_23 = arith.constant 10000 : index
    %swap3A_24 = arith.constant 0 : index
    %swap3A_25 = vector.load %arg3[%swap3A_23, %swap3A_24] : memref<10240x64xf32, #tpu.memory_space<vmem>>, vector<240x64xf32>
    tpu.vector_store %arg3[%swap3A_23, %swap3A_24], %broadcast_in_dim3A_22 {strides = array<i32>} : memref<10240x64xf32, #tpu.memory_space<vmem>>, vector<240x64xf32>,
    %swap3A_26 = arith.constant 0 : index
    %swap3A_27 = arith.constant 0 : index
    %swap3A_28 = vector.load %arg4[%swap3A_26, %swap3A_27] : memref<10000x1xf32, #tpu.memory_space<vmem>>, vector<10000x1xf32>
    tpu.vector_store %arg4[%swap3A_26, %swap3A_27], %rsqrt3A {strides = array<i32>} : memref<10000x1xf32, #tpu.memory_space<vmem>>, vector<10000x1xf32>,
    return
  }
}

module attributes {stable_mosaic.version = 14 : i64} {
  func.func @_mid_body(%arg0: memref<2x10000x64xf32, #tpu.memory_space<vmem>>, %arg1: memref<10240x64xf32, #tpu.memory_space<vmem>>, %arg2: memref<10000x1xf32, #tpu.memory_space<vmem>>, %arg3: memref<1x64xf32, #tpu.memory_space<vmem>>, %arg4: memref<64x64xf32, #tpu.memory_space<vmem>>, %arg5: memref<10240x64xf32, #tpu.memory_space<vmem>>) attributes {dimension_semantics = [], scalar_prefetch = 0 : i64, scratch_operands = 0 : i64, tpu.core_type = #tpu.core_type<tc>} {
    %get3A = arith.constant 0 : index
    %get3A_0 = arith.constant 0 : index
    %get3A_1 = vector.load %arg2[%get3A, %get3A_0] : memref<10000x1xf32, #tpu.memory_space<vmem>>, vector<10000x1xf32>
    %get3A_2 = arith.constant 0 : index
    %get3A_3 = arith.constant 0 : index
    %get3A_4 = arith.constant 0 : index
    %get3A_5 = vector.load %arg0[%get3A_2, %get3A_3, %get3A_4] : memref<2x10000x64xf32, #tpu.memory_space<vmem>>, vector<1x10000x64xf32>
    %get3A_6 = vector.shape_cast %get3A_5 : vector<1x10000x64xf32> to vector<10000x64xf32>
    %get3A_7 = arith.constant 1 : index
    %get3A_8 = arith.constant 0 : index
    %get3A_9 = arith.constant 0 : index
    %get3A_10 = vector.load %arg0[%get3A_7, %get3A_8, %get3A_9] : memref<2x10000x64xf32, #tpu.memory_space<vmem>>, vector<1x10000x64xf32>
    %get3A_11 = vector.shape_cast %get3A_10 : vector<1x10000x64xf32> to vector<10000x64xf32>
    %add3A = arith.addf %get3A_6, %get3A_11 : vector<10000x64xf32>
    %get3A_12 = arith.constant 0 : index
    %get3A_13 = arith.constant 0 : index
    %get3A_14 = vector.load %arg1[%get3A_12, %get3A_13] : memref<10240x64xf32, #tpu.memory_space<vmem>>, vector<10000x64xf32>
    %add3A_15 = arith.addf %add3A, %get3A_14 : vector<10000x64xf32>
    %mul3A = vector.broadcast %get3A_1 : vector<10000x1xf32> to vector<10000x64xf32>
    %mul3A_16 = arith.mulf %add3A_15, %mul3A : vector<10000x64xf32>
    %get3A_17 = arith.constant 0 : index
    %get3A_18 = arith.constant 0 : index
    %get3A_19 = vector.load %arg3[%get3A_17, %get3A_18] : memref<1x64xf32, #tpu.memory_space<vmem>>, vector<1x64xf32>
    %add3A_20 = vector.broadcast %get3A_19 : vector<1x64xf32> to vector<10000x64xf32>
    %add3A_21 = arith.addf %mul3A_16, %add3A_20 : vector<10000x64xf32>
    %max3A = arith.constant 0.000000e+00 : f32
    %max3A_22 = vector.broadcast %max3A : f32 to vector<10000x64xf32>
    %max3A_23 = arith.maximumf %add3A_21, %max3A_22 : vector<10000x64xf32>
    %get3A_24 = arith.constant 0 : index
    %get3A_25 = arith.constant 0 : index
    %get3A_26 = vector.load %arg4[%get3A_24, %get3A_25] : memref<64x64xf32, #tpu.memory_space<vmem>>, vector<64x64xf32>
    %dot_general3A = arith.constant dense<0.000000e+00> : vector<10000x64xf32>
    %dot_general3A_27 = tpu.matmul %max3A_23, %get3A_26, %dot_general3A {dimension_numbers = #tpu.dot_dimension_numbers<[1], [0], [0], [1], [0, 0, 1, 1], [], []>, transpose_lhs_hint = false} : vector<10000x64xf32>, vector<64x64xf32>, vector<10000x64xf32> -> vector<10000x64xf32>
    %mul3A_28 = vector.broadcast %get3A_1 : vector<10000x1xf32> to vector<10000x64xf32>
    %mul3A_29 = arith.mulf %dot_general3A_27, %mul3A_28 : vector<10000x64xf32>
    %swap3A = arith.constant 0 : index
    %swap3A_30 = arith.constant 0 : index
    %swap3A_31 = vector.load %arg5[%swap3A, %swap3A_30] : memref<10240x64xf32, #tpu.memory_space<vmem>>, vector<10000x64xf32>
    tpu.vector_store %arg5[%swap3A, %swap3A_30], %mul3A_29 {strides = array<i32>} : memref<10240x64xf32, #tpu.memory_space<vmem>>, vector<10000x64xf32>,
    %broadcast_in_dim3A = arith.constant 0.000000e+00 : f32
    %broadcast_in_dim3A_32 = vector.broadcast %broadcast_in_dim3A : f32 to vector<240x64xf32>
    %swap3A_33 = arith.constant 10000 : index
    %swap3A_34 = arith.constant 0 : index
    %swap3A_35 = vector.load %arg5[%swap3A_33, %swap3A_34] : memref<10240x64xf32, #tpu.memory_space<vmem>>, vector<240x64xf32>
    tpu.vector_store %arg5[%swap3A_33, %swap3A_34], %broadcast_in_dim3A_32 {strides = array<i32>} : memref<10240x64xf32, #tpu.memory_space<vmem>>, vector<240x64xf32>,
    return
  }
}

module attributes {stable_mosaic.version = 14 : i64} {
  func.func @_final_body(%arg0: memref<2x10000x64xf32, #tpu.memory_space<vmem>>, %arg1: memref<10240x64xf32, #tpu.memory_space<vmem>>, %arg2: memref<10000x1xf32, #tpu.memory_space<vmem>>, %arg3: memref<1x64xf32, #tpu.memory_space<vmem>>, %arg4: memref<1x10000xi32, #tpu.memory_space<vmem>>, %arg5: memref<64x32xf32, #tpu.memory_space<vmem>>, %arg6: memref<1x32xf32, #tpu.memory_space<vmem>>, %arg7: memref<32x10xf32, #tpu.memory_space<vmem>>, %arg8: memref<1x10xf32, #tpu.memory_space<vmem>>, %arg9: memref<64x10xf32, #tpu.memory_space<vmem>>) attributes {dimension_semantics = [], scalar_prefetch = 0 : i64, scratch_operands = 0 : i64, tpu.core_type = #tpu.core_type<tc>} {
    %get3A = arith.constant 0 : index
    %get3A_0 = arith.constant 0 : index
    %get3A_1 = vector.load %arg2[%get3A, %get3A_0] : memref<10000x1xf32, #tpu.memory_space<vmem>>, vector<10000x1xf32>
    %get3A_2 = arith.constant 0 : index
    %get3A_3 = arith.constant 0 : index
    %get3A_4 = arith.constant 0 : index
    %get3A_5 = vector.load %arg0[%get3A_2, %get3A_3, %get3A_4] : memref<2x10000x64xf32, #tpu.memory_space<vmem>>, vector<1x10000x64xf32>
    %get3A_6 = vector.shape_cast %get3A_5 : vector<1x10000x64xf32> to vector<10000x64xf32>
    %get3A_7 = arith.constant 1 : index
    %get3A_8 = arith.constant 0 : index
    %get3A_9 = arith.constant 0 : index
    %get3A_10 = vector.load %arg0[%get3A_7, %get3A_8, %get3A_9] : memref<2x10000x64xf32, #tpu.memory_space<vmem>>, vector<1x10000x64xf32>
    %get3A_11 = vector.shape_cast %get3A_10 : vector<1x10000x64xf32> to vector<10000x64xf32>
    %add3A = arith.addf %get3A_6, %get3A_11 : vector<10000x64xf32>
    %get3A_12 = arith.constant 0 : index
    %get3A_13 = arith.constant 0 : index
    %get3A_14 = vector.load %arg1[%get3A_12, %get3A_13] : memref<10240x64xf32, #tpu.memory_space<vmem>>, vector<10000x64xf32>
    %add3A_15 = arith.addf %add3A, %get3A_14 : vector<10000x64xf32>
    %mul3A = vector.broadcast %get3A_1 : vector<10000x1xf32> to vector<10000x64xf32>
    %mul3A_16 = arith.mulf %add3A_15, %mul3A : vector<10000x64xf32>
    %get3A_17 = arith.constant 0 : index
    %get3A_18 = arith.constant 0 : index
    %get3A_19 = vector.load %arg3[%get3A_17, %get3A_18] : memref<1x64xf32, #tpu.memory_space<vmem>>, vector<1x64xf32>
    %add3A_20 = vector.broadcast %get3A_19 : vector<1x64xf32> to vector<10000x64xf32>
    %add3A_21 = arith.addf %mul3A_16, %add3A_20 : vector<10000x64xf32>
    %max3A = arith.constant 0.000000e+00 : f32
    %max3A_22 = vector.broadcast %max3A : f32 to vector<10000x64xf32>
    %max3A_23 = arith.maximumf %add3A_21, %max3A_22 : vector<10000x64xf32>
    %get3A_24 = arith.constant 0 : index
    %get3A_25 = arith.constant 0 : index
    %get3A_26 = vector.load %arg4[%get3A_24, %get3A_25] : memref<1x10000xi32, #tpu.memory_space<vmem>>, vector<1x10000xi32>
    %iota3A = tpu.iota {dimensions = array<i32: 0>} : vector<64x10000xi32>
    %broadcast_in_dim3A = vector.shape_cast %get3A_26 : vector<1x10000xi32> to vector<1x10000xi32>
    %broadcast_in_dim3A_27 = vector.broadcast %broadcast_in_dim3A : vector<1x10000xi32> to vector<64x10000xi32>
    %eq3A = arith.cmpi eq, %broadcast_in_dim3A_27, %iota3A : vector<64x10000xi32>
    %convert_element_type3A = arith.extui %eq3A : vector<64x10000xi1> to vector<64x10000xi32>
    %convert_element_type3A_28 = arith.sitofp %convert_element_type3A : vector<64x10000xi32> to vector<64x10000xf32>
    %dot_general3A = arith.constant dense<0.000000e+00> : vector<64x64xf32>
    %dot_general3A_29 = tpu.matmul %convert_element_type3A_28, %max3A_23, %dot_general3A {dimension_numbers = #tpu.dot_dimension_numbers<[1], [0], [0], [1], [0, 0, 1, 1], [], []>, transpose_lhs_hint = false} : vector<64x10000xf32>, vector<10000x64xf32>, vector<64x64xf32> -> vector<64x64xf32>
    %reduce_sum3A = arith.constant dense<0.000000e+00> : vector<64xf32>
    %reduce_sum3A_30 = vector.multi_reduction <add>, %convert_element_type3A_28, %reduce_sum3A [1] : vector<64x10000xf32> to vector<64xf32>
    %broadcast_in_dim3A_31 = vector.shape_cast %reduce_sum3A_30 : vector<64xf32> to vector<64x1xf32>
    %max3A_32 = arith.constant 1.000000e+00 : f32
    %max3A_33 = vector.broadcast %max3A_32 : f32 to vector<64x1xf32>
    %max3A_34 = arith.maximumf %broadcast_in_dim3A_31, %max3A_33 : vector<64x1xf32>
    %div3A = vector.broadcast %max3A_34 : vector<64x1xf32> to vector<64x64xf32>
    %div3A_35 = arith.divf %dot_general3A_29, %div3A : vector<64x64xf32>
    %get3A_36 = arith.constant 0 : index
    %get3A_37 = arith.constant 0 : index
    %get3A_38 = vector.load %arg5[%get3A_36, %get3A_37] : memref<64x32xf32, #tpu.memory_space<vmem>>, vector<64x32xf32>
    %dot_general3A_39 = arith.constant dense<0.000000e+00> : vector<64x32xf32>
    %dot_general3A_40 = tpu.matmul %div3A_35, %get3A_38, %dot_general3A_39 {dimension_numbers = #tpu.dot_dimension_numbers<[1], [0], [0], [1], [0, 0, 1, 1], [], []>, transpose_lhs_hint = false} : vector<64x64xf32>, vector<64x32xf32>, vector<64x32xf32> -> vector<64x32xf32>
    %get3A_41 = arith.constant 0 : index
    %get3A_42 = arith.constant 0 : index
    %get3A_43 = vector.load %arg6[%get3A_41, %get3A_42] : memref<1x32xf32, #tpu.memory_space<vmem>>, vector<1x32xf32>
    %add3A_44 = vector.broadcast %get3A_43 : vector<1x32xf32> to vector<64x32xf32>
    %add3A_45 = arith.addf %dot_general3A_40, %add3A_44 : vector<64x32xf32>
    %max3A_46 = arith.constant 0.000000e+00 : f32
    %max3A_47 = vector.broadcast %max3A_46 : f32 to vector<64x32xf32>
    %max3A_48 = arith.maximumf %add3A_45, %max3A_47 : vector<64x32xf32>
    %get3A_49 = arith.constant 0 : index
    %get3A_50 = arith.constant 0 : index
    %get3A_51 = vector.load %arg7[%get3A_49, %get3A_50] : memref<32x10xf32, #tpu.memory_space<vmem>>, vector<32x10xf32>
    %dot_general3A_52 = arith.constant dense<0.000000e+00> : vector<64x10xf32>
    %dot_general3A_53 = tpu.matmul %max3A_48, %get3A_51, %dot_general3A_52 {dimension_numbers = #tpu.dot_dimension_numbers<[1], [0], [0], [1], [0, 0, 1, 1], [], []>, transpose_lhs_hint = false} : vector<64x32xf32>, vector<32x10xf32>, vector<64x10xf32> -> vector<64x10xf32>
    %get3A_54 = arith.constant 0 : index
    %get3A_55 = arith.constant 0 : index
    %get3A_56 = vector.load %arg8[%get3A_54, %get3A_55] : memref<1x10xf32, #tpu.memory_space<vmem>>, vector<1x10xf32>
    %add3A_57 = vector.broadcast %get3A_56 : vector<1x10xf32> to vector<64x10xf32>
    %add3A_58 = arith.addf %dot_general3A_53, %add3A_57 : vector<64x10xf32>
    %swap3A = arith.constant 0 : index
    %swap3A_59 = arith.constant 0 : index
    %swap3A_60 = vector.load %arg9[%swap3A, %swap3A_59] : memref<64x10xf32, #tpu.memory_space<vmem>>, vector<64x10xf32>
    tpu.vector_store %arg9[%swap3A, %swap3A_59], %add3A_58 {strides = array<i32>} : memref<64x10xf32, #tpu.memory_space<vmem>>, vector<64x10xf32>,
    return
  }
}

</mosaic_0001>

<sc_bundles>
// kernel: kernel.10.cloned.1.call-start
scs
__scs_entry_jumppad:
0x0: {  	(pc) =	sbr.rel $0x88, $3  }
0x1: {  	(tag) =	ssettag $0x0;
	lr =	simm.s32 $0x1  }
0x2: {  	[smem:$0x3F94] =	sst lr;
	_ =	strace $0xD0000000  }
0x3: {  	_ = 	snop  }
0x4: {  	_ = 	snop  }
0x5: {  	_ = 	snop  }
0x6: {  	_ = 	snop  }
0x7: {  	_ = 	snop  }
__scs_overlays_trampoline_lowered:
0x8: {  	[smem:$0x3FA3] =	sst s0  }
0x9: {  	[smem:$0x3FA4] =	sst s1  }
0xa: {  	[smem:$0x3FA5] =	sst s2  }
0xb: {  	[smem:$0x3FA6] =	sst s3  }
0xc: {  	[smem:$0x3FA7] =	sst s4  }
0xd: {  	[smem:$0x3FA8] =	sst s5  }
0xe: {  	[smem:$0x3FA9] =	sst s6  }
0xf: {  	[smem:$0x3FAA] =	sst s7  }
0x10: {  	[smem:$0x3FAB] =	sst s8  }
0x11: {  	[smem:$0x3FAC] =	sst s9;
	s0 =	simm.s32 @!p0 $0x0  }
0x12: {  	s1 =	sld [smem:$0x3F92];
	s0 =	simm.s32 @p0 $0x1  }
0x13: {  	[smem:$0x3FAD] =	sst s0;
	s0 =	simm.s32 @!p1 $0x0  }
0x14: {  	s2 =	sld [smem:$0x3F91];
	s0 =	simm.s32 @p1 $0x1  }
0x15: {  	[smem:$0x3FAE] =	sst s0;
	s0 =	simm.s32 @!p2 $0x0  }
0x16: {  	s3 =	sld [smem:$0x3FDB];
	s0 =	simm.s32 @p2 $0x1  }
0x17: {  	s4 =	simm.s32 $0x1BF5;
	[smem:$0x3FB0] =	sst s0  }
0x18: {  	s0 =	sld [smem:$0x3F93];
	_ =	swait.ge [sflag:s4], $0x0  }
0x19: {  	s7 =	sld [smem:$0x3F94]  }
0x1a: {  	s8 =	sadd.s32 $0xFFFFE003, lr  }
0x1b: {  	s9 =	sadd.s32 $0xFFFFFEF7, lr;
	s5 =	simm.s32 $0xFFFFFFFF;
	p2 =	slt.u32 s8, $0xFFFFF086  }
0x1c: {  	p1 =	slt.u32 s9, $0xF7A;
	s5 =	simm.s32 @!p2 $0x0  }
0x1d: {  	s5 =	simm.s32 @p1 $0x1;
	p0 =	seq.s32 s7, s2  }
0x1e: {  	s7 =	smul.u32 @!p0 $0xF7A, s2;
	p2 =	seq.s32 @!p0 s5, $0x0  }
0x1f: {  	s9 =	smul.u32 $0xF7A, s1;
	s8 =	simm.s32 @!p0 $0x1BF5;
	p2 =	por !p2, p0  }
0x20: {  	[sflag:s8] =	ssyncset.s32 @!p0 $0xFFFFF086;
	s6 =	sadd.s32 @!p0 s3, s7;
	s7 =	simm.s32 @!p0 $0x108  }
0x21: {  	s3 =	sadd.s32 s3, s9;
	s6 =	sadd.s32 @!p0 $0x88, s6;
	s7 =	simm.s32 @p2 $0x1082  }
0x22: {  	[simem:s7], [sflag:s8] =	dma.local @!p0 [hbm:s6], $0xF7A  }
0x23: {  	s9 =	sor.u32 $0xD0000000, s2;
	s6 =	simm.s32 $0x108;
	_ =	swait.ge @!p0 [sflag:s8], $0x0  }
0x24: {  	s3 =	sadd.s32 $0x88, s3;
	s6 =	simm.s32 @!p1 $0x1082;
	[sflag:s4] =	ssyncset.s32 $0xFFFFF086  }
0x25: {  	[simem:s6], [sflag:s4] =	dma.local [hbm:s3], $0xF7A  }
0x26: {  	[smem:$0x3F94] =	sst s1;
	(tag) =	ssettag s2;
	_ =	strace s9  }
0x27: {  	s1 =	sld [smem:$0x3FA4]  }
0x28: {  	s2 =	sld [smem:$0x3FA5]  }
0x29: {  	s4 =	sld [smem:$0x3FA7]  }
0x2a: {  	p0 =	seq.s32 s5, $0x0;
	s5 =	sld [smem:$0x3FA8]  }
0x2b: {  	s6 =	sld [smem:$0x3FA9]  }
0x2c: {  	s7 =	sld [smem:$0x3FAA]  }
0x2d: {  	s3 =	simm.s32 $0x108;
	s8 =	sld [smem:$0x3FAB]  }
0x2e: {  	s3 =	simm.s32 @!p0 $0x1082;
	s9 =	sld [smem:$0x3FAC]  }
0x2f: {  	lr =	sadd.s32 s0, s3;
	s0 =	sld [smem:$0x3FA3]  }
0x30: {  	s3 =	sld [smem:$0x3FA6]  }
0x31: {  	[smem:$0x3FAF] =	sst s10  }
0x32: {  	s10 =	sld [smem:$0x3FAD];
	_ =	sdelay $0x3  }
0x33: {  	p0 =	seq.s32 s10, $0x1;
	s10 =	sld [smem:$0x3FAF];
	_ =	sdelay $0x3  }
0x34: {  	[smem:$0x3FAF] =	sst s10  }
0x35: {  	s10 =	sld [smem:$0x3FAE];
	_ =	sdelay $0x3  }
0x36: {  	p1 =	seq.s32 s10, $0x1;
	s10 =	sld [smem:$0x3FAF];
	_ =	sdelay $0x3  }
0x37: {  	[smem:$0x3FAF] =	sst s10  }
0x38: {  	s10 =	sld [smem:$0x3FB0]  }
0x39: {  	_ = 	snop;
	(pc) =	sbr.ind lr, $3  }
0x3a: {  	_ = 	snop  }
0x3b: {  	_ = 	snop  }
0x3c: {  	p2 =	seq.s32 s10, $0x1;
	s10 =	sld [smem:$0x3FAF]  }
0x3d: {  	_ =	shalt  }
0x3e: {  	_ =	shalt  }
0x3f: {  	_ =	shalt  }
0x40: {  	_ =	shalt  }
0x41: {  	_ =	shalt  }
0x42: {  	_ =	shalt  }
0x43: {  	_ =	shalt  }
0x44: {  	_ =	shalt  }
0x45: {  	_ =	shalt  }
0x46: {  	_ =	shalt  }
0x47: {  	_ =	shalt  }
0x48: {  	_ =	shalt  }
0x49: {  	_ =	shalt  }
0x4a: {  	_ =	shalt  }
0x4b: {  	_ =	shalt  }
0x4c: {  	_ =	shalt  }
0x4d: {  	_ =	shalt  }
0x4e: {  	_ =	shalt  }
0x4f: {  	_ =	shalt  }
0x50: {  	_ =	shalt  }
0x51: {  	_ =	shalt  }
0x52: {  	_ =	shalt  }
0x53: {  	_ =	shalt  }
0x54: {  	_ =	shalt  }
0x55: {  	_ =	shalt  }
0x56: {  	_ =	shalt  }
0x57: {  	_ =	shalt  }
0x58: {  	_ =	shalt  }
0x59: {  	_ =	shalt  }
0x5a: {  	_ =	shalt  }
0x5b: {  	_ =	shalt  }
0x5c: {  	_ =	shalt  }
0x5d: {  	_ =	shalt  }
0x5e: {  	_ =	shalt  }
0x5f: {  	_ =	shalt  }
0x60: {  	_ =	shalt  }
0x61: {  	_ =	shalt  }
0x62: {  	_ =	shalt  }
0x63: {  	_ =	shalt  }
0x64: {  	_ =	shalt  }
0x65: {  	_ =	shalt  }
0x66: {  	_ =	shalt  }
0x67: {  	_ =	shalt  }
0x68: {  	_ =	shalt  }
0x69: {  	_ =	shalt  }
0x6a: {  	_ =	shalt  }
0x6b: {  	_ =	shalt  }
0x6c: {  	_ =	shalt  }
0x6d: {  	_ =	shalt  }
0x6e: {  	_ =	shalt  }
0x6f: {  	_ =	shalt  }
0x70: {  	_ =	shalt  }
0x71: {  	_ =	shalt  }
0x72: {  	_ =	shalt  }
0x73: {  	_ =	shalt  }
0x74: {  	_ =	shalt  }
0x75: {  	_ =	shalt  }
0x76: {  	_ =	shalt  }
0x77: {  	_ =	shalt  }
0x78: {  	_ =	shalt  }
0x79: {  	_ =	shalt  }
0x7a: {  	_ =	shalt  }
0x7b: {  	_ =	shalt  }
0x7c: {  	_ =	shalt  }
0x7d: {  	_ =	shalt  }
0x7e: {  	_ =	shalt  }
0x7f: {  	_ =	shalt  }
0x80: {  	_ =	shalt  }
0x81: {  	_ =	shalt  }
0x82: {  	_ =	shalt  }
0x83: {  	_ =	shalt  }
0x84: {  	_ =	shalt  }
0x85: {  	_ =	shalt  }
0x86: {  	_ =	shalt  }
0x87: {  	_ =	shalt  }
.Lfunc_end0:
.L_simem_size_0:
called_computation_lowered:
.L_overlay_start_0:
0x88: {  	s2 =	sld [smem:$0x3FD9]  }
0x89: {  	s3 =	sld [smem:$0x3FFE];
	_ =	sdelay $0x1  }
0x8a: {  	s1 =	srdreg.scid  }
0x8b: {  	s0 =	sand.u32 $0x1, s1  }
0x8c: {  	s17 =	sshll.u32 s0, $0xA;
	s2 =	sadd.s32 s3, s2  }
0x8d: {  	s2 =	sadd.s32 s2, s17  }
0x8e: {  	[smem:$0x3FBB] =	sst s2  }
0x8f: {  	_ = 	snop  }
0x90: {  	s2 =	sld [smem:$0x3FD0];
	(tm) =	ssettm $0x1  }
0x91: {  	s18 =	sld [smem:$0x3FFB];
	_ =	sdelay $0x3  }
0x92: {  	_ =	strace s18  }
0x93: {  	s3 =	sld [smem:$0x3FFC];
	_ =	sdelay $0x3  }
0x94: {  	_ =	strace s3  }
0x95: {  	s3 =	sld [smem:$0x3FFD];
	_ =	sdelay $0x3  }
0x96: {  	_ =	strace s3  }
0x97: {  	_ =	strace $0x8FFFFFFF  }
0x98: {  	s19 =	sld [smem:$0x3FDB];
	_ =	sdelay $0x1  }
0x99: {  	s4 =	simm.s32 $_scs_section_size  }
0x9a: {  	s5 =	simm.s32 $_size__tile_overlayer_lowered;
	s6 =	simm.s32 $_tile_overlayer_lowered  }
0x9b: {  	s22 =	simm.s32 $0x1BFF;
	s21 =	sshll.u32 s6, $0x1;
	s3 =	sadd.s32 s4, s19  }
0x9c: {  	s7 =	simm.s32 $0x0;
	s20 =	sshll.u32 s5, $0x1;
	s5 =	sadd.s32 s21, s3  }
0x9d: {  	[timem:s7], [sflag:s22] =	dma.local [hbm:s5], s20  }
0x9e: {  	_ =	swait.ge [sflag:s22], s20  }
0x9f: {  	s4 =	ssub.s32 $0x0, s20;
	[sflag:s22] =	ssyncset.done $0x0  }
0xa0: {  	[sflag:s22] =	ssyncadd.s32 s4;
	_ =	sdelay $0x1  }
0xa1: {  	s23 =	simm.s32 $0x1B8B  }
0xa2: {  	_ =	swait.ge [sflag:s23], $0x1  }
0xa3: {  	[sflag:s23] =	ssyncset.done $0x0  }
0xa4: {  	s25 =	simm.s32 $0x1B8E;
	s24 =	sld [smem:$0x3FFE];
	[sflag:s23] =	ssyncadd.s32 $0xFFFFFFFF  }
0xa5: {  	s26 =	simm.s32 $execute0_lowered;
	[smem:$0x3FD2] =	sst s25  }
0xa6: {  	s5 =	sshll.u32 s26, $0x1;
	_ =	strace $0x80000046;
	[dreg:$0x1] =	wrdreg $0xFFFFFFFF  }
0xa7: {  	s28 =	simm.s32 $_size_execute0_lowered;
	s3 =	sadd.s32 s3, s5;
	[dreg:$0x0] =	wrdreg $0x0  }
0xa8: {  	s5 =	sshll.u32 s28, $0x1;
	[dreg:$0x2] =	wrdreg s3  }
0xa9: {  	[dreg:$0x3] =	wrdreg s5  }
0xaa: {  	[dreg:$0x4] =	wrdreg $0xC0  }
0xab: {  	_ =	task [dreg:s7], $0x5FFFF  }
0xac: {  	[dreg:$0x1] =	wrdreg $0xFFFFFFFF  }
0xad: {  	[dreg:$0x0] =	wrdreg $0x60  }
0xae: {  	[dreg:$0x2] =	wrdreg s24  }
0xaf: {  	[dreg:$0x3] =	wrdreg s2  }
0xb0: {  	[dreg:$0x4] =	wrdreg $0x30000  }
0xb1: {  	[dreg:$0x5] =	wrdreg $0x9  }
0xb2: {  	_ =	task.clear_ibuf [dreg:s7], $0x6FFFF;
	_ =	strace $0x90000046  }
0xb3: {  	s29 =	simm.s32 $0x9;
	_ =	strace $0x80000048  }
0xb4: {  	_ =	swait.ge [sflag:s29], $0x1  }
0xb5: {  	[sflag:s29] =	ssyncadd.s32 $0xFFFFFFFF  }
0xb6: {  	_ =	strace $0x90000048  }
0xb7: {  	_ =	sfence  }
0xb8: {  	s30 =	sld [smem:$0x0];
	_ =	sdelay $0x2  }
0xb9: {  	s31 =	sshll.u32 s1, $0xD;
	s1 =	sshrl.u32 s1, $0x2  }
0xba: {  	s3 =	sand.u32 $0x4000, s31;
	s1 =	sadd.s32 s1, s30  }
0xbb: {  	s0 =	sor.u32 s3, s0;
	s1 =	sshll.u32 s1, $0x11  }
0xbc: {  	s0 =	sor.u32 s1, s0  }
0xbd: {  	s0 =	sadd.s32 $0x8F2B, s0  }
0xbe: {  	[sflag:s0] =	ssyncadd.remote.s32 $0x1  }
0xbf: {  	_ =	sfence.sel $0xFFFF  }
0xc0: {  	[dreg:$0x0] =	wrdreg $0xFFFFFFFF;
	(pc) =	sbr.abs _section_cstart, $3  }
0xc1: {  	[dreg:$0x1] =	wrdreg $0xFFFFFFFF  }
0xc2: {  	_ =	task.clear_ibuf [dreg:s7], $0x2FFFF;
	_ =	strace $0x9FFFFFFF  }
0xc3: {  	(tm) =	ssettm $0x7FFFFFFF  }
tec
execute0_lowered:
.L_overlay_start_1:
0x0: {  	(tag) =	ssettag $0x1  }
0x1: {  	s6 =	rddreg [dreg:$0x0]  }
0x2: {  	s2 =	rddreg [dreg:$0x1]  }
0x3: {  	s3 =	rddreg [dreg:$0x2]  }
0x4: {  	s0 =	srdreg.scid;
	s1 =	rddreg [dreg:$0x3]  }
0x5: {  	s4 =	simm.s32 $0x0;
	s12 =	simm.s32 $0x1;
	s7 =	sand.u32 $0x1, s0  }
0x6: {  	s13 =	simm.s32 $0x2;
	s0 =	stileid.u32;
	s5 =	smul.u32 $0x28000, s7  }
0x7: {  	s14 =	simm.s32 $0x3;
	s15 =	simm.s32 $0x80;
	s8 =	smul.u32 $0x2800, s0  }
0x8: {  	s17 =	simm.s32 $0x4;
	[smem:$0x7FF] =	sst s4;
	s9 =	smul.u32 $0x27100, s7  }
0x9: {  	s18 =	simm.s32 $0x0;
	s10 =	smul.u32 $0x2710, s0;
	_ =	strace $0x80000047  }
0xa: {  	s30 =	smul.u32 $0x9C40, s0;
	s31 =	ssub.s32 $0x2, s7;
	s16 =	sshll.u32 s0, $0x6  }
0xb: {  	s7 =	sshrl.u32 s31, $0x1;
	s5 =	sadd.s32 s8, s5;
	s28 =	sadd.s32 s10, s9  }
0xc: {  	s10 =	sshrl.u32 s30, $0x2;
	s11 =	ssub.s32 s31, s7;
	s5 =	sshrl.u32 s5, $0x3  }
0xd: {  	s8 =	sshrl.u32 s28, $0x3;
	s10 =	sadd.s32 s10, s3;
	s9 =	smax.u32 s11, $0x1  }
0xe: {  	s11 =	simm.s32 $0x2800;
	s29 =	sadd.s32 s5, s6;
	s5 =	sadd.s32 $0xC800, s6  }
0xf: {  	s8 =	sadd.s32 s8, s6;
	s6 =	sor.u32 $0x1C01, s16;
	s10 =	sshrl.u32 s10, $0x3  }
0x10: {  	s16 =	sor.u32 $0x1C04, s16;
	s7 =	sadd.s32 $0x2800, s29;
	s8 =	sadd.s32 $0xCE00, s8  }
.LBB2_1:
0x11: {  	[spmem:s10], [sflag:s6] =	dma.local [hbm:s5], $0x4E2  }
0x12: {  	[tilespmem:s11], [sflag:$0x2] =	stream.linear.gather [hbm4b:s2+s4], $0x800, $0x38;
	[tilespmem:$0x5800] =	vst v63  }
0x13: {  	_ = 	snop  }
0x14: {  	[tilespmem:s4], [sflag:$0x3] =	stream.linear.gather [hbm4b:s7+s4], $0x2800, $0x38;
	[tilespmem:$0x5800] =	vst v63  }
0x15: {  	_ =	swait.ge [sflag:s12], $0x4E2  }
0x16: {  	[sflag:s12] =	ssyncset.done $0x0  }
0x17: {  	[sflag:s12] =	ssyncadd.s32 $0xFFFFFB1E  }
0x18: {  	_ =	swait.ge [sflag:s13], $0x800  }
0x19: {  	[sflag:s13] =	ssyncset.done $0x0  }
0x1a: {  	[sflag:s13] =	ssyncadd.s32 $0xFFFFF800  }
0x1b: {  	_ =	swait.ge [sflag:s14], $0x2800  }
0x1c: {  	[sflag:s14] =	ssyncset.done $0x0  }
0x1d: {  	[sflag:s14] =	ssyncadd.s32 $0xFFFFD800  }
0x1e: {  	s19 =	simm.s32 $0x0;
	[bflag:$0x0] =	sbarrier.arrive $0xFFFF  }
.LBB2_2:
0x1f: {  	p0 =	sne.s32 s19, $0x9E00  }
.Ltmp0:
0x20: {  	_ = 	snop;
	(pc) =	sbr.rel @p0 .LBB2_2-.Ltmp0, $3  }
0x21: {  	_ =	sdelay $0x1  }
0x22: {  	s20 =	sshra.s32 s19, $0x2;
	s19 =	sadd.s32 $0x200, s19  }
0x23: {  	[spmem:s3] =	stream.indirect.scatter.add.f32 [tilespmem:s11], [sflag:$0x1], $0x10, s20, s15, $0xb8;
	[tilespmem:$0x5800] =	vst v63  }
0x24: {  	_ =	swait.ge [sflag:s12], $0x800  }
0x25: {  	s19 =	simm.s32 $0x4F;
	[sflag:s12] =	ssyncset.done $0x0  }
.LBB2_4:
0x26: {  	p0 =	sne.s32 s19, $0x1;
	s19 =	sadd.s32 $0xFFFFFFFF, s19;
	[sflag:s12] =	ssyncadd.s32 $0xFFFFF800  }
.Ltmp1:
0x27: {  	(pc) =	sbr.rel @p0 .LBB2_4-.Ltmp1, $3  }
0x28: {  	_ =	sdelay $0x1  }
0x29: {  	_ =	swait.ge [sflag:s12], $0x800  }
0x2a: {  	[sflag:s12] =	ssyncset.done $0x0  }
0x2b: {  	s18 =	sadd.s32 $0x1, s18  }
0x2c: {  	[sflag:s12] =	ssyncadd.s32 $0xFFFFF800;
	p0 =	sne.s32 s18, s9  }
.Ltmp2:
0x2d: {  	[bflag:$0x0] =	sbarrier.arrive $0xFFFF;
	(pc) =	sbr.rel @p0 .LBB2_1-.Ltmp2, $4  }
0x2e: {  	[hbm:s8], [sflag:s16] =	dma.local [spmem:s10], $0x4E2  }
0x2f: {  	_ =	swait.ge [sflag:s17], $0x4E2  }
0x30: {  	[sflag:s17] =	ssyncset.done $0x0  }
0x31: {  	[sflag:s17] =	ssyncadd.s32 $0xFFFFFB1E  }
0x32: {  	_ =	sfence.sel $0x180000  }
0x33: {  	[bflag:$0x0] =	sbarrier.arrive $0xFFFF  }
0x34: {  	p0 =	sne.s32 s0, $0x0;
	_ =	strace $0x90000047  }
0x35: {  	s0 =	sadd.s32 @!p0 $0x100000, s1;
	[bflag:$0x2] =	sbarrier.arrive $0xFFFF  }
0x36: {  	[sflag:s0] =	ssyncadd.tile.s32 @!p0 $0x1;
	_ =	shalt  }
.Lfunc_end2:
_tile_overlayer_lowered:
.L_overlay_start_2:
0x37: {  	(tag) =	ssettag $0x2  }
0x38: {  	s0 =	rddreg [dreg:$0x0];
	s2 =	stileid.u32  }
0x39: {  	s1 =	rddreg [dreg:$0x1];
	p0 =	sne.s32 s2, $0x0  }
0x3a: {  	s3 =	rddreg [dreg:$0x2];
	[bflag:$0x3] =	sbarrier.arrive $0xFFFF;
	s2 =	simm.s32 @!p0 $0x1C04  }
0x3b: {  	[timem:s3], [sflag:s2] =	dma.local @!p0 [hbm:s0], s1  }
0x3c: {  	s0 =	simm.s32 @!p0 $0x4  }
0x3d: {  	_ =	swait.ge @!p0 [sflag:s0], s1  }
0x3e: {  	s1 =	ssub.s32 @!p0 $0x0, s1;
	[sflag:s0] =	ssyncset.done @!p0 $0x0  }
0x3f: {  	[sflag:s0] =	ssyncadd.s32 @!p0 s1  }
0x40: {  	[bflag:$0x3] =	sbarrier.arrive $0xFFFF  }
0x41: {  	_ =	shalt  }

// kernel: kernel.13.cloned.1.call-start
scs
__scs_entry_jumppad:
0x0: {  	(pc) =	sbr.rel $0x88, $3  }
0x1: {  	(tag) =	ssettag $0x0;
	lr =	simm.s32 $0x1  }
0x2: {  	[smem:$0x3F94] =	sst lr;
	_ =	strace $0xD0000000  }
0x3: {  	_ = 	snop  }
0x4: {  	_ = 	snop  }
0x5: {  	_ = 	snop  }
0x6: {  	_ = 	snop  }
0x7: {  	_ = 	snop  }
__scs_overlays_trampoline_lowered:
0x8: {  	[smem:$0x3FA3] =	sst s0  }
0x9: {  	[smem:$0x3FA4] =	sst s1  }
0xa: {  	[smem:$0x3FA5] =	sst s2  }
0xb: {  	[smem:$0x3FA6] =	sst s3  }
0xc: {  	[smem:$0x3FA7] =	sst s4  }
0xd: {  	[smem:$0x3FA8] =	sst s5  }
0xe: {  	[smem:$0x3FA9] =	sst s6  }
0xf: {  	[smem:$0x3FAA] =	sst s7  }
0x10: {  	[smem:$0x3FAB] =	sst s8  }
0x11: {  	[smem:$0x3FAC] =	sst s9;
	s0 =	simm.s32 @!p0 $0x0  }
0x12: {  	s1 =	sld [smem:$0x3F92];
	s0 =	simm.s32 @p0 $0x1  }
0x13: {  	[smem:$0x3FAD] =	sst s0;
	s0 =	simm.s32 @!p1 $0x0  }
0x14: {  	s2 =	sld [smem:$0x3F91];
	s0 =	simm.s32 @p1 $0x1  }
0x15: {  	[smem:$0x3FAE] =	sst s0;
	s0 =	simm.s32 @!p2 $0x0  }
0x16: {  	s3 =	sld [smem:$0x3FDB];
	s0 =	simm.s32 @p2 $0x1  }
0x17: {  	s4 =	simm.s32 $0x1BF5;
	[smem:$0x3FB0] =	sst s0  }
0x18: {  	s0 =	sld [smem:$0x3F93];
	_ =	swait.ge [sflag:s4], $0x0  }
0x19: {  	s7 =	sld [smem:$0x3F94]  }
0x1a: {  	s8 =	sadd.s32 $0xFFFFE003, lr  }
0x1b: {  	s9 =	sadd.s32 $0xFFFFFEF7, lr;
	s5 =	simm.s32 $0xFFFFFFFF;
	p2 =	slt.u32 s8, $0xFFFFF086  }
0x1c: {  	p1 =	slt.u32 s9, $0xF7A;
	s5 =	simm.s32 @!p2 $0x0  }
0x1d: {  	s5 =	simm.s32 @p1 $0x1;
	p0 =	seq.s32 s7, s2  }
0x1e: {  	s7 =	smul.u32 @!p0 $0xF7A, s2;
	p2 =	seq.s32 @!p0 s5, $0x0  }
0x1f: {  	s9 =	smul.u32 $0xF7A, s1;
	s8 =	simm.s32 @!p0 $0x1BF5;
	p2 =	por !p2, p0  }
0x20: {  	[sflag:s8] =	ssyncset.s32 @!p0 $0xFFFFF086;
	s6 =	sadd.s32 @!p0 s3, s7;
	s7 =	simm.s32 @!p0 $0x108  }
0x21: {  	s3 =	sadd.s32 s3, s9;
	s6 =	sadd.s32 @!p0 $0x88, s6;
	s7 =	simm.s32 @p2 $0x1082  }
0x22: {  	[simem:s7], [sflag:s8] =	dma.local @!p0 [hbm:s6], $0xF7A  }
0x23: {  	s9 =	sor.u32 $0xD0000000, s2;
	s6 =	simm.s32 $0x108;
	_ =	swait.ge @!p0 [sflag:s8], $0x0  }
0x24: {  	s3 =	sadd.s32 $0x88, s3;
	s6 =	simm.s32 @!p1 $0x1082;
	[sflag:s4] =	ssyncset.s32 $0xFFFFF086  }
0x25: {  	[simem:s6], [sflag:s4] =	dma.local [hbm:s3], $0xF7A  }
0x26: {  	[smem:$0x3F94] =	sst s1;
	(tag) =	ssettag s2;
	_ =	strace s9  }
0x27: {  	s1 =	sld [smem:$0x3FA4]  }
0x28: {  	s2 =	sld [smem:$0x3FA5]  }
0x29: {  	s4 =	sld [smem:$0x3FA7]  }
0x2a: {  	p0 =	seq.s32 s5, $0x0;
	s5 =	sld [smem:$0x3FA8]  }
0x2b: {  	s6 =	sld [smem:$0x3FA9]  }
0x2c: {  	s7 =	sld [smem:$0x3FAA]  }
0x2d: {  	s3 =	simm.s32 $0x108;
	s8 =	sld [smem:$0x3FAB]  }
0x2e: {  	s3 =	simm.s32 @!p0 $0x1082;
	s9 =	sld [smem:$0x3FAC]  }
0x2f: {  	lr =	sadd.s32 s0, s3;
	s0 =	sld [smem:$0x3FA3]  }
0x30: {  	s3 =	sld [smem:$0x3FA6]  }
0x31: {  	[smem:$0x3FAF] =	sst s10  }
0x32: {  	s10 =	sld [smem:$0x3FAD];
	_ =	sdelay $0x3  }
0x33: {  	p0 =	seq.s32 s10, $0x1;
	s10 =	sld [smem:$0x3FAF];
	_ =	sdelay $0x3  }
0x34: {  	[smem:$0x3FAF] =	sst s10  }
0x35: {  	s10 =	sld [smem:$0x3FAE];
	_ =	sdelay $0x3  }
0x36: {  	p1 =	seq.s32 s10, $0x1;
	s10 =	sld [smem:$0x3FAF];
	_ =	sdelay $0x3  }
0x37: {  	[smem:$0x3FAF] =	sst s10  }
0x38: {  	s10 =	sld [smem:$0x3FB0]  }
0x39: {  	_ = 	snop;
	(pc) =	sbr.ind lr, $3  }
0x3a: {  	_ = 	snop  }
0x3b: {  	_ = 	snop  }
0x3c: {  	p2 =	seq.s32 s10, $0x1;
	s10 =	sld [smem:$0x3FAF]  }
0x3d: {  	_ =	shalt  }
0x3e: {  	_ =	shalt  }
0x3f: {  	_ =	shalt  }
0x40: {  	_ =	shalt  }
0x41: {  	_ =	shalt  }
0x42: {  	_ =	shalt  }
0x43: {  	_ =	shalt  }
0x44: {  	_ =	shalt  }
0x45: {  	_ =	shalt  }
0x46: {  	_ =	shalt  }
0x47: {  	_ =	shalt  }
0x48: {  	_ =	shalt  }
0x49: {  	_ =	shalt  }
0x4a: {  	_ =	shalt  }
0x4b: {  	_ =	shalt  }
0x4c: {  	_ =	shalt  }
0x4d: {  	_ =	shalt  }
0x4e: {  	_ =	shalt  }
0x4f: {  	_ =	shalt  }
0x50: {  	_ =	shalt  }
0x51: {  	_ =	shalt  }
0x52: {  	_ =	shalt  }
0x53: {  	_ =	shalt  }
0x54: {  	_ =	shalt  }
0x55: {  	_ =	shalt  }
0x56: {  	_ =	shalt  }
0x57: {  	_ =	shalt  }
0x58: {  	_ =	shalt  }
0x59: {  	_ =	shalt  }
0x5a: {  	_ =	shalt  }
0x5b: {  	_ =	shalt  }
0x5c: {  	_ =	shalt  }
0x5d: {  	_ =	shalt  }
0x5e: {  	_ =	shalt  }
0x5f: {  	_ =	shalt  }
0x60: {  	_ =	shalt  }
0x61: {  	_ =	shalt  }
0x62: {  	_ =	shalt  }
0x63: {  	_ =	shalt  }
0x64: {  	_ =	shalt  }
0x65: {  	_ =	shalt  }
0x66: {  	_ =	shalt  }
0x67: {  	_ =	shalt  }
0x68: {  	_ =	shalt  }
0x69: {  	_ =	shalt  }
0x6a: {  	_ =	shalt  }
0x6b: {  	_ =	shalt  }
0x6c: {  	_ =	shalt  }
0x6d: {  	_ =	shalt  }
0x6e: {  	_ =	shalt  }
0x6f: {  	_ =	shalt  }
0x70: {  	_ =	shalt  }
0x71: {  	_ =	shalt  }
0x72: {  	_ =	shalt  }
0x73: {  	_ =	shalt  }
0x74: {  	_ =	shalt  }
0x75: {  	_ =	shalt  }
0x76: {  	_ =	shalt  }
0x77: {  	_ =	shalt  }
0x78: {  	_ =	shalt  }
0x79: {  	_ =	shalt  }
0x7a: {  	_ =	shalt  }
0x7b: {  	_ =	shalt  }
0x7c: {  	_ =	shalt  }
0x7d: {  	_ =	shalt  }
0x7e: {  	_ =	shalt  }
0x7f: {  	_ =	shalt  }
0x80: {  	_ =	shalt  }
0x81: {  	_ =	shalt  }
0x82: {  	_ =	shalt  }
0x83: {  	_ =	shalt  }
0x84: {  	_ =	shalt  }
0x85: {  	_ =	shalt  }
0x86: {  	_ =	shalt  }
0x87: {  	_ =	shalt  }
.Lfunc_end0:
.L_simem_size_0:
called_computation.1_lowered:
.L_overlay_start_0:
0x88: {  	s2 =	sld [smem:$0x3FD9]  }
0x89: {  	s3 =	sld [smem:$0x3FFE];
	_ =	sdelay $0x1  }
0x8a: {  	s1 =	srdreg.scid  }
0x8b: {  	s0 =	sand.u32 $0x1, s1  }
0x8c: {  	s16 =	sshll.u32 s0, $0xA;
	s2 =	sadd.s32 s3, s2  }
0x8d: {  	s2 =	sadd.s32 s2, s16  }
0x8e: {  	[smem:$0x3FBB] =	sst s2  }
0x8f: {  	_ = 	snop  }
0x90: {  	(tm) =	ssettm $0x1  }
0x91: {  	s17 =	sld [smem:$0x3FFB];
	_ =	sdelay $0x3  }
0x92: {  	_ =	strace s17  }
0x93: {  	s2 =	sld [smem:$0x3FFC];
	_ =	sdelay $0x3  }
0x94: {  	_ =	strace s2  }
0x95: {  	s2 =	sld [smem:$0x3FFD];
	_ =	sdelay $0x3  }
0x96: {  	_ =	strace s2  }
0x97: {  	_ =	strace $0x8FFFFFFF  }
0x98: {  	s18 =	sld [smem:$0x3FDB];
	_ =	sdelay $0x1  }
0x99: {  	s19 =	simm.s32 $_scs_section_size  }
0x9a: {  	s4 =	simm.s32 $_size__tile_overlayer_lowered;
	s5 =	simm.s32 $_tile_overlayer_lowered  }
0x9b: {  	s22 =	simm.s32 $0x1BFF;
	s21 =	sshll.u32 s5, $0x1;
	s2 =	sadd.s32 s19, s18  }
0x9c: {  	s6 =	simm.s32 $0x0;
	s20 =	sshll.u32 s4, $0x1;
	s4 =	sadd.s32 s21, s2  }
0x9d: {  	[timem:s6], [sflag:s22] =	dma.local [hbm:s4], s20  }
0x9e: {  	_ =	swait.ge [sflag:s22], s20  }
0x9f: {  	s3 =	ssub.s32 $0x0, s20;
	[sflag:s22] =	ssyncset.done $0x0  }
0xa0: {  	[sflag:s22] =	ssyncadd.s32 s3;
	_ =	sdelay $0x1  }
0xa1: {  	s23 =	simm.s32 $0x1B8B  }
0xa2: {  	_ =	swait.ge [sflag:s23], $0x1  }
0xa3: {  	[sflag:s23] =	ssyncset.done $0x0  }
0xa4: {  	s25 =	simm.s32 $0x1B8E;
	s24 =	sld [smem:$0x3FFE];
	[sflag:s23] =	ssyncadd.s32 $0xFFFFFFFF  }
0xa5: {  	s26 =	simm.s32 $execute0_lowered;
	[smem:$0x3FD2] =	sst s25  }
0xa6: {  	s4 =	sshll.u32 s26, $0x1;
	_ =	strace $0x80000049;
	[dreg:$0x1] =	wrdreg $0xFFFFFFFF  }
0xa7: {  	s28 =	simm.s32 $_size_execute0_lowered;
	s2 =	sadd.s32 s2, s4;
	[dreg:$0x0] =	wrdreg $0x0  }
0xa8: {  	s4 =	sshll.u32 s28, $0x1;
	[dreg:$0x2] =	wrdreg s2  }
0xa9: {  	[dreg:$0x3] =	wrdreg s4  }
0xaa: {  	[dreg:$0x4] =	wrdreg $0xC0  }
0xab: {  	_ =	task [dreg:s6], $0x5FFFF  }
0xac: {  	[dreg:$0x1] =	wrdreg $0xFFFFFFFF  }
0xad: {  	[dreg:$0x0] =	wrdreg $0x60  }
0xae: {  	[dreg:$0x2] =	wrdreg s24  }
0xaf: {  	[dreg:$0x3] =	wrdreg $0x150000  }
0xb0: {  	[dreg:$0x4] =	wrdreg $0xB0000  }
0xb1: {  	[dreg:$0x5] =	wrdreg $0x9  }
0xb2: {  	_ =	task.clear_ibuf [dreg:s6], $0x6FFFF;
	_ =	strace $0x90000049  }
0xb3: {  	s29 =	simm.s32 $0x9;
	_ =	strace $0x8000004B  }
0xb4: {  	_ =	swait.ge [sflag:s29], $0x1  }
0xb5: {  	[sflag:s29] =	ssyncadd.s32 $0xFFFFFFFF  }
0xb6: {  	_ =	strace $0x9000004B  }
0xb7: {  	_ =	sfence  }
0xb8: {  	s30 =	sld [smem:$0x0];
	_ =	sdelay $0x2  }
0xb9: {  	s31 =	sshll.u32 s1, $0xD;
	s1 =	sshrl.u32 s1, $0x2  }
0xba: {  	s3 =	sand.u32 $0x4000, s31;
	s1 =	sadd.s32 s1, s30  }
0xbb: {  	s0 =	sor.u32 s3, s0;
	s1 =	sshll.u32 s1, $0x11  }
0xbc: {  	s0 =	sor.u32 s1, s0  }
0xbd: {  	s0 =	sadd.s32 $0x8F2B, s0  }
0xbe: {  	[sflag:s0] =	ssyncadd.remote.s32 $0x1  }
0xbf: {  	_ =	sfence.sel $0xFFFF  }
0xc0: {  	[dreg:$0x0] =	wrdreg $0xFFFFFFFF;
	(pc) =	sbr.abs _section_cstart, $3  }
0xc1: {  	[dreg:$0x1] =	wrdreg $0xFFFFFFFF  }
0xc2: {  	_ =	task.clear_ibuf [dreg:s6], $0x2FFFF;
	_ =	strace $0x9FFFFFFF  }
0xc3: {  	(tm) =	ssettm $0x7FFFFFFF  }
tec
execute0_lowered:
.L_overlay_start_1:
0x0: {  	(tag) =	ssettag $0x1  }
0x1: {  	s0 =	rddreg [dreg:$0x0]  }
0x2: {  	s12 =	stileid.u32;
	s2 =	rddreg [dreg:$0x1]  }
0x3: {  	s1 =	srdreg.scid;
	s3 =	rddreg [dreg:$0x2];
	s4 =	simm.s32 $0x0  }
0x4: {  	s16 =	simm.s32 $0x2800;
	s17 =	simm.s32 $0x1;
	s18 =	simm.s32 $0x2  }
0x5: {  	s19 =	simm.s32 $0x3;
	s20 =	simm.s32 $0x4;
	s6 =	smul.u32 $0xA000, s12  }
0x6: {  	s21 =	simm.s32 $0x80;
	s22 =	simm.s32 $0x5000;
	s7 =	smul.u32 $0x2800, s12  }
0x7: {  	s23 =	simm.s32 $0x7000;
	s29 =	simm.s32 $0x5;
	s25 =	smul.u32 $0x9C40, s12  }
0x8: {  	s30 =	simm.s32 $0x6;
	s1 =	sand.u32 $0x1, s1;
	s11 =	smul.u32 $0x27100, s12  }
0x9: {  	s24 =	simm.s32 $0x4F80;
	s28 =	simm.s32 $0x0;
	s5 =	smul.u32 $0x28000, s1  }
0xa: {  	[smem:$0x7FF] =	sst s4;
	s8 =	smul.u32 $0x9C400, s1;
	s1 =	ssub.s32 $0x2, s1  }
0xb: {  	_ =	strace $0x8000004A;
	s9 =	sshrl.u32 s6, $0x3;
	s31 =	sshrl.u32 s1, $0x1  }
0xc: {  	s13 =	sadd.s32 s6, s2;
	s6 =	sshll.u32 s12, $0x6;
	s11 =	sshrl.u32 s11, $0x2  }
0xd: {  	s5 =	sadd.s32 s7, s5;
	s9 =	sadd.s32 s9, s0;
	s26 =	sadd.s32 s25, s8  }
0xe: {  	s1 =	ssub.s32 s1, s31;
	s8 =	sor.u32 $0x1C01, s6;
	s15 =	sadd.s32 s11, s3  }
0xf: {  	s13 =	sshrl.u32 s13, $0x3;
	s14 =	sor.u32 $0x1C02, s6;
	s25 =	simm.s32 $0x9000  }
0x10: {  	s5 =	sshrl.u32 s5, $0x3;
	s7 =	sshrl.u32 s26, $0x3;
	s12 =	smax.u32 s1, $0x1  }
0x11: {  	s15 =	sshrl.u32 s15, $0x3;
	s26 =	simm.s32 $0x7;
	s10 =	sadd.s32 s5, s0  }
0x12: {  	s5 =	sadd.s32 $0xC800, s0;
	s0 =	sadd.s32 s7, s0;
	s7 =	sadd.s32 $0x20C00, s9  }
0x13: {  	s9 =	sadd.s32 $0x16C00, s10;
	s10 =	sadd.s32 $0x2800, s10;
	s11 =	sadd.s32 $0x34C00, s0  }
.LBB2_1:
0x14: {  	[spmem:s13], [sflag:s8] =	dma.local [hbm:s7], $0x1400  }
0x15: {  	[spmem:s15], [sflag:s14] =	dma.local [hbm:s5], $0x1388  }
0x16: {  	[tilespmem:s4], [sflag:$0x3] =	stream.linear.gather [hbm4b:s9+s4], $0x2800, $0x38;
	[tilespmem:$0x1F000] =	vst v63  }
0x17: {  	_ = 	snop  }
0x18: {  	[tilespmem:s16], [sflag:$0x4] =	stream.linear.gather [hbm4b:s10+s4], $0x2800, $0x38;
	[tilespmem:$0x1F000] =	vst v63  }
0x19: {  	_ =	swait.ge [sflag:s17], $0x1400  }
0x1a: {  	[sflag:s17] =	ssyncset.done $0x0  }
0x1b: {  	[sflag:s17] =	ssyncadd.s32 $0xFFFFEC00  }
0x1c: {  	_ =	swait.ge [sflag:s18], $0x1388  }
0x1d: {  	[sflag:s18] =	ssyncset.done $0x0  }
0x1e: {  	[sflag:s18] =	ssyncadd.s32 $0xFFFFEC78  }
0x1f: {  	_ =	swait.ge [sflag:s19], $0x2800  }
0x20: {  	[sflag:s19] =	ssyncset.done $0x0  }
0x21: {  	[sflag:s19] =	ssyncadd.s32 $0xFFFFD800  }
0x22: {  	_ =	swait.ge [sflag:s20], $0x2800  }
0x23: {  	[sflag:s20] =	ssyncset.done $0x0  }
0x24: {  	[sflag:s20] =	ssyncadd.s32 $0xFFFFD800  }
0x25: {  	[bflag:$0x0] =	sbarrier.arrive $0xFFFF  }
0x26: {  	[tilespmem:s22], [sflag:$0x1] =	stream.indirect.gather [spmem:s2], $0x40, s4, s21, $0xb8;
	[tilespmem:$0x1F000] =	vst v63  }
0x27: {  	_ = 	snop  }
0x28: {  	[tilespmem:s23], [sflag:$0x2] =	stream.indirect.gather [spmem:s2], $0x40, s21, s21, $0xb8;
	[tilespmem:$0x1F000] =	vst v63  }
0x29: {  	_ =	swait.ge [sflag:s17], $0x2000  }
0x2a: {  	[sflag:s17] =	ssyncset.done $0x0  }
0x2b: {  	[sflag:s17] =	ssyncadd.s32 $0xFFFFE000  }
0x2c: {  	[spmem:s3] =	stream.indirect.scatter.add.f32 [tilespmem:s22], [sflag:$0x4], $0x40, s16, s21, $0xb8;
	[tilespmem:$0x1F000] =	vst v63  }
0x2d: {  	s0 =	simm.s32 $0x100  }
0x2e: {  	[tilespmem:s25], [sflag:$0x3] =	stream.indirect.gather [spmem:s2], $0x40, s0, s21, $0xb8;
	[tilespmem:$0x1F000] =	vst v63  }
0x2f: {  	_ =	swait.ge [sflag:s18], $0x2000  }
0x30: {  	[sflag:s18] =	ssyncset.done $0x0  }
0x31: {  	s1 =	simm.s32 $0x2880;
	[sflag:s18] =	ssyncadd.s32 $0xFFFFE000  }
0x32: {  	[spmem:s3] =	stream.indirect.scatter.add.f32 [tilespmem:s23], [sflag:$0x5], $0x40, s1, s21, $0xb8;
	[tilespmem:$0x1F000] =	vst v63  }
0x33: {  	_ =	swait.ge [sflag:s20], $0x2000  }
0x34: {  	[sflag:s20] =	ssyncset.done $0x0  }
0x35: {  	s1 =	simm.s32 $0x180;
	[sflag:s20] =	ssyncadd.s32 $0xFFFFE000  }
0x36: {  	[tilespmem:s22], [sflag:$0x1] =	stream.indirect.gather [spmem:s2], $0x40, s1, s21, $0xb8;
	[tilespmem:$0x1F000] =	vst v63  }
0x37: {  	_ =	swait.ge [sflag:s19], $0x2000  }
0x38: {  	[sflag:s19] =	ssyncset.done $0x0  }
0x39: {  	s1 =	simm.s32 $0x2900;
	[sflag:s19] =	ssyncadd.s32 $0xFFFFE000  }
0x3a: {  	[spmem:s3] =	stream.indirect.scatter.add.f32 [tilespmem:s25], [sflag:$0x6], $0x40, s1, s21, $0xb8;
	[tilespmem:$0x1F000] =	vst v63  }
0x3b: {  	_ =	swait.ge [sflag:s29], $0x2000  }
0x3c: {  	[sflag:s29] =	ssyncset.done $0x0  }
0x3d: {  	s0 =	simm.s32 $0x200;
	[sflag:s29] =	ssyncadd.s32 $0xFFFFE000  }
0x3e: {  	[tilespmem:s23], [sflag:$0x2] =	stream.indirect.gather [spmem:s2], $0x40, s0, s21, $0xb8;
	[tilespmem:$0x1F000] =	vst v63  }
0x3f: {  	_ =	swait.ge [sflag:s17], $0x2000  }
0x40: {  	[sflag:s17] =	ssyncset.done $0x0  }
0x41: {  	s0 =	simm.s32 $0x2980;
	[sflag:s17] =	ssyncadd.s32 $0xFFFFE000  }
0x42: {  	[spmem:s3] =	stream.indirect.scatter.add.f32 [tilespmem:s22], [sflag:$0x4], $0x40, s0, s21, $0xb8;
	[tilespmem:$0x1F000] =	vst v63  }
0x43: {  	_ =	swait.ge [sflag:s30], $0x2000  }
0x44: {  	[sflag:s30] =	ssyncset.done $0x0  }
0x45: {  	s0 =	simm.s32 $0x280;
	[sflag:s30] =	ssyncadd.s32 $0xFFFFE000  }
0x46: {  	[tilespmem:s25], [sflag:$0x3] =	stream.indirect.gather [spmem:s2], $0x40, s0, s21, $0xb8;
	[tilespmem:$0x1F000] =	vst v63  }
0x47: {  	_ =	swait.ge [sflag:s18], $0x2000  }
0x48: {  	[sflag:s18] =	ssyncset.done $0x0  }
0x49: {  	s0 =	simm.s32 $0x2A00;
	[sflag:s18] =	ssyncadd.s32 $0xFFFFE000  }
0x4a: {  	[spmem:s3] =	stream.indirect.scatter.add.f32 [tilespmem:s23], [sflag:$0x5], $0x40, s0, s21, $0xb8;
	[tilespmem:$0x1F000] =	vst v63  }
0x4b: {  	_ =	swait.ge [sflag:s20], $0x2000  }
0x4c: {  	[sflag:s20] =	ssyncset.done $0x0  }
0x4d: {  	s31 =	simm.s32 $0x600;
	s1 =	simm.s32 $0x300;
	[sflag:s20] =	ssyncadd.s32 $0xFFFFE000  }
.LBB2_2:
0x4e: {  	[tilespmem:s22], [sflag:$0x1] =	stream.indirect.gather [spmem:s2], $0x40, s1, s21, $0xb8;
	[tilespmem:$0x1F000] =	vst v63  }
0x4f: {  	s1 =	smov.u32 s31  }
0x50: {  	p0 =	sne.s32 s31, $0x9000;
	s31 =	sadd.s32 $0x600, s31;
	_ =	swait.ge [sflag:s19], $0x2000  }
0x51: {  	s1 =	sshra.s32 s1, $0x2;
	[sflag:s19] =	ssyncset.done $0x0  }
0x52: {  	s0 =	sadd.s32 $0x2900, s1;
	[sflag:s19] =	ssyncadd.s32 $0xFFFFE000  }
0x53: {  	[spmem:s3] =	stream.indirect.scatter.add.f32 [tilespmem:s25], [sflag:$0x6], $0x40, s0, s21, $0xb8;
	[tilespmem:$0x1F000] =	vst v63  }
0x54: {  	_ =	swait.ge [sflag:s29], $0x2000  }
0x55: {  	[sflag:s29] =	ssyncset.done $0x0  }
0x56: {  	s0 =	sadd.s32 $0x200, s1;
	[sflag:s29] =	ssyncadd.s32 $0xFFFFE000  }
0x57: {  	[tilespmem:s23], [sflag:$0x2] =	stream.indirect.gather [spmem:s2], $0x40, s0, s21, $0xb8;
	[tilespmem:$0x1F000] =	vst v63  }
0x58: {  	_ =	swait.ge [sflag:s17], $0x2000  }
0x59: {  	[sflag:s17] =	ssyncset.done $0x0  }
0x5a: {  	s0 =	sadd.s32 $0x2980, s1;
	[sflag:s17] =	ssyncadd.s32 $0xFFFFE000  }
0x5b: {  	[spmem:s3] =	stream.indirect.scatter.add.f32 [tilespmem:s22], [sflag:$0x4], $0x40, s0, s21, $0xb8;
	[tilespmem:$0x1F000] =	vst v63  }
0x5c: {  	_ =	swait.ge [sflag:s30], $0x2000  }
0x5d: {  	[sflag:s30] =	ssyncset.done $0x0  }
0x5e: {  	s0 =	sadd.s32 $0x280, s1;
	[sflag:s30] =	ssyncadd.s32 $0xFFFFE000  }
0x5f: {  	[tilespmem:s25], [sflag:$0x3] =	stream.indirect.gather [spmem:s2], $0x40, s0, s21, $0xb8;
	[tilespmem:$0x1F000] =	vst v63  }
0x60: {  	_ =	swait.ge [sflag:s18], $0x2000  }
0x61: {  	[sflag:s18] =	ssyncset.done $0x0  }
.Ltmp0:
0x62: {  	s0 =	sadd.s32 $0x2A00, s1;
	[sflag:s18] =	ssyncadd.s32 $0xFFFFE000;
	(pc) =	sbr.rel @p0 .LBB2_2-.Ltmp0, $4  }
0x63: {  	[spmem:s3] =	stream.indirect.scatter.add.f32 [tilespmem:s23], [sflag:$0x5], $0x40, s0, s21, $0xb8;
	[tilespmem:$0x1F000] =	vst v63  }
0x64: {  	_ =	swait.ge [sflag:s20], $0x2000  }
0x65: {  	[sflag:s20] =	ssyncset.done $0x0  }
0x66: {  	s1 =	sadd.s32 $0x300, s1;
	[sflag:s20] =	ssyncadd.s32 $0xFFFFE000  }
0x67: {  	[tilespmem:s22], [sflag:$0x1] =	stream.indirect.gather [spmem:s2], $0x40, s1, s21, $0xb8;
	[tilespmem:$0x1F000] =	vst v63  }
0x68: {  	_ =	swait.ge [sflag:s19], $0x2000  }
0x69: {  	[sflag:s19] =	ssyncset.done $0x0  }
0x6a: {  	s0 =	simm.s32 $0x4E80;
	[sflag:s19] =	ssyncadd.s32 $0xFFFFE000  }
0x6b: {  	[spmem:s3] =	stream.indirect.scatter.add.f32 [tilespmem:s25], [sflag:$0x6], $0x40, s0, s21, $0xb8;
	[tilespmem:$0x1F000] =	vst v63  }
0x6c: {  	_ =	swait.ge [sflag:s29], $0x2000  }
0x6d: {  	[sflag:s29] =	ssyncset.done $0x0  }
0x6e: {  	s31 =	simm.s32 $0x2780;
	[sflag:s29] =	ssyncadd.s32 $0xFFFFE000  }
0x6f: {  	[tilespmem:s23], [sflag:$0x2] =	stream.indirect.gather [spmem:s2], $0x40, s31, s21, $0xb8;
	[tilespmem:$0x1F000] =	vst v63  }
0x70: {  	_ =	swait.ge [sflag:s17], $0x2000  }
0x71: {  	[sflag:s17] =	ssyncset.done $0x0  }
0x72: {  	s1 =	simm.s32 $0x4F00;
	[sflag:s17] =	ssyncadd.s32 $0xFFFFE000  }
0x73: {  	[spmem:s3] =	stream.indirect.scatter.add.f32 [tilespmem:s22], [sflag:$0x4], $0x40, s1, s21, $0xb8;
	[tilespmem:$0x1F000] =	vst v63  }
0x74: {  	_ =	swait.ge [sflag:s18], $0x2000  }
0x75: {  	[sflag:s18] =	ssyncset.done $0x0  }
0x76: {  	[sflag:s18] =	ssyncadd.s32 $0xFFFFE000  }
0x77: {  	[spmem:s3] =	stream.indirect.scatter.add.f32 [tilespmem:s23], [sflag:$0x5], $0x40, s24, s21, $0xb8;
	[tilespmem:$0x1F000] =	vst v63  }
0x78: {  	_ =	swait.ge [sflag:s30], $0x2000  }
0x79: {  	[sflag:s30] =	ssyncset.done $0x0  }
0x7a: {  	[sflag:s30] =	ssyncadd.s32 $0xFFFFE000  }
0x7b: {  	_ =	swait.ge [sflag:s20], $0x2000  }
0x7c: {  	[sflag:s20] =	ssyncset.done $0x0  }
0x7d: {  	[sflag:s20] =	ssyncadd.s32 $0xFFFFE000  }
0x7e: {  	_ =	swait.ge [sflag:s29], $0x2000  }
0x7f: {  	s28 =	sadd.s32 $0x1, s28;
	[sflag:s29] =	ssyncset.done $0x0  }
0x80: {  	p0 =	sne.s32 s28, s12;
	[sflag:s29] =	ssyncadd.s32 $0xFFFFE000  }
.Ltmp1:
0x81: {  	s31 =	sor.u32 $0x1C07, s6;
	[bflag:$0x0] =	sbarrier.arrive $0xFFFF;
	(pc) =	sbr.rel @p0 .LBB2_1-.Ltmp1, $4  }
0x82: {  	[hbm:s11], [sflag:s31] =	dma.local [spmem:s15], $0x1388  }
0x83: {  	_ =	swait.ge [sflag:s26], $0x1388  }
0x84: {  	[sflag:s26] =	ssyncset.done $0x0  }
0x85: {  	[sflag:s26] =	ssyncadd.s32 $0xFFFFEC78  }
0x86: {  	_ =	sfence.sel $0x180000  }
0x87: {  	[bflag:$0x0] =	sbarrier.arrive $0xFFFF  }
0x88: {  	_ =	strace $0x9000004A  }
0x89: {  	s0 =	stileid.u32;
	[bflag:$0x2] =	sbarrier.arrive $0xFFFF  }
0x8a: {  	p0 =	sne.s32 s0, $0x0;
	s0 =	rddreg [dreg:$0x3]  }
0x8b: {  	s0 =	sadd.s32 @!p0 $0x100000, s0  }
0x8c: {  	[sflag:s0] =	ssyncadd.tile.s32 @!p0 $0x1;
	_ =	shalt  }
.Lfunc_end2:
_tile_overlayer_lowered:
.L_overlay_start_2:
0x8d: {  	(tag) =	ssettag $0x2  }
0x8e: {  	s0 =	rddreg [dreg:$0x0];
	s2 =	stileid.u32  }
0x8f: {  	s1 =	rddreg [dreg:$0x1];
	p0 =	sne.s32 s2, $0x0  }
0x90: {  	s3 =	rddreg [dreg:$0x2];
	[bflag:$0x3] =	sbarrier.arrive $0xFFFF;
	s2 =	simm.s32 @!p0 $0x1C07  }
0x91: {  	[timem:s3], [sflag:s2] =	dma.local @!p0 [hbm:s0], s1  }
0x92: {  	s0 =	simm.s32 @!p0 $0x7  }
0x93: {  	_ =	swait.ge @!p0 [sflag:s0], s1  }
0x94: {  	s1 =	ssub.s32 @!p0 $0x0, s1;
	[sflag:s0] =	ssyncset.done @!p0 $0x0  }
0x95: {  	[sflag:s0] =	ssyncadd.s32 @!p0 s1  }
0x96: {  	[bflag:$0x3] =	sbarrier.arrive $0xFFFF  }
0x97: {  	_ =	shalt  }

// kernel: kernel.16.cloned.1.call-start
scs
__scs_entry_jumppad:
0x0: {  	(pc) =	sbr.rel $0x88, $3  }
0x1: {  	(tag) =	ssettag $0x0;
	lr =	simm.s32 $0x1  }
0x2: {  	[smem:$0x3F94] =	sst lr;
	_ =	strace $0xD0000000  }
0x3: {  	_ = 	snop  }
0x4: {  	_ = 	snop  }
0x5: {  	_ = 	snop  }
0x6: {  	_ = 	snop  }
0x7: {  	_ = 	snop  }
__scs_overlays_trampoline_lowered:
0x8: {  	[smem:$0x3FA3] =	sst s0  }
0x9: {  	[smem:$0x3FA4] =	sst s1  }
0xa: {  	[smem:$0x3FA5] =	sst s2  }
0xb: {  	[smem:$0x3FA6] =	sst s3  }
0xc: {  	[smem:$0x3FA7] =	sst s4  }
0xd: {  	[smem:$0x3FA8] =	sst s5  }
0xe: {  	[smem:$0x3FA9] =	sst s6  }
0xf: {  	[smem:$0x3FAA] =	sst s7  }
0x10: {  	[smem:$0x3FAB] =	sst s8  }
0x11: {  	[smem:$0x3FAC] =	sst s9;
	s0 =	simm.s32 @!p0 $0x0  }
0x12: {  	s1 =	sld [smem:$0x3F92];
	s0 =	simm.s32 @p0 $0x1  }
0x13: {  	[smem:$0x3FAD] =	sst s0;
	s0 =	simm.s32 @!p1 $0x0  }
0x14: {  	s2 =	sld [smem:$0x3F91];
	s0 =	simm.s32 @p1 $0x1  }
0x15: {  	[smem:$0x3FAE] =	sst s0;
	s0 =	simm.s32 @!p2 $0x0  }
0x16: {  	s3 =	sld [smem:$0x3FDB];
	s0 =	simm.s32 @p2 $0x1  }
0x17: {  	s4 =	simm.s32 $0x1BF5;
	[smem:$0x3FB0] =	sst s0  }
0x18: {  	s0 =	sld [smem:$0x3F93];
	_ =	swait.ge [sflag:s4], $0x0  }
0x19: {  	s7 =	sld [smem:$0x3F94]  }
0x1a: {  	s8 =	sadd.s32 $0xFFFFE003, lr  }
0x1b: {  	s9 =	sadd.s32 $0xFFFFFEF7, lr;
	s5 =	simm.s32 $0xFFFFFFFF;
	p2 =	slt.u32 s8, $0xFFFFF086  }
0x1c: {  	p1 =	slt.u32 s9, $0xF7A;
	s5 =	simm.s32 @!p2 $0x0  }
0x1d: {  	s5 =	simm.s32 @p1 $0x1;
	p0 =	seq.s32 s7, s2  }
0x1e: {  	s7 =	smul.u32 @!p0 $0xF7A, s2;
	p2 =	seq.s32 @!p0 s5, $0x0  }
0x1f: {  	s9 =	smul.u32 $0xF7A, s1;
	s8 =	simm.s32 @!p0 $0x1BF5;
	p2 =	por !p2, p0  }
0x20: {  	[sflag:s8] =	ssyncset.s32 @!p0 $0xFFFFF086;
	s6 =	sadd.s32 @!p0 s3, s7;
	s7 =	simm.s32 @!p0 $0x108  }
0x21: {  	s3 =	sadd.s32 s3, s9;
	s6 =	sadd.s32 @!p0 $0x88, s6;
	s7 =	simm.s32 @p2 $0x1082  }
0x22: {  	[simem:s7], [sflag:s8] =	dma.local @!p0 [hbm:s6], $0xF7A  }
0x23: {  	s9 =	sor.u32 $0xD0000000, s2;
	s6 =	simm.s32 $0x108;
	_ =	swait.ge @!p0 [sflag:s8], $0x0  }
0x24: {  	s3 =	sadd.s32 $0x88, s3;
	s6 =	simm.s32 @!p1 $0x1082;
	[sflag:s4] =	ssyncset.s32 $0xFFFFF086  }
0x25: {  	[simem:s6], [sflag:s4] =	dma.local [hbm:s3], $0xF7A  }
0x26: {  	[smem:$0x3F94] =	sst s1;
	(tag) =	ssettag s2;
	_ =	strace s9  }
0x27: {  	s1 =	sld [smem:$0x3FA4]  }
0x28: {  	s2 =	sld [smem:$0x3FA5]  }
0x29: {  	s4 =	sld [smem:$0x3FA7]  }
0x2a: {  	p0 =	seq.s32 s5, $0x0;
	s5 =	sld [smem:$0x3FA8]  }
0x2b: {  	s6 =	sld [smem:$0x3FA9]  }
0x2c: {  	s7 =	sld [smem:$0x3FAA]  }
0x2d: {  	s3 =	simm.s32 $0x108;
	s8 =	sld [smem:$0x3FAB]  }
0x2e: {  	s3 =	simm.s32 @!p0 $0x1082;
	s9 =	sld [smem:$0x3FAC]  }
0x2f: {  	lr =	sadd.s32 s0, s3;
	s0 =	sld [smem:$0x3FA3]  }
0x30: {  	s3 =	sld [smem:$0x3FA6]  }
0x31: {  	[smem:$0x3FAF] =	sst s10  }
0x32: {  	s10 =	sld [smem:$0x3FAD];
	_ =	sdelay $0x3  }
0x33: {  	p0 =	seq.s32 s10, $0x1;
	s10 =	sld [smem:$0x3FAF];
	_ =	sdelay $0x3  }
0x34: {  	[smem:$0x3FAF] =	sst s10  }
0x35: {  	s10 =	sld [smem:$0x3FAE];
	_ =	sdelay $0x3  }
0x36: {  	p1 =	seq.s32 s10, $0x1;
	s10 =	sld [smem:$0x3FAF];
	_ =	sdelay $0x3  }
0x37: {  	[smem:$0x3FAF] =	sst s10  }
0x38: {  	s10 =	sld [smem:$0x3FB0]  }
0x39: {  	_ = 	snop;
	(pc) =	sbr.ind lr, $3  }
0x3a: {  	_ = 	snop  }
0x3b: {  	_ = 	snop  }
0x3c: {  	p2 =	seq.s32 s10, $0x1;
	s10 =	sld [smem:$0x3FAF]  }
0x3d: {  	_ =	shalt  }
0x3e: {  	_ =	shalt  }
0x3f: {  	_ =	shalt  }
0x40: {  	_ =	shalt  }
0x41: {  	_ =	shalt  }
0x42: {  	_ =	shalt  }
0x43: {  	_ =	shalt  }
0x44: {  	_ =	shalt  }
0x45: {  	_ =	shalt  }
0x46: {  	_ =	shalt  }
0x47: {  	_ =	shalt  }
0x48: {  	_ =	shalt  }
0x49: {  	_ =	shalt  }
0x4a: {  	_ =	shalt  }
0x4b: {  	_ =	shalt  }
0x4c: {  	_ =	shalt  }
0x4d: {  	_ =	shalt  }
0x4e: {  	_ =	shalt  }
0x4f: {  	_ =	shalt  }
0x50: {  	_ =	shalt  }
0x51: {  	_ =	shalt  }
0x52: {  	_ =	shalt  }
0x53: {  	_ =	shalt  }
0x54: {  	_ =	shalt  }
0x55: {  	_ =	shalt  }
0x56: {  	_ =	shalt  }
0x57: {  	_ =	shalt  }
0x58: {  	_ =	shalt  }
0x59: {  	_ =	shalt  }
0x5a: {  	_ =	shalt  }
0x5b: {  	_ =	shalt  }
0x5c: {  	_ =	shalt  }
0x5d: {  	_ =	shalt  }
0x5e: {  	_ =	shalt  }
0x5f: {  	_ =	shalt  }
0x60: {  	_ =	shalt  }
0x61: {  	_ =	shalt  }
0x62: {  	_ =	shalt  }
0x63: {  	_ =	shalt  }
0x64: {  	_ =	shalt  }
0x65: {  	_ =	shalt  }
0x66: {  	_ =	shalt  }
0x67: {  	_ =	shalt  }
0x68: {  	_ =	shalt  }
0x69: {  	_ =	shalt  }
0x6a: {  	_ =	shalt  }
0x6b: {  	_ =	shalt  }
0x6c: {  	_ =	shalt  }
0x6d: {  	_ =	shalt  }
0x6e: {  	_ =	shalt  }
0x6f: {  	_ =	shalt  }
0x70: {  	_ =	shalt  }
0x71: {  	_ =	shalt  }
0x72: {  	_ =	shalt  }
0x73: {  	_ =	shalt  }
0x74: {  	_ =	shalt  }
0x75: {  	_ =	shalt  }
0x76: {  	_ =	shalt  }
0x77: {  	_ =	shalt  }
0x78: {  	_ =	shalt  }
0x79: {  	_ =	shalt  }
0x7a: {  	_ =	shalt  }
0x7b: {  	_ =	shalt  }
0x7c: {  	_ =	shalt  }
0x7d: {  	_ =	shalt  }
0x7e: {  	_ =	shalt  }
0x7f: {  	_ =	shalt  }
0x80: {  	_ =	shalt  }
0x81: {  	_ =	shalt  }
0x82: {  	_ =	shalt  }
0x83: {  	_ =	shalt  }
0x84: {  	_ =	shalt  }
0x85: {  	_ =	shalt  }
0x86: {  	_ =	shalt  }
0x87: {  	_ =	shalt  }
.Lfunc_end0:
.L_simem_size_0:
called_computation.2_lowered:
.L_overlay_start_0:
0x88: {  	s2 =	sld [smem:$0x3FD9]  }
0x89: {  	s3 =	sld [smem:$0x3FFE];
	_ =	sdelay $0x1  }
0x8a: {  	s1 =	srdreg.scid  }
0x8b: {  	s0 =	sand.u32 $0x1, s1  }
0x8c: {  	s16 =	sshll.u32 s0, $0xA;
	s2 =	sadd.s32 s3, s2  }
0x8d: {  	s2 =	sadd.s32 s2, s16  }
0x8e: {  	[smem:$0x3FBB] =	sst s2  }
0x8f: {  	_ = 	snop  }
0x90: {  	(tm) =	ssettm $0x1  }
0x91: {  	s17 =	sld [smem:$0x3FFB];
	_ =	sdelay $0x3  }
0x92: {  	_ =	strace s17  }
0x93: {  	s2 =	sld [smem:$0x3FFC];
	_ =	sdelay $0x3  }
0x94: {  	_ =	strace s2  }
0x95: {  	s2 =	sld [smem:$0x3FFD];
	_ =	sdelay $0x3  }
0x96: {  	_ =	strace s2  }
0x97: {  	_ =	strace $0x8FFFFFFF  }
0x98: {  	s18 =	sld [smem:$0x3FDB];
	_ =	sdelay $0x1  }
0x99: {  	s19 =	simm.s32 $_scs_section_size  }
0x9a: {  	s4 =	simm.s32 $_size__tile_overlayer_lowered;
	s5 =	simm.s32 $_tile_overlayer_lowered  }
0x9b: {  	s22 =	simm.s32 $0x1BFF;
	s21 =	sshll.u32 s5, $0x1;
	s2 =	sadd.s32 s19, s18  }
0x9c: {  	s6 =	simm.s32 $0x0;
	s20 =	sshll.u32 s4, $0x1;
	s4 =	sadd.s32 s21, s2  }
0x9d: {  	[timem:s6], [sflag:s22] =	dma.local [hbm:s4], s20  }
0x9e: {  	_ =	swait.ge [sflag:s22], s20  }
0x9f: {  	s3 =	ssub.s32 $0x0, s20;
	[sflag:s22] =	ssyncset.done $0x0  }
0xa0: {  	[sflag:s22] =	ssyncadd.s32 s3;
	_ =	sdelay $0x1  }
0xa1: {  	s23 =	simm.s32 $0x1B8B  }
0xa2: {  	_ =	swait.ge [sflag:s23], $0x1  }
0xa3: {  	[sflag:s23] =	ssyncset.done $0x0  }
0xa4: {  	s25 =	simm.s32 $0x1B8E;
	s24 =	sld [smem:$0x3FFE];
	[sflag:s23] =	ssyncadd.s32 $0xFFFFFFFF  }
0xa5: {  	s26 =	simm.s32 $execute0_lowered;
	[smem:$0x3FD2] =	sst s25  }
0xa6: {  	s4 =	sshll.u32 s26, $0x1;
	_ =	strace $0x8000004C;
	[dreg:$0x1] =	wrdreg $0xFFFFFFFF  }
0xa7: {  	s28 =	simm.s32 $_size_execute0_lowered;
	s2 =	sadd.s32 s2, s4;
	[dreg:$0x0] =	wrdreg $0x0  }
0xa8: {  	s4 =	sshll.u32 s28, $0x1;
	[dreg:$0x2] =	wrdreg s2  }
0xa9: {  	[dreg:$0x3] =	wrdreg s4  }
0xaa: {  	[dreg:$0x4] =	wrdreg $0xC0  }
0xab: {  	_ =	task [dreg:s6], $0x5FFFF  }
0xac: {  	[dreg:$0x1] =	wrdreg $0xFFFFFFFF  }
0xad: {  	[dreg:$0x0] =	wrdreg $0x60  }
0xae: {  	[dreg:$0x2] =	wrdreg s24  }
0xaf: {  	[dreg:$0x3] =	wrdreg $0x150000  }
0xb0: {  	[dreg:$0x4] =	wrdreg $0xB0000  }
0xb1: {  	[dreg:$0x5] =	wrdreg $0x9  }
0xb2: {  	_ =	task.clear_ibuf [dreg:s6], $0x6FFFF;
	_ =	strace $0x9000004C  }
0xb3: {  	s29 =	simm.s32 $0x9;
	_ =	strace $0x8000004E  }
0xb4: {  	_ =	swait.ge [sflag:s29], $0x1  }
0xb5: {  	[sflag:s29] =	ssyncadd.s32 $0xFFFFFFFF  }
0xb6: {  	_ =	strace $0x9000004E  }
0xb7: {  	_ =	sfence  }
0xb8: {  	s30 =	sld [smem:$0x0];
	_ =	sdelay $0x2  }
0xb9: {  	s31 =	sshll.u32 s1, $0xD;
	s1 =	sshrl.u32 s1, $0x2  }
0xba: {  	s3 =	sand.u32 $0x4000, s31;
	s1 =	sadd.s32 s1, s30  }
0xbb: {  	s0 =	sor.u32 s3, s0;
	s1 =	sshll.u32 s1, $0x11  }
0xbc: {  	s0 =	sor.u32 s1, s0  }
0xbd: {  	s0 =	sadd.s32 $0x8F2B, s0  }
0xbe: {  	[sflag:s0] =	ssyncadd.remote.s32 $0x1  }
0xbf: {  	_ =	sfence.sel $0xFFFF  }
0xc0: {  	[dreg:$0x0] =	wrdreg $0xFFFFFFFF;
	(pc) =	sbr.abs _section_cstart, $3  }
0xc1: {  	[dreg:$0x1] =	wrdreg $0xFFFFFFFF  }
0xc2: {  	_ =	task.clear_ibuf [dreg:s6], $0x2FFFF;
	_ =	strace $0x9FFFFFFF  }
0xc3: {  	(tm) =	ssettm $0x7FFFFFFF  }
tec
execute0_lowered:
.L_overlay_start_1:
0x0: {  	(tag) =	ssettag $0x1  }
0x1: {  	s0 =	rddreg [dreg:$0x0]  }
0x2: {  	s12 =	stileid.u32;
	s2 =	rddreg [dreg:$0x1]  }
0x3: {  	s1 =	srdreg.scid;
	s3 =	rddreg [dreg:$0x2];
	s4 =	simm.s32 $0x0  }
0x4: {  	s16 =	simm.s32 $0x2800;
	s17 =	simm.s32 $0x1;
	s18 =	simm.s32 $0x2  }
0x5: {  	s19 =	simm.s32 $0x3;
	s20 =	simm.s32 $0x4;
	s6 =	smul.u32 $0xA000, s12  }
0x6: {  	s21 =	simm.s32 $0x80;
	s22 =	simm.s32 $0x5000;
	s7 =	smul.u32 $0x2800, s12  }
0x7: {  	s23 =	simm.s32 $0x7000;
	s29 =	simm.s32 $0x5;
	s25 =	smul.u32 $0x9C40, s12  }
0x8: {  	s30 =	simm.s32 $0x6;
	s1 =	sand.u32 $0x1, s1;
	s11 =	smul.u32 $0x27100, s12  }
0x9: {  	s24 =	simm.s32 $0x4F80;
	s28 =	simm.s32 $0x0;
	s5 =	smul.u32 $0x28000, s1  }
0xa: {  	[smem:$0x7FF] =	sst s4;
	s8 =	smul.u32 $0x9C400, s1;
	s1 =	ssub.s32 $0x2, s1  }
0xb: {  	_ =	strace $0x8000004D;
	s9 =	sshrl.u32 s6, $0x3;
	s31 =	sshrl.u32 s1, $0x1  }
0xc: {  	s13 =	sadd.s32 s6, s2;
	s6 =	sshll.u32 s12, $0x6;
	s11 =	sshrl.u32 s11, $0x2  }
0xd: {  	s5 =	sadd.s32 s7, s5;
	s9 =	sadd.s32 s9, s0;
	s26 =	sadd.s32 s25, s8  }
0xe: {  	s1 =	ssub.s32 s1, s31;
	s8 =	sor.u32 $0x1C01, s6;
	s15 =	sadd.s32 s11, s3  }
0xf: {  	s13 =	sshrl.u32 s13, $0x3;
	s14 =	sor.u32 $0x1C02, s6;
	s25 =	simm.s32 $0x9000  }
0x10: {  	s5 =	sshrl.u32 s5, $0x3;
	s7 =	sshrl.u32 s26, $0x3;
	s12 =	smax.u32 s1, $0x1  }
0x11: {  	s15 =	sshrl.u32 s15, $0x3;
	s26 =	simm.s32 $0x7;
	s10 =	sadd.s32 s5, s0  }
0x12: {  	s5 =	sadd.s32 $0xC800, s0;
	s0 =	sadd.s32 s7, s0;
	s7 =	sadd.s32 $0x20C00, s9  }
0x13: {  	s9 =	sadd.s32 $0x16C00, s10;
	s10 =	sadd.s32 $0x2800, s10;
	s11 =	sadd.s32 $0x34C00, s0  }
.LBB2_1:
0x14: {  	[spmem:s13], [sflag:s8] =	dma.local [hbm:s7], $0x1400  }
0x15: {  	[spmem:s15], [sflag:s14] =	dma.local [hbm:s5], $0x1388  }
0x16: {  	[tilespmem:s4], [sflag:$0x3] =	stream.linear.gather [hbm4b:s9+s4], $0x2800, $0x38;
	[tilespmem:$0x1F000] =	vst v63  }
0x17: {  	_ = 	snop  }
0x18: {  	[tilespmem:s16], [sflag:$0x4] =	stream.linear.gather [hbm4b:s10+s4], $0x2800, $0x38;
	[tilespmem:$0x1F000] =	vst v63  }
0x19: {  	_ =	swait.ge [sflag:s17], $0x1400  }
0x1a: {  	[sflag:s17] =	ssyncset.done $0x0  }
0x1b: {  	[sflag:s17] =	ssyncadd.s32 $0xFFFFEC00  }
0x1c: {  	_ =	swait.ge [sflag:s18], $0x1388  }
0x1d: {  	[sflag:s18] =	ssyncset.done $0x0  }
0x1e: {  	[sflag:s18] =	ssyncadd.s32 $0xFFFFEC78  }
0x1f: {  	_ =	swait.ge [sflag:s19], $0x2800  }
0x20: {  	[sflag:s19] =	ssyncset.done $0x0  }
0x21: {  	[sflag:s19] =	ssyncadd.s32 $0xFFFFD800  }
0x22: {  	_ =	swait.ge [sflag:s20], $0x2800  }
0x23: {  	[sflag:s20] =	ssyncset.done $0x0  }
0x24: {  	[sflag:s20] =	ssyncadd.s32 $0xFFFFD800  }
0x25: {  	[bflag:$0x0] =	sbarrier.arrive $0xFFFF  }
0x26: {  	[tilespmem:s22], [sflag:$0x1] =	stream.indirect.gather [spmem:s2], $0x40, s4, s21, $0xb8;
	[tilespmem:$0x1F000] =	vst v63  }
0x27: {  	_ = 	snop  }
0x28: {  	[tilespmem:s23], [sflag:$0x2] =	stream.indirect.gather [spmem:s2], $0x40, s21, s21, $0xb8;
	[tilespmem:$0x1F000] =	vst v63  }
0x29: {  	_ =	swait.ge [sflag:s17], $0x2000  }
0x2a: {  	[sflag:s17] =	ssyncset.done $0x0  }
0x2b: {  	[sflag:s17] =	ssyncadd.s32 $0xFFFFE000  }
0x2c: {  	[spmem:s3] =	stream.indirect.scatter.add.f32 [tilespmem:s22], [sflag:$0x4], $0x40, s16, s21, $0xb8;
	[tilespmem:$0x1F000] =	vst v63  }
0x2d: {  	s0 =	simm.s32 $0x100  }
0x2e: {  	[tilespmem:s25], [sflag:$0x3] =	stream.indirect.gather [spmem:s2], $0x40, s0, s21, $0xb8;
	[tilespmem:$0x1F000] =	vst v63  }
0x2f: {  	_ =	swait.ge [sflag:s18], $0x2000  }
0x30: {  	[sflag:s18] =	ssyncset.done $0x0  }
0x31: {  	s1 =	simm.s32 $0x2880;
	[sflag:s18] =	ssyncadd.s32 $0xFFFFE000  }
0x32: {  	[spmem:s3] =	stream.indirect.scatter.add.f32 [tilespmem:s23], [sflag:$0x5], $0x40, s1, s21, $0xb8;
	[tilespmem:$0x1F000] =	vst v63  }
0x33: {  	_ =	swait.ge [sflag:s20], $0x2000  }
0x34: {  	[sflag:s20] =	ssyncset.done $0x0  }
0x35: {  	s1 =	simm.s32 $0x180;
	[sflag:s20] =	ssyncadd.s32 $0xFFFFE000  }
0x36: {  	[tilespmem:s22], [sflag:$0x1] =	stream.indirect.gather [spmem:s2], $0x40, s1, s21, $0xb8;
	[tilespmem:$0x1F000] =	vst v63  }
0x37: {  	_ =	swait.ge [sflag:s19], $0x2000  }
0x38: {  	[sflag:s19] =	ssyncset.done $0x0  }
0x39: {  	s1 =	simm.s32 $0x2900;
	[sflag:s19] =	ssyncadd.s32 $0xFFFFE000  }
0x3a: {  	[spmem:s3] =	stream.indirect.scatter.add.f32 [tilespmem:s25], [sflag:$0x6], $0x40, s1, s21, $0xb8;
	[tilespmem:$0x1F000] =	vst v63  }
0x3b: {  	_ =	swait.ge [sflag:s29], $0x2000  }
0x3c: {  	[sflag:s29] =	ssyncset.done $0x0  }
0x3d: {  	s0 =	simm.s32 $0x200;
	[sflag:s29] =	ssyncadd.s32 $0xFFFFE000  }
0x3e: {  	[tilespmem:s23], [sflag:$0x2] =	stream.indirect.gather [spmem:s2], $0x40, s0, s21, $0xb8;
	[tilespmem:$0x1F000] =	vst v63  }
0x3f: {  	_ =	swait.ge [sflag:s17], $0x2000  }
0x40: {  	[sflag:s17] =	ssyncset.done $0x0  }
0x41: {  	s0 =	simm.s32 $0x2980;
	[sflag:s17] =	ssyncadd.s32 $0xFFFFE000  }
0x42: {  	[spmem:s3] =	stream.indirect.scatter.add.f32 [tilespmem:s22], [sflag:$0x4], $0x40, s0, s21, $0xb8;
	[tilespmem:$0x1F000] =	vst v63  }
0x43: {  	_ =	swait.ge [sflag:s30], $0x2000  }
0x44: {  	[sflag:s30] =	ssyncset.done $0x0  }
0x45: {  	s0 =	simm.s32 $0x280;
	[sflag:s30] =	ssyncadd.s32 $0xFFFFE000  }
0x46: {  	[tilespmem:s25], [sflag:$0x3] =	stream.indirect.gather [spmem:s2], $0x40, s0, s21, $0xb8;
	[tilespmem:$0x1F000] =	vst v63  }
0x47: {  	_ =	swait.ge [sflag:s18], $0x2000  }
0x48: {  	[sflag:s18] =	ssyncset.done $0x0  }
0x49: {  	s0 =	simm.s32 $0x2A00;
	[sflag:s18] =	ssyncadd.s32 $0xFFFFE000  }
0x4a: {  	[spmem:s3] =	stream.indirect.scatter.add.f32 [tilespmem:s23], [sflag:$0x5], $0x40, s0, s21, $0xb8;
	[tilespmem:$0x1F000] =	vst v63  }
0x4b: {  	_ =	swait.ge [sflag:s20], $0x2000  }
0x4c: {  	[sflag:s20] =	ssyncset.done $0x0  }
0x4d: {  	s31 =	simm.s32 $0x600;
	s1 =	simm.s32 $0x300;
	[sflag:s20] =	ssyncadd.s32 $0xFFFFE000  }
.LBB2_2:
0x4e: {  	[tilespmem:s22], [sflag:$0x1] =	stream.indirect.gather [spmem:s2], $0x40, s1, s21, $0xb8;
	[tilespmem:$0x1F000] =	vst v63  }
0x4f: {  	s1 =	smov.u32 s31  }
0x50: {  	p0 =	sne.s32 s31, $0x9000;
	s31 =	sadd.s32 $0x600, s31;
	_ =	swait.ge [sflag:s19], $0x2000  }
0x51: {  	s1 =	sshra.s32 s1, $0x2;
	[sflag:s19] =	ssyncset.done $0x0  }
0x52: {  	s0 =	sadd.s32 $0x2900, s1;
	[sflag:s19] =	ssyncadd.s32 $0xFFFFE000  }
0x53: {  	[spmem:s3] =	stream.indirect.scatter.add.f32 [tilespmem:s25], [sflag:$0x6], $0x40, s0, s21, $0xb8;
	[tilespmem:$0x1F000] =	vst v63  }
0x54: {  	_ =	swait.ge [sflag:s29], $0x2000  }
0x55: {  	[sflag:s29] =	ssyncset.done $0x0  }
0x56: {  	s0 =	sadd.s32 $0x200, s1;
	[sflag:s29] =	ssyncadd.s32 $0xFFFFE000  }
0x57: {  	[tilespmem:s23], [sflag:$0x2] =	stream.indirect.gather [spmem:s2], $0x40, s0, s21, $0xb8;
	[tilespmem:$0x1F000] =	vst v63  }
0x58: {  	_ =	swait.ge [sflag:s17], $0x2000  }
0x59: {  	[sflag:s17] =	ssyncset.done $0x0  }
0x5a: {  	s0 =	sadd.s32 $0x2980, s1;
	[sflag:s17] =	ssyncadd.s32 $0xFFFFE000  }
0x5b: {  	[spmem:s3] =	stream.indirect.scatter.add.f32 [tilespmem:s22], [sflag:$0x4], $0x40, s0, s21, $0xb8;
	[tilespmem:$0x1F000] =	vst v63  }
0x5c: {  	_ =	swait.ge [sflag:s30], $0x2000  }
0x5d: {  	[sflag:s30] =	ssyncset.done $0x0  }
0x5e: {  	s0 =	sadd.s32 $0x280, s1;
	[sflag:s30] =	ssyncadd.s32 $0xFFFFE000  }
0x5f: {  	[tilespmem:s25], [sflag:$0x3] =	stream.indirect.gather [spmem:s2], $0x40, s0, s21, $0xb8;
	[tilespmem:$0x1F000] =	vst v63  }
0x60: {  	_ =	swait.ge [sflag:s18], $0x2000  }
0x61: {  	[sflag:s18] =	ssyncset.done $0x0  }
.Ltmp0:
0x62: {  	s0 =	sadd.s32 $0x2A00, s1;
	[sflag:s18] =	ssyncadd.s32 $0xFFFFE000;
	(pc) =	sbr.rel @p0 .LBB2_2-.Ltmp0, $4  }
0x63: {  	[spmem:s3] =	stream.indirect.scatter.add.f32 [tilespmem:s23], [sflag:$0x5], $0x40, s0, s21, $0xb8;
	[tilespmem:$0x1F000] =	vst v63  }
0x64: {  	_ =	swait.ge [sflag:s20], $0x2000  }
0x65: {  	[sflag:s20] =	ssyncset.done $0x0  }
0x66: {  	s1 =	sadd.s32 $0x300, s1;
	[sflag:s20] =	ssyncadd.s32 $0xFFFFE000  }
0x67: {  	[tilespmem:s22], [sflag:$0x1] =	stream.indirect.gather [spmem:s2], $0x40, s1, s21, $0xb8;
	[tilespmem:$0x1F000] =	vst v63  }
0x68: {  	_ =	swait.ge [sflag:s19], $0x2000  }
0x69: {  	[sflag:s19] =	ssyncset.done $0x0  }
0x6a: {  	s0 =	simm.s32 $0x4E80;
	[sflag:s19] =	ssyncadd.s32 $0xFFFFE000  }
0x6b: {  	[spmem:s3] =	stream.indirect.scatter.add.f32 [tilespmem:s25], [sflag:$0x6], $0x40, s0, s21, $0xb8;
	[tilespmem:$0x1F000] =	vst v63  }
0x6c: {  	_ =	swait.ge [sflag:s29], $0x2000  }
0x6d: {  	[sflag:s29] =	ssyncset.done $0x0  }
0x6e: {  	s31 =	simm.s32 $0x2780;
	[sflag:s29] =	ssyncadd.s32 $0xFFFFE000  }
0x6f: {  	[tilespmem:s23], [sflag:$0x2] =	stream.indirect.gather [spmem:s2], $0x40, s31, s21, $0xb8;
	[tilespmem:$0x1F000] =	vst v63  }
0x70: {  	_ =	swait.ge [sflag:s17], $0x2000  }
0x71: {  	[sflag:s17] =	ssyncset.done $0x0  }
0x72: {  	s1 =	simm.s32 $0x4F00;
	[sflag:s17] =	ssyncadd.s32 $0xFFFFE000  }
0x73: {  	[spmem:s3] =	stream.indirect.scatter.add.f32 [tilespmem:s22], [sflag:$0x4], $0x40, s1, s21, $0xb8;
	[tilespmem:$0x1F000] =	vst v63  }
0x74: {  	_ =	swait.ge [sflag:s18], $0x2000  }
0x75: {  	[sflag:s18] =	ssyncset.done $0x0  }
0x76: {  	[sflag:s18] =	ssyncadd.s32 $0xFFFFE000  }
0x77: {  	[spmem:s3] =	stream.indirect.scatter.add.f32 [tilespmem:s23], [sflag:$0x5], $0x40, s24, s21, $0xb8;
	[tilespmem:$0x1F000] =	vst v63  }
0x78: {  	_ =	swait.ge [sflag:s30], $0x2000  }
0x79: {  	[sflag:s30] =	ssyncset.done $0x0  }
0x7a: {  	[sflag:s30] =	ssyncadd.s32 $0xFFFFE000  }
0x7b: {  	_ =	swait.ge [sflag:s20], $0x2000  }
0x7c: {  	[sflag:s20] =	ssyncset.done $0x0  }
0x7d: {  	[sflag:s20] =	ssyncadd.s32 $0xFFFFE000  }
0x7e: {  	_ =	swait.ge [sflag:s29], $0x2000  }
0x7f: {  	s28 =	sadd.s32 $0x1, s28;
	[sflag:s29] =	ssyncset.done $0x0  }
0x80: {  	p0 =	sne.s32 s28, s12;
	[sflag:s29] =	ssyncadd.s32 $0xFFFFE000  }
.Ltmp1:
0x81: {  	s31 =	sor.u32 $0x1C07, s6;
	[bflag:$0x0] =	sbarrier.arrive $0xFFFF;
	(pc) =	sbr.rel @p0 .LBB2_1-.Ltmp1, $4  }
0x82: {  	[hbm:s11], [sflag:s31] =	dma.local [spmem:s15], $0x1388  }
0x83: {  	_ =	swait.ge [sflag:s26], $0x1388  }
0x84: {  	[sflag:s26] =	ssyncset.done $0x0  }
0x85: {  	[sflag:s26] =	ssyncadd.s32 $0xFFFFEC78  }
0x86: {  	_ =	sfence.sel $0x180000  }
0x87: {  	[bflag:$0x0] =	sbarrier.arrive $0xFFFF  }
0x88: {  	_ =	strace $0x9000004D  }
0x89: {  	s0 =	stileid.u32;
	[bflag:$0x2] =	sbarrier.arrive $0xFFFF  }
0x8a: {  	p0 =	sne.s32 s0, $0x0;
	s0 =	rddreg [dreg:$0x3]  }
0x8b: {  	s0 =	sadd.s32 @!p0 $0x100000, s0  }
0x8c: {  	[sflag:s0] =	ssyncadd.tile.s32 @!p0 $0x1;
	_ =	shalt  }
.Lfunc_end2:
_tile_overlayer_lowered:
.L_overlay_start_2:
0x8d: {  	(tag) =	ssettag $0x2  }
0x8e: {  	s0 =	rddreg [dreg:$0x0];
	s2 =	stileid.u32  }
0x8f: {  	s1 =	rddreg [dreg:$0x1];
	p0 =	sne.s32 s2, $0x0  }
0x90: {  	s3 =	rddreg [dreg:$0x2];
	[bflag:$0x3] =	sbarrier.arrive $0xFFFF;
	s2 =	simm.s32 @!p0 $0x1C07  }
0x91: {  	[timem:s3], [sflag:s2] =	dma.local @!p0 [hbm:s0], s1  }
0x92: {  	s0 =	simm.s32 @!p0 $0x7  }
0x93: {  	_ =	swait.ge @!p0 [sflag:s0], s1  }
0x94: {  	s1 =	ssub.s32 @!p0 $0x0, s1;
	[sflag:s0] =	ssyncset.done @!p0 $0x0  }
0x95: {  	[sflag:s0] =	ssyncadd.s32 @!p0 s1  }
0x96: {  	[bflag:$0x3] =	sbarrier.arrive $0xFFFF  }
0x97: {  	_ =	shalt  }

// kernel: kernel.19.cloned.1.call-start
scs
__scs_entry_jumppad:
0x0: {  	(pc) =	sbr.rel $0x88, $3  }
0x1: {  	(tag) =	ssettag $0x0;
	lr =	simm.s32 $0x1  }
0x2: {  	[smem:$0x3F94] =	sst lr;
	_ =	strace $0xD0000000  }
0x3: {  	_ = 	snop  }
0x4: {  	_ = 	snop  }
0x5: {  	_ = 	snop  }
0x6: {  	_ = 	snop  }
0x7: {  	_ = 	snop  }
__scs_overlays_trampoline_lowered:
0x8: {  	[smem:$0x3FA3] =	sst s0  }
0x9: {  	[smem:$0x3FA4] =	sst s1  }
0xa: {  	[smem:$0x3FA5] =	sst s2  }
0xb: {  	[smem:$0x3FA6] =	sst s3  }
0xc: {  	[smem:$0x3FA7] =	sst s4  }
0xd: {  	[smem:$0x3FA8] =	sst s5  }
0xe: {  	[smem:$0x3FA9] =	sst s6  }
0xf: {  	[smem:$0x3FAA] =	sst s7  }
0x10: {  	[smem:$0x3FAB] =	sst s8  }
0x11: {  	[smem:$0x3FAC] =	sst s9;
	s0 =	simm.s32 @!p0 $0x0  }
0x12: {  	s1 =	sld [smem:$0x3F92];
	s0 =	simm.s32 @p0 $0x1  }
0x13: {  	[smem:$0x3FAD] =	sst s0;
	s0 =	simm.s32 @!p1 $0x0  }
0x14: {  	s2 =	sld [smem:$0x3F91];
	s0 =	simm.s32 @p1 $0x1  }
0x15: {  	[smem:$0x3FAE] =	sst s0;
	s0 =	simm.s32 @!p2 $0x0  }
0x16: {  	s3 =	sld [smem:$0x3FDB];
	s0 =	simm.s32 @p2 $0x1  }
0x17: {  	s4 =	simm.s32 $0x1BF5;
	[smem:$0x3FB0] =	sst s0  }
0x18: {  	s0 =	sld [smem:$0x3F93];
	_ =	swait.ge [sflag:s4], $0x0  }
0x19: {  	s7 =	sld [smem:$0x3F94]  }
0x1a: {  	s8 =	sadd.s32 $0xFFFFE003, lr  }
0x1b: {  	s9 =	sadd.s32 $0xFFFFFEF7, lr;
	s5 =	simm.s32 $0xFFFFFFFF;
	p2 =	slt.u32 s8, $0xFFFFF086  }
0x1c: {  	p1 =	slt.u32 s9, $0xF7A;
	s5 =	simm.s32 @!p2 $0x0  }
0x1d: {  	s5 =	simm.s32 @p1 $0x1;
	p0 =	seq.s32 s7, s2  }
0x1e: {  	s7 =	smul.u32 @!p0 $0xF7A, s2;
	p2 =	seq.s32 @!p0 s5, $0x0  }
0x1f: {  	s9 =	smul.u32 $0xF7A, s1;
	s8 =	simm.s32 @!p0 $0x1BF5;
	p2 =	por !p2, p0  }
0x20: {  	[sflag:s8] =	ssyncset.s32 @!p0 $0xFFFFF086;
	s6 =	sadd.s32 @!p0 s3, s7;
	s7 =	simm.s32 @!p0 $0x108  }
0x21: {  	s3 =	sadd.s32 s3, s9;
	s6 =	sadd.s32 @!p0 $0x88, s6;
	s7 =	simm.s32 @p2 $0x1082  }
0x22: {  	[simem:s7], [sflag:s8] =	dma.local @!p0 [hbm:s6], $0xF7A  }
0x23: {  	s9 =	sor.u32 $0xD0000000, s2;
	s6 =	simm.s32 $0x108;
	_ =	swait.ge @!p0 [sflag:s8], $0x0  }
0x24: {  	s3 =	sadd.s32 $0x88, s3;
	s6 =	simm.s32 @!p1 $0x1082;
	[sflag:s4] =	ssyncset.s32 $0xFFFFF086  }
0x25: {  	[simem:s6], [sflag:s4] =	dma.local [hbm:s3], $0xF7A  }
0x26: {  	[smem:$0x3F94] =	sst s1;
	(tag) =	ssettag s2;
	_ =	strace s9  }
0x27: {  	s1 =	sld [smem:$0x3FA4]  }
0x28: {  	s2 =	sld [smem:$0x3FA5]  }
0x29: {  	s4 =	sld [smem:$0x3FA7]  }
0x2a: {  	p0 =	seq.s32 s5, $0x0;
	s5 =	sld [smem:$0x3FA8]  }
0x2b: {  	s6 =	sld [smem:$0x3FA9]  }
0x2c: {  	s7 =	sld [smem:$0x3FAA]  }
0x2d: {  	s3 =	simm.s32 $0x108;
	s8 =	sld [smem:$0x3FAB]  }
0x2e: {  	s3 =	simm.s32 @!p0 $0x1082;
	s9 =	sld [smem:$0x3FAC]  }
0x2f: {  	lr =	sadd.s32 s0, s3;
	s0 =	sld [smem:$0x3FA3]  }
0x30: {  	s3 =	sld [smem:$0x3FA6]  }
0x31: {  	[smem:$0x3FAF] =	sst s10  }
0x32: {  	s10 =	sld [smem:$0x3FAD];
	_ =	sdelay $0x3  }
0x33: {  	p0 =	seq.s32 s10, $0x1;
	s10 =	sld [smem:$0x3FAF];
	_ =	sdelay $0x3  }
0x34: {  	[smem:$0x3FAF] =	sst s10  }
0x35: {  	s10 =	sld [smem:$0x3FAE];
	_ =	sdelay $0x3  }
0x36: {  	p1 =	seq.s32 s10, $0x1;
	s10 =	sld [smem:$0x3FAF];
	_ =	sdelay $0x3  }
0x37: {  	[smem:$0x3FAF] =	sst s10  }
0x38: {  	s10 =	sld [smem:$0x3FB0]  }
0x39: {  	_ = 	snop;
	(pc) =	sbr.ind lr, $3  }
0x3a: {  	_ = 	snop  }
0x3b: {  	_ = 	snop  }
0x3c: {  	p2 =	seq.s32 s10, $0x1;
	s10 =	sld [smem:$0x3FAF]  }
0x3d: {  	_ =	shalt  }
0x3e: {  	_ =	shalt  }
0x3f: {  	_ =	shalt  }
0x40: {  	_ =	shalt  }
0x41: {  	_ =	shalt  }
0x42: {  	_ =	shalt  }
0x43: {  	_ =	shalt  }
0x44: {  	_ =	shalt  }
0x45: {  	_ =	shalt  }
0x46: {  	_ =	shalt  }
0x47: {  	_ =	shalt  }
0x48: {  	_ =	shalt  }
0x49: {  	_ =	shalt  }
0x4a: {  	_ =	shalt  }
0x4b: {  	_ =	shalt  }
0x4c: {  	_ =	shalt  }
0x4d: {  	_ =	shalt  }
0x4e: {  	_ =	shalt  }
0x4f: {  	_ =	shalt  }
0x50: {  	_ =	shalt  }
0x51: {  	_ =	shalt  }
0x52: {  	_ =	shalt  }
0x53: {  	_ =	shalt  }
0x54: {  	_ =	shalt  }
0x55: {  	_ =	shalt  }
0x56: {  	_ =	shalt  }
0x57: {  	_ =	shalt  }
0x58: {  	_ =	shalt  }
0x59: {  	_ =	shalt  }
0x5a: {  	_ =	shalt  }
0x5b: {  	_ =	shalt  }
0x5c: {  	_ =	shalt  }
0x5d: {  	_ =	shalt  }
0x5e: {  	_ =	shalt  }
0x5f: {  	_ =	shalt  }
0x60: {  	_ =	shalt  }
0x61: {  	_ =	shalt  }
0x62: {  	_ =	shalt  }
0x63: {  	_ =	shalt  }
0x64: {  	_ =	shalt  }
0x65: {  	_ =	shalt  }
0x66: {  	_ =	shalt  }
0x67: {  	_ =	shalt  }
0x68: {  	_ =	shalt  }
0x69: {  	_ =	shalt  }
0x6a: {  	_ =	shalt  }
0x6b: {  	_ =	shalt  }
0x6c: {  	_ =	shalt  }
0x6d: {  	_ =	shalt  }
0x6e: {  	_ =	shalt  }
0x6f: {  	_ =	shalt  }
0x70: {  	_ =	shalt  }
0x71: {  	_ =	shalt  }
0x72: {  	_ =	shalt  }
0x73: {  	_ =	shalt  }
0x74: {  	_ =	shalt  }
0x75: {  	_ =	shalt  }
0x76: {  	_ =	shalt  }
0x77: {  	_ =	shalt  }
0x78: {  	_ =	shalt  }
0x79: {  	_ =	shalt  }
0x7a: {  	_ =	shalt  }
0x7b: {  	_ =	shalt  }
0x7c: {  	_ =	shalt  }
0x7d: {  	_ =	shalt  }
0x7e: {  	_ =	shalt  }
0x7f: {  	_ =	shalt  }
0x80: {  	_ =	shalt  }
0x81: {  	_ =	shalt  }
0x82: {  	_ =	shalt  }
0x83: {  	_ =	shalt  }
0x84: {  	_ =	shalt  }
0x85: {  	_ =	shalt  }
0x86: {  	_ =	shalt  }
0x87: {  	_ =	shalt  }
.Lfunc_end0:
.L_simem_size_0:
called_computation.3_lowered:
.L_overlay_start_0:
0x88: {  	s2 =	sld [smem:$0x3FD9]  }
0x89: {  	s3 =	sld [smem:$0x3FFE];
	_ =	sdelay $0x1  }
0x8a: {  	s1 =	srdreg.scid  }
0x8b: {  	s0 =	sand.u32 $0x1, s1  }
0x8c: {  	s16 =	sshll.u32 s0, $0xA;
	s2 =	sadd.s32 s3, s2  }
0x8d: {  	s2 =	sadd.s32 s2, s16  }
0x8e: {  	[smem:$0x3FBB] =	sst s2  }
0x8f: {  	_ = 	snop  }
0x90: {  	(tm) =	ssettm $0x1  }
0x91: {  	s17 =	sld [smem:$0x3FFB];
	_ =	sdelay $0x3  }
0x92: {  	_ =	strace s17  }
0x93: {  	s2 =	sld [smem:$0x3FFC];
	_ =	sdelay $0x3  }
0x94: {  	_ =	strace s2  }
0x95: {  	s2 =	sld [smem:$0x3FFD];
	_ =	sdelay $0x3  }
0x96: {  	_ =	strace s2  }
0x97: {  	_ =	strace $0x8FFFFFFF  }
0x98: {  	s18 =	sld [smem:$0x3FDB];
	_ =	sdelay $0x1  }
0x99: {  	s19 =	simm.s32 $_scs_section_size  }
0x9a: {  	s4 =	simm.s32 $_size__tile_overlayer_lowered;
	s5 =	simm.s32 $_tile_overlayer_lowered  }
0x9b: {  	s22 =	simm.s32 $0x1BFF;
	s21 =	sshll.u32 s5, $0x1;
	s2 =	sadd.s32 s19, s18  }
0x9c: {  	s6 =	simm.s32 $0x0;
	s20 =	sshll.u32 s4, $0x1;
	s4 =	sadd.s32 s21, s2  }
0x9d: {  	[timem:s6], [sflag:s22] =	dma.local [hbm:s4], s20  }
0x9e: {  	_ =	swait.ge [sflag:s22], s20  }
0x9f: {  	s3 =	ssub.s32 $0x0, s20;
	[sflag:s22] =	ssyncset.done $0x0  }
0xa0: {  	[sflag:s22] =	ssyncadd.s32 s3;
	_ =	sdelay $0x1  }
0xa1: {  	s23 =	simm.s32 $0x1B8B  }
0xa2: {  	_ =	swait.ge [sflag:s23], $0x1  }
0xa3: {  	[sflag:s23] =	ssyncset.done $0x0  }
0xa4: {  	s25 =	simm.s32 $0x1B8E;
	s24 =	sld [smem:$0x3FFE];
	[sflag:s23] =	ssyncadd.s32 $0xFFFFFFFF  }
0xa5: {  	s26 =	simm.s32 $execute0_lowered;
	[smem:$0x3FD2] =	sst s25  }
0xa6: {  	s4 =	sshll.u32 s26, $0x1;
	_ =	strace $0x8000004F;
	[dreg:$0x1] =	wrdreg $0xFFFFFFFF  }
0xa7: {  	s28 =	simm.s32 $_size_execute0_lowered;
	s2 =	sadd.s32 s2, s4;
	[dreg:$0x0] =	wrdreg $0x0  }
0xa8: {  	s4 =	sshll.u32 s28, $0x1;
	[dreg:$0x2] =	wrdreg s2  }
0xa9: {  	[dreg:$0x3] =	wrdreg s4  }
0xaa: {  	[dreg:$0x4] =	wrdreg $0xC0  }
0xab: {  	_ =	task [dreg:s6], $0x5FFFF  }
0xac: {  	[dreg:$0x1] =	wrdreg $0xFFFFFFFF  }
0xad: {  	[dreg:$0x0] =	wrdreg $0x60  }
0xae: {  	[dreg:$0x2] =	wrdreg s24  }
0xaf: {  	[dreg:$0x3] =	wrdreg $0x150000  }
0xb0: {  	[dreg:$0x4] =	wrdreg $0xB0000  }
0xb1: {  	[dreg:$0x5] =	wrdreg $0x9  }
0xb2: {  	_ =	task.clear_ibuf [dreg:s6], $0x6FFFF;
	_ =	strace $0x9000004F  }
0xb3: {  	s29 =	simm.s32 $0x9;
	_ =	strace $0x80000051  }
0xb4: {  	_ =	swait.ge [sflag:s29], $0x1  }
0xb5: {  	[sflag:s29] =	ssyncadd.s32 $0xFFFFFFFF  }
0xb6: {  	_ =	strace $0x90000051  }
0xb7: {  	_ =	sfence  }
0xb8: {  	s30 =	sld [smem:$0x0];
	_ =	sdelay $0x2  }
0xb9: {  	s31 =	sshll.u32 s1, $0xD;
	s1 =	sshrl.u32 s1, $0x2  }
0xba: {  	s3 =	sand.u32 $0x4000, s31;
	s1 =	sadd.s32 s1, s30  }
0xbb: {  	s0 =	sor.u32 s3, s0;
	s1 =	sshll.u32 s1, $0x11  }
0xbc: {  	s0 =	sor.u32 s1, s0  }
0xbd: {  	s0 =	sadd.s32 $0x8F2B, s0  }
0xbe: {  	[sflag:s0] =	ssyncadd.remote.s32 $0x1  }
0xbf: {  	_ =	sfence.sel $0xFFFF  }
0xc0: {  	[dreg:$0x0] =	wrdreg $0xFFFFFFFF;
	(pc) =	sbr.abs _section_cstart, $3  }
0xc1: {  	[dreg:$0x1] =	wrdreg $0xFFFFFFFF  }
0xc2: {  	_ =	task.clear_ibuf [dreg:s6], $0x2FFFF;
	_ =	strace $0x9FFFFFFF  }
0xc3: {  	(tm) =	ssettm $0x7FFFFFFF  }
tec
execute0_lowered:
.L_overlay_start_1:
0x0: {  	(tag) =	ssettag $0x1  }
0x1: {  	s0 =	rddreg [dreg:$0x0]  }
0x2: {  	s12 =	stileid.u32;
	s2 =	rddreg [dreg:$0x1]  }
0x3: {  	s1 =	srdreg.scid;
	s3 =	rddreg [dreg:$0x2];
	s4 =	simm.s32 $0x0  }
0x4: {  	s16 =	simm.s32 $0x2800;
	s17 =	simm.s32 $0x1;
	s18 =	simm.s32 $0x2  }
0x5: {  	s19 =	simm.s32 $0x3;
	s20 =	simm.s32 $0x4;
	s6 =	smul.u32 $0xA000, s12  }
0x6: {  	s21 =	simm.s32 $0x80;
	s22 =	simm.s32 $0x5000;
	s7 =	smul.u32 $0x2800, s12  }
0x7: {  	s23 =	simm.s32 $0x7000;
	s29 =	simm.s32 $0x5;
	s25 =	smul.u32 $0x9C40, s12  }
0x8: {  	s30 =	simm.s32 $0x6;
	s1 =	sand.u32 $0x1, s1;
	s11 =	smul.u32 $0x27100, s12  }
0x9: {  	s24 =	simm.s32 $0x4F80;
	s28 =	simm.s32 $0x0;
	s5 =	smul.u32 $0x28000, s1  }
0xa: {  	[smem:$0x7FF] =	sst s4;
	s8 =	smul.u32 $0x9C400, s1;
	s1 =	ssub.s32 $0x2, s1  }
0xb: {  	_ =	strace $0x80000050;
	s9 =	sshrl.u32 s6, $0x3;
	s31 =	sshrl.u32 s1, $0x1  }
0xc: {  	s13 =	sadd.s32 s6, s2;
	s6 =	sshll.u32 s12, $0x6;
	s11 =	sshrl.u32 s11, $0x2  }
0xd: {  	s5 =	sadd.s32 s7, s5;
	s9 =	sadd.s32 s9, s0;
	s26 =	sadd.s32 s25, s8  }
0xe: {  	s1 =	ssub.s32 s1, s31;
	s8 =	sor.u32 $0x1C01, s6;
	s15 =	sadd.s32 s11, s3  }
0xf: {  	s13 =	sshrl.u32 s13, $0x3;
	s14 =	sor.u32 $0x1C02, s6;
	s25 =	simm.s32 $0x9000  }
0x10: {  	s5 =	sshrl.u32 s5, $0x3;
	s7 =	sshrl.u32 s26, $0x3;
	s12 =	smax.u32 s1, $0x1  }
0x11: {  	s15 =	sshrl.u32 s15, $0x3;
	s26 =	simm.s32 $0x7;
	s10 =	sadd.s32 s5, s0  }
0x12: {  	s5 =	sadd.s32 $0xC800, s0;
	s0 =	sadd.s32 s7, s0;
	s7 =	sadd.s32 $0x20C00, s9  }
0x13: {  	s9 =	sadd.s32 $0x16C00, s10;
	s10 =	sadd.s32 $0x2800, s10;
	s11 =	sadd.s32 $0x34C00, s0  }
.LBB2_1:
0x14: {  	[spmem:s13], [sflag:s8] =	dma.local [hbm:s7], $0x1400  }
0x15: {  	[spmem:s15], [sflag:s14] =	dma.local [hbm:s5], $0x1388  }
0x16: {  	[tilespmem:s4], [sflag:$0x3] =	stream.linear.gather [hbm4b:s9+s4], $0x2800, $0x38;
	[tilespmem:$0x1F000] =	vst v63  }
0x17: {  	_ = 	snop  }
0x18: {  	[tilespmem:s16], [sflag:$0x4] =	stream.linear.gather [hbm4b:s10+s4], $0x2800, $0x38;
	[tilespmem:$0x1F000] =	vst v63  }
0x19: {  	_ =	swait.ge [sflag:s17], $0x1400  }
0x1a: {  	[sflag:s17] =	ssyncset.done $0x0  }
0x1b: {  	[sflag:s17] =	ssyncadd.s32 $0xFFFFEC00  }
0x1c: {  	_ =	swait.ge [sflag:s18], $0x1388  }
0x1d: {  	[sflag:s18] =	ssyncset.done $0x0  }
0x1e: {  	[sflag:s18] =	ssyncadd.s32 $0xFFFFEC78  }
0x1f: {  	_ =	swait.ge [sflag:s19], $0x2800  }
0x20: {  	[sflag:s19] =	ssyncset.done $0x0  }
0x21: {  	[sflag:s19] =	ssyncadd.s32 $0xFFFFD800  }
0x22: {  	_ =	swait.ge [sflag:s20], $0x2800  }
0x23: {  	[sflag:s20] =	ssyncset.done $0x0  }
0x24: {  	[sflag:s20] =	ssyncadd.s32 $0xFFFFD800  }
0x25: {  	[bflag:$0x0] =	sbarrier.arrive $0xFFFF  }
0x26: {  	[tilespmem:s22], [sflag:$0x1] =	stream.indirect.gather [spmem:s2], $0x40, s4, s21, $0xb8;
	[tilespmem:$0x1F000] =	vst v63  }
0x27: {  	_ = 	snop  }
0x28: {  	[tilespmem:s23], [sflag:$0x2] =	stream.indirect.gather [spmem:s2], $0x40, s21, s21, $0xb8;
	[tilespmem:$0x1F000] =	vst v63  }
0x29: {  	_ =	swait.ge [sflag:s17], $0x2000  }
0x2a: {  	[sflag:s17] =	ssyncset.done $0x0  }
0x2b: {  	[sflag:s17] =	ssyncadd.s32 $0xFFFFE000  }
0x2c: {  	[spmem:s3] =	stream.indirect.scatter.add.f32 [tilespmem:s22], [sflag:$0x4], $0x40, s16, s21, $0xb8;
	[tilespmem:$0x1F000] =	vst v63  }
0x2d: {  	s0 =	simm.s32 $0x100  }
0x2e: {  	[tilespmem:s25], [sflag:$0x3] =	stream.indirect.gather [spmem:s2], $0x40, s0, s21, $0xb8;
	[tilespmem:$0x1F000] =	vst v63  }
0x2f: {  	_ =	swait.ge [sflag:s18], $0x2000  }
0x30: {  	[sflag:s18] =	ssyncset.done $0x0  }
0x31: {  	s1 =	simm.s32 $0x2880;
	[sflag:s18] =	ssyncadd.s32 $0xFFFFE000  }
0x32: {  	[spmem:s3] =	stream.indirect.scatter.add.f32 [tilespmem:s23], [sflag:$0x5], $0x40, s1, s21, $0xb8;
	[tilespmem:$0x1F000] =	vst v63  }
0x33: {  	_ =	swait.ge [sflag:s20], $0x2000  }
0x34: {  	[sflag:s20] =	ssyncset.done $0x0  }
0x35: {  	s1 =	simm.s32 $0x180;
	[sflag:s20] =	ssyncadd.s32 $0xFFFFE000  }
0x36: {  	[tilespmem:s22], [sflag:$0x1] =	stream.indirect.gather [spmem:s2], $0x40, s1, s21, $0xb8;
	[tilespmem:$0x1F000] =	vst v63  }
0x37: {  	_ =	swait.ge [sflag:s19], $0x2000  }
0x38: {  	[sflag:s19] =	ssyncset.done $0x0  }
0x39: {  	s1 =	simm.s32 $0x2900;
	[sflag:s19] =	ssyncadd.s32 $0xFFFFE000  }
0x3a: {  	[spmem:s3] =	stream.indirect.scatter.add.f32 [tilespmem:s25], [sflag:$0x6], $0x40, s1, s21, $0xb8;
	[tilespmem:$0x1F000] =	vst v63  }
0x3b: {  	_ =	swait.ge [sflag:s29], $0x2000  }
0x3c: {  	[sflag:s29] =	ssyncset.done $0x0  }
0x3d: {  	s0 =	simm.s32 $0x200;
	[sflag:s29] =	ssyncadd.s32 $0xFFFFE000  }
0x3e: {  	[tilespmem:s23], [sflag:$0x2] =	stream.indirect.gather [spmem:s2], $0x40, s0, s21, $0xb8;
	[tilespmem:$0x1F000] =	vst v63  }
0x3f: {  	_ =	swait.ge [sflag:s17], $0x2000  }
0x40: {  	[sflag:s17] =	ssyncset.done $0x0  }
0x41: {  	s0 =	simm.s32 $0x2980;
	[sflag:s17] =	ssyncadd.s32 $0xFFFFE000  }
0x42: {  	[spmem:s3] =	stream.indirect.scatter.add.f32 [tilespmem:s22], [sflag:$0x4], $0x40, s0, s21, $0xb8;
	[tilespmem:$0x1F000] =	vst v63  }
0x43: {  	_ =	swait.ge [sflag:s30], $0x2000  }
0x44: {  	[sflag:s30] =	ssyncset.done $0x0  }
0x45: {  	s0 =	simm.s32 $0x280;
	[sflag:s30] =	ssyncadd.s32 $0xFFFFE000  }
0x46: {  	[tilespmem:s25], [sflag:$0x3] =	stream.indirect.gather [spmem:s2], $0x40, s0, s21, $0xb8;
	[tilespmem:$0x1F000] =	vst v63  }
0x47: {  	_ =	swait.ge [sflag:s18], $0x2000  }
0x48: {  	[sflag:s18] =	ssyncset.done $0x0  }
0x49: {  	s0 =	simm.s32 $0x2A00;
	[sflag:s18] =	ssyncadd.s32 $0xFFFFE000  }
0x4a: {  	[spmem:s3] =	stream.indirect.scatter.add.f32 [tilespmem:s23], [sflag:$0x5], $0x40, s0, s21, $0xb8;
	[tilespmem:$0x1F000] =	vst v63  }
0x4b: {  	_ =	swait.ge [sflag:s20], $0x2000  }
0x4c: {  	[sflag:s20] =	ssyncset.done $0x0  }
0x4d: {  	s31 =	simm.s32 $0x600;
	s1 =	simm.s32 $0x300;
	[sflag:s20] =	ssyncadd.s32 $0xFFFFE000  }
.LBB2_2:
0x4e: {  	[tilespmem:s22], [sflag:$0x1] =	stream.indirect.gather [spmem:s2], $0x40, s1, s21, $0xb8;
	[tilespmem:$0x1F000] =	vst v63  }
0x4f: {  	s1 =	smov.u32 s31  }
0x50: {  	p0 =	sne.s32 s31, $0x9000;
	s31 =	sadd.s32 $0x600, s31;
	_ =	swait.ge [sflag:s19], $0x2000  }
0x51: {  	s1 =	sshra.s32 s1, $0x2;
	[sflag:s19] =	ssyncset.done $0x0  }
0x52: {  	s0 =	sadd.s32 $0x2900, s1;
	[sflag:s19] =	ssyncadd.s32 $0xFFFFE000  }
0x53: {  	[spmem:s3] =	stream.indirect.scatter.add.f32 [tilespmem:s25], [sflag:$0x6], $0x40, s0, s21, $0xb8;
	[tilespmem:$0x1F000] =	vst v63  }
0x54: {  	_ =	swait.ge [sflag:s29], $0x2000  }
0x55: {  	[sflag:s29] =	ssyncset.done $0x0  }
0x56: {  	s0 =	sadd.s32 $0x200, s1;
	[sflag:s29] =	ssyncadd.s32 $0xFFFFE000  }
0x57: {  	[tilespmem:s23], [sflag:$0x2] =	stream.indirect.gather [spmem:s2], $0x40, s0, s21, $0xb8;
	[tilespmem:$0x1F000] =	vst v63  }
0x58: {  	_ =	swait.ge [sflag:s17], $0x2000  }
0x59: {  	[sflag:s17] =	ssyncset.done $0x0  }
0x5a: {  	s0 =	sadd.s32 $0x2980, s1;
	[sflag:s17] =	ssyncadd.s32 $0xFFFFE000  }
0x5b: {  	[spmem:s3] =	stream.indirect.scatter.add.f32 [tilespmem:s22], [sflag:$0x4], $0x40, s0, s21, $0xb8;
	[tilespmem:$0x1F000] =	vst v63  }
0x5c: {  	_ =	swait.ge [sflag:s30], $0x2000  }
0x5d: {  	[sflag:s30] =	ssyncset.done $0x0  }
0x5e: {  	s0 =	sadd.s32 $0x280, s1;
	[sflag:s30] =	ssyncadd.s32 $0xFFFFE000  }
0x5f: {  	[tilespmem:s25], [sflag:$0x3] =	stream.indirect.gather [spmem:s2], $0x40, s0, s21, $0xb8;
	[tilespmem:$0x1F000] =	vst v63  }
0x60: {  	_ =	swait.ge [sflag:s18], $0x2000  }
0x61: {  	[sflag:s18] =	ssyncset.done $0x0  }
.Ltmp0:
0x62: {  	s0 =	sadd.s32 $0x2A00, s1;
	[sflag:s18] =	ssyncadd.s32 $0xFFFFE000;
	(pc) =	sbr.rel @p0 .LBB2_2-.Ltmp0, $4  }
0x63: {  	[spmem:s3] =	stream.indirect.scatter.add.f32 [tilespmem:s23], [sflag:$0x5], $0x40, s0, s21, $0xb8;
	[tilespmem:$0x1F000] =	vst v63  }
0x64: {  	_ =	swait.ge [sflag:s20], $0x2000  }
0x65: {  	[sflag:s20] =	ssyncset.done $0x0  }
0x66: {  	s1 =	sadd.s32 $0x300, s1;
	[sflag:s20] =	ssyncadd.s32 $0xFFFFE000  }
0x67: {  	[tilespmem:s22], [sflag:$0x1] =	stream.indirect.gather [spmem:s2], $0x40, s1, s21, $0xb8;
	[tilespmem:$0x1F000] =	vst v63  }
0x68: {  	_ =	swait.ge [sflag:s19], $0x2000  }
0x69: {  	[sflag:s19] =	ssyncset.done $0x0  }
0x6a: {  	s0 =	simm.s32 $0x4E80;
	[sflag:s19] =	ssyncadd.s32 $0xFFFFE000  }
0x6b: {  	[spmem:s3] =	stream.indirect.scatter.add.f32 [tilespmem:s25], [sflag:$0x6], $0x40, s0, s21, $0xb8;
	[tilespmem:$0x1F000] =	vst v63  }
0x6c: {  	_ =	swait.ge [sflag:s29], $0x2000  }
0x6d: {  	[sflag:s29] =	ssyncset.done $0x0  }
0x6e: {  	s31 =	simm.s32 $0x2780;
	[sflag:s29] =	ssyncadd.s32 $0xFFFFE000  }
0x6f: {  	[tilespmem:s23], [sflag:$0x2] =	stream.indirect.gather [spmem:s2], $0x40, s31, s21, $0xb8;
	[tilespmem:$0x1F000] =	vst v63  }
0x70: {  	_ =	swait.ge [sflag:s17], $0x2000  }
0x71: {  	[sflag:s17] =	ssyncset.done $0x0  }
0x72: {  	s1 =	simm.s32 $0x4F00;
	[sflag:s17] =	ssyncadd.s32 $0xFFFFE000  }
0x73: {  	[spmem:s3] =	stream.indirect.scatter.add.f32 [tilespmem:s22], [sflag:$0x4], $0x40, s1, s21, $0xb8;
	[tilespmem:$0x1F000] =	vst v63  }
0x74: {  	_ =	swait.ge [sflag:s18], $0x2000  }
0x75: {  	[sflag:s18] =	ssyncset.done $0x0  }
0x76: {  	[sflag:s18] =	ssyncadd.s32 $0xFFFFE000  }
0x77: {  	[spmem:s3] =	stream.indirect.scatter.add.f32 [tilespmem:s23], [sflag:$0x5], $0x40, s24, s21, $0xb8;
	[tilespmem:$0x1F000] =	vst v63  }
0x78: {  	_ =	swait.ge [sflag:s30], $0x2000  }
0x79: {  	[sflag:s30] =	ssyncset.done $0x0  }
0x7a: {  	[sflag:s30] =	ssyncadd.s32 $0xFFFFE000  }
0x7b: {  	_ =	swait.ge [sflag:s20], $0x2000  }
0x7c: {  	[sflag:s20] =	ssyncset.done $0x0  }
0x7d: {  	[sflag:s20] =	ssyncadd.s32 $0xFFFFE000  }
0x7e: {  	_ =	swait.ge [sflag:s29], $0x2000  }
0x7f: {  	s28 =	sadd.s32 $0x1, s28;
	[sflag:s29] =	ssyncset.done $0x0  }
0x80: {  	p0 =	sne.s32 s28, s12;
	[sflag:s29] =	ssyncadd.s32 $0xFFFFE000  }
.Ltmp1:
0x81: {  	s31 =	sor.u32 $0x1C07, s6;
	[bflag:$0x0] =	sbarrier.arrive $0xFFFF;
	(pc) =	sbr.rel @p0 .LBB2_1-.Ltmp1, $4  }
0x82: {  	[hbm:s11], [sflag:s31] =	dma.local [spmem:s15], $0x1388  }
0x83: {  	_ =	swait.ge [sflag:s26], $0x1388  }
0x84: {  	[sflag:s26] =	ssyncset.done $0x0  }
0x85: {  	[sflag:s26] =	ssyncadd.s32 $0xFFFFEC78  }
0x86: {  	_ =	sfence.sel $0x180000  }
0x87: {  	[bflag:$0x0] =	sbarrier.arrive $0xFFFF  }
0x88: {  	_ =	strace $0x90000050  }
0x89: {  	s0 =	stileid.u32;
	[bflag:$0x2] =	sbarrier.arrive $0xFFFF  }
0x8a: {  	p0 =	sne.s32 s0, $0x0;
	s0 =	rddreg [dreg:$0x3]  }
0x8b: {  	s0 =	sadd.s32 @!p0 $0x100000, s0  }
0x8c: {  	[sflag:s0] =	ssyncadd.tile.s32 @!p0 $0x1;
	_ =	shalt  }
.Lfunc_end2:
_tile_overlayer_lowered:
.L_overlay_start_2:
0x8d: {  	(tag) =	ssettag $0x2  }
0x8e: {  	s0 =	rddreg [dreg:$0x0];
	s2 =	stileid.u32  }
0x8f: {  	s1 =	rddreg [dreg:$0x1];
	p0 =	sne.s32 s2, $0x0  }
0x90: {  	s3 =	rddreg [dreg:$0x2];
	[bflag:$0x3] =	sbarrier.arrive $0xFFFF;
	s2 =	simm.s32 @!p0 $0x1C07  }
0x91: {  	[timem:s3], [sflag:s2] =	dma.local @!p0 [hbm:s0], s1  }
0x92: {  	s0 =	simm.s32 @!p0 $0x7  }
0x93: {  	_ =	swait.ge @!p0 [sflag:s0], s1  }
0x94: {  	s1 =	ssub.s32 @!p0 $0x0, s1;
	[sflag:s0] =	ssyncset.done @!p0 $0x0  }
0x95: {  	[sflag:s0] =	ssyncadd.s32 @!p0 s1  }
0x96: {  	[bflag:$0x3] =	sbarrier.arrive $0xFFFF  }
0x97: {  	_ =	shalt  }

</sc_bundles>
